<compile_context>
chip_gen: v7x
topology: tpu7x:2x2x1
jax: 0.10.2.dev20260603
libtpu: 0.0.44.dev20260713+nightly
codegen_flags: <defaults>
</compile_context>

<pallas_src>
import functools

import jax
import jax.numpy as jnp
from jax import lax
from jax.experimental import pallas as pl
from jax.experimental.pallas import tpu as pltpu
from jax.experimental.pallas import tpu_sc as plsc

B, S, D = 4, 8192, 1024
_INFO = plsc.get_sparse_core_info()
NC, NS, L = _INFO.num_cores, _INFO.num_subcores, _INFO.num_lanes
NW = NC * NS
S_PER_W = S // NW
R = 8
CHUNK = R * D
W = S_PER_W // R


def _sc_body(x_hbm, t_hbm, o_hbm, bufs, sems):
    xbufs, tbufs = bufs[:8], bufs[8:]
    xsems, tsems = sems[:8], sems[8:]
    wid = lax.axis_index("s") * NC + lax.axis_index("c")
    base = wid * S_PER_W * D

    def start_t(c, p):
        pltpu.async_copy(t_hbm.at[pl.ds(base + c * CHUNK, CHUNK)], tbufs[p], tsems[p])

    def start_in(c, b, i):
        pltpu.async_copy(x_hbm.at[b, pl.ds(base + c * CHUNK, CHUNK)], xbufs[i], xsems[i])

    def start_out(c, b, i):
        pltpu.async_copy(xbufs[i], o_hbm.at[b, pl.ds(base + c * CHUNK, CHUNK)], xsems[i])

    def wait_x(i):
        pltpu.make_async_copy(t_hbm.at[pl.ds(base, CHUNK)], xbufs[i], xsems[i]).wait()

    def wait_t(p):
        pltpu.make_async_copy(t_hbm.at[pl.ds(base, CHUNK)], tbufs[p], tsems[p]).wait()

    def compute(p, i):
        @plsc.parallel_loop(0, CHUNK, step=L, unroll=8)
        def add_loop(v):
            plsc.addupdate(xbufs[i].at[pl.ds(v, L)], tbufs[p][pl.ds(v, L)])

    def process(c, p, refill):
        wait_t(p)
        for b in range(B):
            i = 4 * p + b
            wait_x(i)
            compute(p, i)
            start_out(c, b, i)
        if refill:
            start_t(c + 2, p)

    def refill(c, p):
        for b in range(B):
            i = 4 * p + b
            wait_x(i)
            start_in(c + 2, b, i)

    start_t(0, 0)
    for b in range(B):
        start_in(0, b, b)
    start_t(1, 1)
    for b in range(B):
        start_in(1, b, 4 + b)

    def loop_body(j, _):
        c0 = 2 * j
        process(c0, 0, True)
        process(c0 + 1, 1, True)
        refill(c0, 0)
        refill(c0 + 1, 1)
        return 0

    lax.fori_loop(0, W // 2 - 1, loop_body, 0)

    process(W - 2, 0, False)
    process(W - 1, 1, False)
    for i in range(8):
        wait_x(i)


def kernel(inputs, emb_table):
    sc_add = functools.partial(
        pl.kernel,
        out_type=jax.ShapeDtypeStruct((B, S * D), jnp.float32),
        mesh=plsc.VectorSubcoreMesh(core_axis_name="c", subcore_axis_name="s"),
        scratch_types=[
            [pltpu.VMEM((CHUNK,), jnp.float32) for _ in range(10)],
            [pltpu.SemaphoreType.DMA for _ in range(10)],
        ],
    )(_sc_body)
    out = sc_add(inputs.reshape(B, S * D), emb_table.reshape(S * D))
    return out.reshape(B, S, D)

# --- scband reference (transcript-rebuilt; emitter-appended) ---
"""Pipeline reference for scband-positional-embedding-42004780155056 (READ-ONLY COPY).

The authoritative reference and input builder live on the scoring server;
editing this copy changes nothing except your own understanding.
"""

import jax, jax.numpy as jnp
import numpy as np

SEQUENCE_LENGTH = 8192
EMBED_DIM = 1024

def setup_inputs(seed: int = 0) -> dict:
    key = jax.random.key(seed)
    k1, k2 = jax.random.split(key)
    inputs = jax.random.normal(k1, (4, 8192, 1024), dtype=jnp.float32)
    # Keras Embedding default 'uniform' initializer: U(-0.05, 0.05)
    emb_table = jax.random.uniform(k2, (SEQUENCE_LENGTH, EMBED_DIM), dtype=jnp.float32, minval=-0.05, maxval=0.05)
    return {"inputs": inputs, "emb_table": emb_table}

def reference(inputs, emb_table):
    # positions = range(seq_len); gather rows of the position-embedding table
    seq_len = inputs.shape[-2]
    positions = jnp.arange(seq_len, dtype=jnp.int32)
    pos_emb = jnp.take(emb_table, positions, axis=0)  # [S, D]
    # broadcast to input shape and add
    pos_emb_b = jnp.broadcast_to(pos_emb, inputs.shape)
    return inputs + pos_emb_b

if __name__ == "__main__":
    import jax
    _d = setup_inputs()
    print(jax.jit(kernel)(*tuple(_d.values())))

</pallas_src>

<mosaic_0001>
#map = affine_map<(d0, d1) -> (0, 0)>
#map1 = affine_map<(d0, d1) -> (0)>
module attributes {stable_mosaic.version = 14 : i64} {
  func.func @_sc_body(%arg0: i32, %arg1: i32, %arg2: memref<4x8388608xf32, #tpu.memory_space<hbm>>, %arg3: memref<8388608xf32, #tpu.memory_space<hbm>>, %arg4: memref<4x8388608xf32, #tpu.memory_space<hbm>>, %arg5: memref<8192xf32, #tpu.memory_space<vmem>>, %arg6: memref<8192xf32, #tpu.memory_space<vmem>>, %arg7: memref<8192xf32, #tpu.memory_space<vmem>>, %arg8: memref<8192xf32, #tpu.memory_space<vmem>>, %arg9: memref<8192xf32, #tpu.memory_space<vmem>>, %arg10: memref<8192xf32, #tpu.memory_space<vmem>>, %arg11: memref<8192xf32, #tpu.memory_space<vmem>>, %arg12: memref<8192xf32, #tpu.memory_space<vmem>>, %arg13: memref<8192xf32, #tpu.memory_space<vmem>>, %arg14: memref<8192xf32, #tpu.memory_space<vmem>>, %arg15: memref<!tpu.dma_semaphore, #tpu.memory_space<semaphore_mem>>, %arg16: memref<!tpu.dma_semaphore, #tpu.memory_space<semaphore_mem>>, %arg17: memref<!tpu.dma_semaphore, #tpu.memory_space<semaphore_mem>>, %arg18: memref<!tpu.dma_semaphore, #tpu.memory_space<semaphore_mem>>, %arg19: memref<!tpu.dma_semaphore, #tpu.memory_space<semaphore_mem>>, %arg20: memref<!tpu.dma_semaphore, #tpu.memory_space<semaphore_mem>>, %arg21: memref<!tpu.dma_semaphore, #tpu.memory_space<semaphore_mem>>, %arg22: memref<!tpu.dma_semaphore, #tpu.memory_space<semaphore_mem>>, %arg23: memref<!tpu.dma_semaphore, #tpu.memory_space<semaphore_mem>>, %arg24: memref<!tpu.dma_semaphore, #tpu.memory_space<semaphore_mem>>) attributes {dimension_semantics = [#tpu.dimension_semantics<core_parallel>, #tpu.dimension_semantics<subcore_parallel>], iteration_bounds = array<i64: 2, 16>, scalar_prefetch = 0 : i64, scratch_operands = 20 : i64, tpu.core_type = #tpu.core_type<sc_vector_subcore>, window_params = [{transform_indices = #map}, {transform_indices = #map1}, {transform_indices = #map}]} {
    %mul3A = arith.constant 2 : i32
    %mul3A_0 = arith.muli %arg1, %mul3A : i32
    %add3A = arith.addi %mul3A_0, %arg0 : i32
    %mul3A_1 = arith.constant 256 : i32
    %mul3A_2 = arith.muli %add3A, %mul3A_1 : i32
    %mul3A_3 = arith.constant 1024 : i32
    %mul3A_4 = arith.muli %mul3A_2, %mul3A_3 : i32
    %add3A_5 = arith.constant 0 : i32
    %add3A_6 = arith.addi %mul3A_4, %add3A_5 : i32
    %dma_start3A = tpu.memref_slice %arg3[%add3A_6] : memref<8388608xf32, #tpu.memory_space<hbm>> -> memref<8192xf32, #tpu.memory_space<hbm>>
    %dma_start3A_7 = tpu.memref_slice %arg3[%add3A_6] : memref<8388608xf32, #tpu.memory_space<hbm>> -> memref<8192xf32, #tpu.memory_space<hbm>>
    tpu.enqueue_dma source(%dma_start3A_7 : memref<8192xf32, #tpu.memory_space<hbm>>) target(%arg13 : memref<8192xf32, #tpu.memory_space<vmem>>) target_semaphore(%arg23 : memref<!tpu.dma_semaphore, #tpu.memory_space<semaphore_mem>>)
    %add3A_8 = arith.constant 0 : i32
    %add3A_9 = arith.addi %mul3A_4, %add3A_8 : i32
    %dma_start3A_10 = arith.constant 0 : i32
    %dma_start3A_11 = tpu.memref_slice %arg2[%dma_start3A_10, %add3A_9] : memref<4x8388608xf32, #tpu.memory_space<hbm>> -> memref<1x8192xf32, #tpu.memory_space<hbm>>
    %dma_start3A_12 = tpu.memref_squeeze %dma_start3A_11 : memref<1x8192xf32, #tpu.memory_space<hbm>> -> memref<8192xf32, #tpu.memory_space<hbm>>
    %dma_start3A_13 = tpu.memref_slice %arg2[%dma_start3A_10, %add3A_9] : memref<4x8388608xf32, #tpu.memory_space<hbm>> -> memref<1x8192xf32, #tpu.memory_space<hbm>>
    %dma_start3A_14 = tpu.memref_squeeze %dma_start3A_13 : memref<1x8192xf32, #tpu.memory_space<hbm>> -> memref<8192xf32, #tpu.memory_space<hbm>>
    tpu.enqueue_dma source(%dma_start3A_14 : memref<8192xf32, #tpu.memory_space<hbm>>) target(%arg5 : memref<8192xf32, #tpu.memory_space<vmem>>) target_semaphore(%arg15 : memref<!tpu.dma_semaphore, #tpu.memory_space<semaphore_mem>>)
    %add3A_15 = arith.constant 0 : i32
    %add3A_16 = arith.addi %mul3A_4, %add3A_15 : i32
    %dma_start3A_17 = arith.constant 1 : i32
    %dma_start3A_18 = tpu.memref_slice %arg2[%dma_start3A_17, %add3A_16] : memref<4x8388608xf32, #tpu.memory_space<hbm>> -> memref<1x8192xf32, #tpu.memory_space<hbm>>
    %dma_start3A_19 = tpu.memref_squeeze %dma_start3A_18 : memref<1x8192xf32, #tpu.memory_space<hbm>> -> memref<8192xf32, #tpu.memory_space<hbm>>
    %dma_start3A_20 = tpu.memref_slice %arg2[%dma_start3A_17, %add3A_16] : memref<4x8388608xf32, #tpu.memory_space<hbm>> -> memref<1x8192xf32, #tpu.memory_space<hbm>>
    %dma_start3A_21 = tpu.memref_squeeze %dma_start3A_20 : memref<1x8192xf32, #tpu.memory_space<hbm>> -> memref<8192xf32, #tpu.memory_space<hbm>>
    tpu.enqueue_dma source(%dma_start3A_21 : memref<8192xf32, #tpu.memory_space<hbm>>) target(%arg6 : memref<8192xf32, #tpu.memory_space<vmem>>) target_semaphore(%arg16 : memref<!tpu.dma_semaphore, #tpu.memory_space<semaphore_mem>>)
    %add3A_22 = arith.constant 0 : i32
    %add3A_23 = arith.addi %mul3A_4, %add3A_22 : i32
    %dma_start3A_24 = arith.constant 2 : i32
    %dma_start3A_25 = tpu.memref_slice %arg2[%dma_start3A_24, %add3A_23] : memref<4x8388608xf32, #tpu.memory_space<hbm>> -> memref<1x8192xf32, #tpu.memory_space<hbm>>
    %dma_start3A_26 = tpu.memref_squeeze %dma_start3A_25 : memref<1x8192xf32, #tpu.memory_space<hbm>> -> memref<8192xf32, #tpu.memory_space<hbm>>
    %dma_start3A_27 = tpu.memref_slice %arg2[%dma_start3A_24, %add3A_23] : memref<4x8388608xf32, #tpu.memory_space<hbm>> -> memref<1x8192xf32, #tpu.memory_space<hbm>>
    %dma_start3A_28 = tpu.memref_squeeze %dma_start3A_27 : memref<1x8192xf32, #tpu.memory_space<hbm>> -> memref<8192xf32, #tpu.memory_space<hbm>>
    tpu.enqueue_dma source(%dma_start3A_28 : memref<8192xf32, #tpu.memory_space<hbm>>) target(%arg7 : memref<8192xf32, #tpu.memory_space<vmem>>) target_semaphore(%arg17 : memref<!tpu.dma_semaphore, #tpu.memory_space<semaphore_mem>>)
    %add3A_29 = arith.constant 0 : i32
    %add3A_30 = arith.addi %mul3A_4, %add3A_29 : i32
    %dma_start3A_31 = arith.constant 3 : i32
    %dma_start3A_32 = tpu.memref_slice %arg2[%dma_start3A_31, %add3A_30] : memref<4x8388608xf32, #tpu.memory_space<hbm>> -> memref<1x8192xf32, #tpu.memory_space<hbm>>
    %dma_start3A_33 = tpu.memref_squeeze %dma_start3A_32 : memref<1x8192xf32, #tpu.memory_space<hbm>> -> memref<8192xf32, #tpu.memory_space<hbm>>
    %dma_start3A_34 = tpu.memref_slice %arg2[%dma_start3A_31, %add3A_30] : memref<4x8388608xf32, #tpu.memory_space<hbm>> -> memref<1x8192xf32, #tpu.memory_space<hbm>>
    %dma_start3A_35 = tpu.memref_squeeze %dma_start3A_34 : memref<1x8192xf32, #tpu.memory_space<hbm>> -> memref<8192xf32, #tpu.memory_space<hbm>>
    tpu.enqueue_dma source(%dma_start3A_35 : memref<8192xf32, #tpu.memory_space<hbm>>) target(%arg8 : memref<8192xf32, #tpu.memory_space<vmem>>) target_semaphore(%arg18 : memref<!tpu.dma_semaphore, #tpu.memory_space<semaphore_mem>>)
    %add3A_36 = arith.constant 8192 : i32
    %add3A_37 = arith.addi %mul3A_4, %add3A_36 : i32
    %dma_start3A_38 = tpu.memref_slice %arg3[%add3A_37] : memref<8388608xf32, #tpu.memory_space<hbm>> -> memref<8192xf32, #tpu.memory_space<hbm>>
    %dma_start3A_39 = tpu.memref_slice %arg3[%add3A_37] : memref<8388608xf32, #tpu.memory_space<hbm>> -> memref<8192xf32, #tpu.memory_space<hbm>>
    tpu.enqueue_dma source(%dma_start3A_39 : memref<8192xf32, #tpu.memory_space<hbm>>) target(%arg14 : memref<8192xf32, #tpu.memory_space<vmem>>) target_semaphore(%arg24 : memref<!tpu.dma_semaphore, #tpu.memory_space<semaphore_mem>>)
    %add3A_40 = arith.constant 8192 : i32
    %add3A_41 = arith.addi %mul3A_4, %add3A_40 : i32
    %dma_start3A_42 = arith.constant 0 : i32
    %dma_start3A_43 = tpu.memref_slice %arg2[%dma_start3A_42, %add3A_41] : memref<4x8388608xf32, #tpu.memory_space<hbm>> -> memref<1x8192xf32, #tpu.memory_space<hbm>>
    %dma_start3A_44 = tpu.memref_squeeze %dma_start3A_43 : memref<1x8192xf32, #tpu.memory_space<hbm>> -> memref<8192xf32, #tpu.memory_space<hbm>>
    %dma_start3A_45 = tpu.memref_slice %arg2[%dma_start3A_42, %add3A_41] : memref<4x8388608xf32, #tpu.memory_space<hbm>> -> memref<1x8192xf32, #tpu.memory_space<hbm>>
    %dma_start3A_46 = tpu.memref_squeeze %dma_start3A_45 : memref<1x8192xf32, #tpu.memory_space<hbm>> -> memref<8192xf32, #tpu.memory_space<hbm>>
    tpu.enqueue_dma source(%dma_start3A_46 : memref<8192xf32, #tpu.memory_space<hbm>>) target(%arg9 : memref<8192xf32, #tpu.memory_space<vmem>>) target_semaphore(%arg19 : memref<!tpu.dma_semaphore, #tpu.memory_space<semaphore_mem>>)
    %add3A_47 = arith.constant 8192 : i32
    %add3A_48 = arith.addi %mul3A_4, %add3A_47 : i32
    %dma_start3A_49 = arith.constant 1 : i32
    %dma_start3A_50 = tpu.memref_slice %arg2[%dma_start3A_49, %add3A_48] : memref<4x8388608xf32, #tpu.memory_space<hbm>> -> memref<1x8192xf32, #tpu.memory_space<hbm>>
    %dma_start3A_51 = tpu.memref_squeeze %dma_start3A_50 : memref<1x8192xf32, #tpu.memory_space<hbm>> -> memref<8192xf32, #tpu.memory_space<hbm>>
    %dma_start3A_52 = tpu.memref_slice %arg2[%dma_start3A_49, %add3A_48] : memref<4x8388608xf32, #tpu.memory_space<hbm>> -> memref<1x8192xf32, #tpu.memory_space<hbm>>
    %dma_start3A_53 = tpu.memref_squeeze %dma_start3A_52 : memref<1x8192xf32, #tpu.memory_space<hbm>> -> memref<8192xf32, #tpu.memory_space<hbm>>
    tpu.enqueue_dma source(%dma_start3A_53 : memref<8192xf32, #tpu.memory_space<hbm>>) target(%arg10 : memref<8192xf32, #tpu.memory_space<vmem>>) target_semaphore(%arg20 : memref<!tpu.dma_semaphore, #tpu.memory_space<semaphore_mem>>)
    %add3A_54 = arith.constant 8192 : i32
    %add3A_55 = arith.addi %mul3A_4, %add3A_54 : i32
    %dma_start3A_56 = arith.constant 2 : i32
    %dma_start3A_57 = tpu.memref_slice %arg2[%dma_start3A_56, %add3A_55] : memref<4x8388608xf32, #tpu.memory_space<hbm>> -> memref<1x8192xf32, #tpu.memory_space<hbm>>
    %dma_start3A_58 = tpu.memref_squeeze %dma_start3A_57 : memref<1x8192xf32, #tpu.memory_space<hbm>> -> memref<8192xf32, #tpu.memory_space<hbm>>
    %dma_start3A_59 = tpu.memref_slice %arg2[%dma_start3A_56, %add3A_55] : memref<4x8388608xf32, #tpu.memory_space<hbm>> -> memref<1x8192xf32, #tpu.memory_space<hbm>>
    %dma_start3A_60 = tpu.memref_squeeze %dma_start3A_59 : memref<1x8192xf32, #tpu.memory_space<hbm>> -> memref<8192xf32, #tpu.memory_space<hbm>>
    tpu.enqueue_dma source(%dma_start3A_60 : memref<8192xf32, #tpu.memory_space<hbm>>) target(%arg11 : memref<8192xf32, #tpu.memory_space<vmem>>) target_semaphore(%arg21 : memref<!tpu.dma_semaphore, #tpu.memory_space<semaphore_mem>>)
    %add3A_61 = arith.constant 8192 : i32
    %add3A_62 = arith.addi %mul3A_4, %add3A_61 : i32
    %dma_start3A_63 = arith.constant 3 : i32
    %dma_start3A_64 = tpu.memref_slice %arg2[%dma_start3A_63, %add3A_62] : memref<4x8388608xf32, #tpu.memory_space<hbm>> -> memref<1x8192xf32, #tpu.memory_space<hbm>>
    %dma_start3A_65 = tpu.memref_squeeze %dma_start3A_64 : memref<1x8192xf32, #tpu.memory_space<hbm>> -> memref<8192xf32, #tpu.memory_space<hbm>>
    %dma_start3A_66 = tpu.memref_slice %arg2[%dma_start3A_63, %add3A_62] : memref<4x8388608xf32, #tpu.memory_space<hbm>> -> memref<1x8192xf32, #tpu.memory_space<hbm>>
    %dma_start3A_67 = tpu.memref_squeeze %dma_start3A_66 : memref<1x8192xf32, #tpu.memory_space<hbm>> -> memref<8192xf32, #tpu.memory_space<hbm>>
    tpu.enqueue_dma source(%dma_start3A_67 : memref<8192xf32, #tpu.memory_space<hbm>>) target(%arg12 : memref<8192xf32, #tpu.memory_space<vmem>>) target_semaphore(%arg22 : memref<!tpu.dma_semaphore, #tpu.memory_space<semaphore_mem>>)
    %scan3A = arith.constant 0 : i32
    %scan3A_68 = arith.constant 0 : i32
    %scan3A_69 = arith.constant 15 : i32
    %scan3A_70 = arith.addi %scan3A_68, %scan3A_69 : i32
    %scan3A_71 = arith.constant 1 : i32
    %scan3A_72 = scf.for %scan3A_188 = %scan3A_68 to %scan3A_70 step %scan3A_71 iter_args(%scan3A_189 = %scan3A) -> (i32)  : i32 {
      %mul3A_190 = arith.constant 2 : i32
      %mul3A_191 = arith.muli %mul3A_190, %scan3A_188 : i32
      %dma_wait3A_192 = tpu.memref_slice %arg3[%mul3A_4] : memref<8388608xf32, #tpu.memory_space<hbm>> -> memref<8192xf32, #tpu.memory_space<hbm>>
      %dma_wait3A_193 = tpu.memref_slice %arg3[%mul3A_4] : memref<8388608xf32, #tpu.memory_space<hbm>> -> memref<8192xf32, #tpu.memory_space<hbm>>
      tpu.wait_dma2 semaphore(%arg23 : memref<!tpu.dma_semaphore, #tpu.memory_space<semaphore_mem>>) src(%dma_wait3A_193 : memref<8192xf32, #tpu.memory_space<hbm>>) dst(%arg13 : memref<8192xf32, #tpu.memory_space<vmem>>)
      %dma_wait3A_194 = tpu.memref_slice %arg3[%mul3A_4] : memref<8388608xf32, #tpu.memory_space<hbm>> -> memref<8192xf32, #tpu.memory_space<hbm>>
      %dma_wait3A_195 = tpu.memref_slice %arg3[%mul3A_4] : memref<8388608xf32, #tpu.memory_space<hbm>> -> memref<8192xf32, #tpu.memory_space<hbm>>
      tpu.wait_dma2 semaphore(%arg15 : memref<!tpu.dma_semaphore, #tpu.memory_space<semaphore_mem>>) src(%dma_wait3A_195 : memref<8192xf32, #tpu.memory_space<hbm>>) dst(%arg5 : memref<8192xf32, #tpu.memory_space<vmem>>)
      %parallel_loop3A_196 = arith.constant 0 : i32
      %parallel_loop3A_197 = arith.constant 8192 : i32
      %parallel_loop3A_198 = arith.constant 16 : i32
      scf.for %parallel_loop3A_415 = %parallel_loop3A_196 to %parallel_loop3A_197 step %parallel_loop3A_198  : i32 {
        %parallel_loop3A_416 = arith.index_cast %parallel_loop3A_415 : i32 to index
        %parallel_loop3A_417 = tpu.vector_load %arg13[%parallel_loop3A_416] {strides = array<i32>} : memref<8192xf32, #tpu.memory_space<vmem>>, vector<16xf32>,
        %parallel_loop3A_418 = vector.shape_cast %parallel_loop3A_417 : vector<16xf32> to vector<16xf32>
        %parallel_loop3A_419 = arith.index_cast %parallel_loop3A_415 : i32 to index
        %parallel_loop3A_420 = tpu.vector_load %arg5[%parallel_loop3A_419] {strides = array<i32>} : memref<8192xf32, #tpu.memory_space<vmem>>, vector<16xf32>,
        %parallel_loop3A_421 = vector.shape_cast %parallel_loop3A_420 : vector<16xf32> to vector<16xf32>
        %parallel_loop3A_422 = vector.shape_cast %parallel_loop3A_418 : vector<16xf32> to vector<16xf32>
        tpu.vector_store %arg5[%parallel_loop3A_419], %parallel_loop3A_422 {add = true, strides = array<i32>} : memref<8192xf32, #tpu.memory_space<vmem>>, vector<16xf32>,
      } {sc.loop_unroll_factor = 8 : i64, sc.parallel_access}
      %mul3A_199 = arith.constant 8192 : i32
      %mul3A_200 = arith.muli %mul3A_191, %mul3A_199 : i32
      %add3A_201 = arith.addi %mul3A_4, %mul3A_200 : i32
      %dma_start3A_202 = arith.constant 0 : i32
      %dma_start3A_203 = tpu.memref_slice %arg4[%dma_start3A_202, %add3A_201] : memref<4x8388608xf32, #tpu.memory_space<hbm>> -> memref<1x8192xf32, #tpu.memory_space<hbm>>
      %dma_start3A_204 = tpu.memref_squeeze %dma_start3A_203 : memref<1x8192xf32, #tpu.memory_space<hbm>> -> memref<8192xf32, #tpu.memory_space<hbm>>
      %dma_start3A_205 = tpu.memref_slice %arg4[%dma_start3A_202, %add3A_201] : memref<4x8388608xf32, #tpu.memory_space<hbm>> -> memref<1x8192xf32, #tpu.memory_space<hbm>>
      %dma_start3A_206 = tpu.memref_squeeze %dma_start3A_205 : memref<1x8192xf32, #tpu.memory_space<hbm>> -> memref<8192xf32, #tpu.memory_space<hbm>>
      tpu.enqueue_dma source(%arg5 : memref<8192xf32, #tpu.memory_space<vmem>>) target(%dma_start3A_206 : memref<8192xf32, #tpu.memory_space<hbm>>) target_semaphore(%arg15 : memref<!tpu.dma_semaphore, #tpu.memory_space<semaphore_mem>>)
      %dma_wait3A_207 = tpu.memref_slice %arg3[%mul3A_4] : memref<8388608xf32, #tpu.memory_space<hbm>> -> memref<8192xf32, #tpu.memory_space<hbm>>
      %dma_wait3A_208 = tpu.memref_slice %arg3[%mul3A_4] : memref<8388608xf32, #tpu.memory_space<hbm>> -> memref<8192xf32, #tpu.memory_space<hbm>>
      tpu.wait_dma2 semaphore(%arg16 : memref<!tpu.dma_semaphore, #tpu.memory_space<semaphore_mem>>) src(%dma_wait3A_208 : memref<8192xf32, #tpu.memory_space<hbm>>) dst(%arg6 : memref<8192xf32, #tpu.memory_space<vmem>>)
      %parallel_loop3A_209 = arith.constant 0 : i32
      %parallel_loop3A_210 = arith.constant 8192 : i32
      %parallel_loop3A_211 = arith.constant 16 : i32
      scf.for %parallel_loop3A_415 = %parallel_loop3A_209 to %parallel_loop3A_210 step %parallel_loop3A_211  : i32 {
        %parallel_loop3A_416 = arith.index_cast %parallel_loop3A_415 : i32 to index
        %parallel_loop3A_417 = tpu.vector_load %arg13[%parallel_loop3A_416] {strides = array<i32>} : memref<8192xf32, #tpu.memory_space<vmem>>, vector<16xf32>,
        %parallel_loop3A_418 = vector.shape_cast %parallel_loop3A_417 : vector<16xf32> to vector<16xf32>
        %parallel_loop3A_419 = arith.index_cast %parallel_loop3A_415 : i32 to index
        %parallel_loop3A_420 = tpu.vector_load %arg6[%parallel_loop3A_419] {strides = array<i32>} : memref<8192xf32, #tpu.memory_space<vmem>>, vector<16xf32>,
        %parallel_loop3A_421 = vector.shape_cast %parallel_loop3A_420 : vector<16xf32> to vector<16xf32>
        %parallel_loop3A_422 = vector.shape_cast %parallel_loop3A_418 : vector<16xf32> to vector<16xf32>
        tpu.vector_store %arg6[%parallel_loop3A_419], %parallel_loop3A_422 {add = true, strides = array<i32>} : memref<8192xf32, #tpu.memory_space<vmem>>, vector<16xf32>,
      } {sc.loop_unroll_factor = 8 : i64, sc.parallel_access}
      %mul3A_212 = arith.constant 8192 : i32
      %mul3A_213 = arith.muli %mul3A_191, %mul3A_212 : i32
      %add3A_214 = arith.addi %mul3A_4, %mul3A_213 : i32
      %dma_start3A_215 = arith.constant 1 : i32
      %dma_start3A_216 = tpu.memref_slice %arg4[%dma_start3A_215, %add3A_214] : memref<4x8388608xf32, #tpu.memory_space<hbm>> -> memref<1x8192xf32, #tpu.memory_space<hbm>>
      %dma_start3A_217 = tpu.memref_squeeze %dma_start3A_216 : memref<1x8192xf32, #tpu.memory_space<hbm>> -> memref<8192xf32, #tpu.memory_space<hbm>>
      %dma_start3A_218 = tpu.memref_slice %arg4[%dma_start3A_215, %add3A_214] : memref<4x8388608xf32, #tpu.memory_space<hbm>> -> memref<1x8192xf32, #tpu.memory_space<hbm>>
      %dma_start3A_219 = tpu.memref_squeeze %dma_start3A_218 : memref<1x8192xf32, #tpu.memory_space<hbm>> -> memref<8192xf32, #tpu.memory_space<hbm>>
      tpu.enqueue_dma source(%arg6 : memref<8192xf32, #tpu.memory_space<vmem>>) target(%dma_start3A_219 : memref<8192xf32, #tpu.memory_space<hbm>>) target_semaphore(%arg16 : memref<!tpu.dma_semaphore, #tpu.memory_space<semaphore_mem>>)
      %dma_wait3A_220 = tpu.memref_slice %arg3[%mul3A_4] : memref<8388608xf32, #tpu.memory_space<hbm>> -> memref<8192xf32, #tpu.memory_space<hbm>>
      %dma_wait3A_221 = tpu.memref_slice %arg3[%mul3A_4] : memref<8388608xf32, #tpu.memory_space<hbm>> -> memref<8192xf32, #tpu.memory_space<hbm>>
      tpu.wait_dma2 semaphore(%arg17 : memref<!tpu.dma_semaphore, #tpu.memory_space<semaphore_mem>>) src(%dma_wait3A_221 : memref<8192xf32, #tpu.memory_space<hbm>>) dst(%arg7 : memref<8192xf32, #tpu.memory_space<vmem>>)
      %parallel_loop3A_222 = arith.constant 0 : i32
      %parallel_loop3A_223 = arith.constant 8192 : i32
      %parallel_loop3A_224 = arith.constant 16 : i32
      scf.for %parallel_loop3A_415 = %parallel_loop3A_222 to %parallel_loop3A_223 step %parallel_loop3A_224  : i32 {
        %parallel_loop3A_416 = arith.index_cast %parallel_loop3A_415 : i32 to index
        %parallel_loop3A_417 = tpu.vector_load %arg13[%parallel_loop3A_416] {strides = array<i32>} : memref<8192xf32, #tpu.memory_space<vmem>>, vector<16xf32>,
        %parallel_loop3A_418 = vector.shape_cast %parallel_loop3A_417 : vector<16xf32> to vector<16xf32>
        %parallel_loop3A_419 = arith.index_cast %parallel_loop3A_415 : i32 to index
        %parallel_loop3A_420 = tpu.vector_load %arg7[%parallel_loop3A_419] {strides = array<i32>} : memref<8192xf32, #tpu.memory_space<vmem>>, vector<16xf32>,
        %parallel_loop3A_421 = vector.shape_cast %parallel_loop3A_420 : vector<16xf32> to vector<16xf32>
        %parallel_loop3A_422 = vector.shape_cast %parallel_loop3A_418 : vector<16xf32> to vector<16xf32>
        tpu.vector_store %arg7[%parallel_loop3A_419], %parallel_loop3A_422 {add = true, strides = array<i32>} : memref<8192xf32, #tpu.memory_space<vmem>>, vector<16xf32>,
      } {sc.loop_unroll_factor = 8 : i64, sc.parallel_access}
      %mul3A_225 = arith.constant 8192 : i32
      %mul3A_226 = arith.muli %mul3A_191, %mul3A_225 : i32
      %add3A_227 = arith.addi %mul3A_4, %mul3A_226 : i32
      %dma_start3A_228 = arith.constant 2 : i32
      %dma_start3A_229 = tpu.memref_slice %arg4[%dma_start3A_228, %add3A_227] : memref<4x8388608xf32, #tpu.memory_space<hbm>> -> memref<1x8192xf32, #tpu.memory_space<hbm>>
      %dma_start3A_230 = tpu.memref_squeeze %dma_start3A_229 : memref<1x8192xf32, #tpu.memory_space<hbm>> -> memref<8192xf32, #tpu.memory_space<hbm>>
      %dma_start3A_231 = tpu.memref_slice %arg4[%dma_start3A_228, %add3A_227] : memref<4x8388608xf32, #tpu.memory_space<hbm>> -> memref<1x8192xf32, #tpu.memory_space<hbm>>
      %dma_start3A_232 = tpu.memref_squeeze %dma_start3A_231 : memref<1x8192xf32, #tpu.memory_space<hbm>> -> memref<8192xf32, #tpu.memory_space<hbm>>
      tpu.enqueue_dma source(%arg7 : memref<8192xf32, #tpu.memory_space<vmem>>) target(%dma_start3A_232 : memref<8192xf32, #tpu.memory_space<hbm>>) target_semaphore(%arg17 : memref<!tpu.dma_semaphore, #tpu.memory_space<semaphore_mem>>)
      %dma_wait3A_233 = tpu.memref_slice %arg3[%mul3A_4] : memref<8388608xf32, #tpu.memory_space<hbm>> -> memref<8192xf32, #tpu.memory_space<hbm>>
      %dma_wait3A_234 = tpu.memref_slice %arg3[%mul3A_4] : memref<8388608xf32, #tpu.memory_space<hbm>> -> memref<8192xf32, #tpu.memory_space<hbm>>
      tpu.wait_dma2 semaphore(%arg18 : memref<!tpu.dma_semaphore, #tpu.memory_space<semaphore_mem>>) src(%dma_wait3A_234 : memref<8192xf32, #tpu.memory_space<hbm>>) dst(%arg8 : memref<8192xf32, #tpu.memory_space<vmem>>)
      %parallel_loop3A_235 = arith.constant 0 : i32
      %parallel_loop3A_236 = arith.constant 8192 : i32
      %parallel_loop3A_237 = arith.constant 16 : i32
      scf.for %parallel_loop3A_415 = %parallel_loop3A_235 to %parallel_loop3A_236 step %parallel_loop3A_237  : i32 {
        %parallel_loop3A_416 = arith.index_cast %parallel_loop3A_415 : i32 to index
        %parallel_loop3A_417 = tpu.vector_load %arg13[%parallel_loop3A_416] {strides = array<i32>} : memref<8192xf32, #tpu.memory_space<vmem>>, vector<16xf32>,
        %parallel_loop3A_418 = vector.shape_cast %parallel_loop3A_417 : vector<16xf32> to vector<16xf32>
        %parallel_loop3A_419 = arith.index_cast %parallel_loop3A_415 : i32 to index
        %parallel_loop3A_420 = tpu.vector_load %arg8[%parallel_loop3A_419] {strides = array<i32>} : memref<8192xf32, #tpu.memory_space<vmem>>, vector<16xf32>,
        %parallel_loop3A_421 = vector.shape_cast %parallel_loop3A_420 : vector<16xf32> to vector<16xf32>
        %parallel_loop3A_422 = vector.shape_cast %parallel_loop3A_418 : vector<16xf32> to vector<16xf32>
        tpu.vector_store %arg8[%parallel_loop3A_419], %parallel_loop3A_422 {add = true, strides = array<i32>} : memref<8192xf32, #tpu.memory_space<vmem>>, vector<16xf32>,
      } {sc.loop_unroll_factor = 8 : i64, sc.parallel_access}
      %mul3A_238 = arith.constant 8192 : i32
      %mul3A_239 = arith.muli %mul3A_191, %mul3A_238 : i32
      %add3A_240 = arith.addi %mul3A_4, %mul3A_239 : i32
      %dma_start3A_241 = arith.constant 3 : i32
      %dma_start3A_242 = tpu.memref_slice %arg4[%dma_start3A_241, %add3A_240] : memref<4x8388608xf32, #tpu.memory_space<hbm>> -> memref<1x8192xf32, #tpu.memory_space<hbm>>
      %dma_start3A_243 = tpu.memref_squeeze %dma_start3A_242 : memref<1x8192xf32, #tpu.memory_space<hbm>> -> memref<8192xf32, #tpu.memory_space<hbm>>
      %dma_start3A_244 = tpu.memref_slice %arg4[%dma_start3A_241, %add3A_240] : memref<4x8388608xf32, #tpu.memory_space<hbm>> -> memref<1x8192xf32, #tpu.memory_space<hbm>>
      %dma_start3A_245 = tpu.memref_squeeze %dma_start3A_244 : memref<1x8192xf32, #tpu.memory_space<hbm>> -> memref<8192xf32, #tpu.memory_space<hbm>>
      tpu.enqueue_dma source(%arg8 : memref<8192xf32, #tpu.memory_space<vmem>>) target(%dma_start3A_245 : memref<8192xf32, #tpu.memory_space<hbm>>) target_semaphore(%arg18 : memref<!tpu.dma_semaphore, #tpu.memory_space<semaphore_mem>>)
      %add3A_246 = arith.constant 2 : i32
      %add3A_247 = arith.addi %mul3A_191, %add3A_246 : i32
      %mul3A_248 = arith.constant 8192 : i32
      %mul3A_249 = arith.muli %add3A_247, %mul3A_248 : i32
      %add3A_250 = arith.addi %mul3A_4, %mul3A_249 : i32
      %dma_start3A_251 = tpu.memref_slice %arg3[%add3A_250] : memref<8388608xf32, #tpu.memory_space<hbm>> -> memref<8192xf32, #tpu.memory_space<hbm>>
      %dma_start3A_252 = tpu.memref_slice %arg3[%add3A_250] : memref<8388608xf32, #tpu.memory_space<hbm>> -> memref<8192xf32, #tpu.memory_space<hbm>>
      tpu.enqueue_dma source(%dma_start3A_252 : memref<8192xf32, #tpu.memory_space<hbm>>) target(%arg13 : memref<8192xf32, #tpu.memory_space<vmem>>) target_semaphore(%arg23 : memref<!tpu.dma_semaphore, #tpu.memory_space<semaphore_mem>>)
      %add3A_253 = arith.constant 1 : i32
      %add3A_254 = arith.addi %mul3A_191, %add3A_253 : i32
      %dma_wait3A_255 = tpu.memref_slice %arg3[%mul3A_4] : memref<8388608xf32, #tpu.memory_space<hbm>> -> memref<8192xf32, #tpu.memory_space<hbm>>
      %dma_wait3A_256 = tpu.memref_slice %arg3[%mul3A_4] : memref<8388608xf32, #tpu.memory_space<hbm>> -> memref<8192xf32, #tpu.memory_space<hbm>>
      tpu.wait_dma2 semaphore(%arg24 : memref<!tpu.dma_semaphore, #tpu.memory_space<semaphore_mem>>) src(%dma_wait3A_256 : memref<8192xf32, #tpu.memory_space<hbm>>) dst(%arg14 : memref<8192xf32, #tpu.memory_space<vmem>>)
      %dma_wait3A_257 = tpu.memref_slice %arg3[%mul3A_4] : memref<8388608xf32, #tpu.memory_space<hbm>> -> memref<8192xf32, #tpu.memory_space<hbm>>
      %dma_wait3A_258 = tpu.memref_slice %arg3[%mul3A_4] : memref<8388608xf32, #tpu.memory_space<hbm>> -> memref<8192xf32, #tpu.memory_space<hbm>>
      tpu.wait_dma2 semaphore(%arg19 : memref<!tpu.dma_semaphore, #tpu.memory_space<semaphore_mem>>) src(%dma_wait3A_258 : memref<8192xf32, #tpu.memory_space<hbm>>) dst(%arg9 : memref<8192xf32, #tpu.memory_space<vmem>>)
      %parallel_loop3A_259 = arith.constant 0 : i32
      %parallel_loop3A_260 = arith.constant 8192 : i32
      %parallel_loop3A_261 = arith.constant 16 : i32
      scf.for %parallel_loop3A_415 = %parallel_loop3A_259 to %parallel_loop3A_260 step %parallel_loop3A_261  : i32 {
        %parallel_loop3A_416 = arith.index_cast %parallel_loop3A_415 : i32 to index
        %parallel_loop3A_417 = tpu.vector_load %arg14[%parallel_loop3A_416] {strides = array<i32>} : memref<8192xf32, #tpu.memory_space<vmem>>, vector<16xf32>,
        %parallel_loop3A_418 = vector.shape_cast %parallel_loop3A_417 : vector<16xf32> to vector<16xf32>
        %parallel_loop3A_419 = arith.index_cast %parallel_loop3A_415 : i32 to index
        %parallel_loop3A_420 = tpu.vector_load %arg9[%parallel_loop3A_419] {strides = array<i32>} : memref<8192xf32, #tpu.memory_space<vmem>>, vector<16xf32>,
        %parallel_loop3A_421 = vector.shape_cast %parallel_loop3A_420 : vector<16xf32> to vector<16xf32>
        %parallel_loop3A_422 = vector.shape_cast %parallel_loop3A_418 : vector<16xf32> to vector<16xf32>
        tpu.vector_store %arg9[%parallel_loop3A_419], %parallel_loop3A_422 {add = true, strides = array<i32>} : memref<8192xf32, #tpu.memory_space<vmem>>, vector<16xf32>,
      } {sc.loop_unroll_factor = 8 : i64, sc.parallel_access}
      %mul3A_262 = arith.constant 8192 : i32
      %mul3A_263 = arith.muli %add3A_254, %mul3A_262 : i32
      %add3A_264 = arith.addi %mul3A_4, %mul3A_263 : i32
      %dma_start3A_265 = arith.constant 0 : i32
      %dma_start3A_266 = tpu.memref_slice %arg4[%dma_start3A_265, %add3A_264] : memref<4x8388608xf32, #tpu.memory_space<hbm>> -> memref<1x8192xf32, #tpu.memory_space<hbm>>
      %dma_start3A_267 = tpu.memref_squeeze %dma_start3A_266 : memref<1x8192xf32, #tpu.memory_space<hbm>> -> memref<8192xf32, #tpu.memory_space<hbm>>
      %dma_start3A_268 = tpu.memref_slice %arg4[%dma_start3A_265, %add3A_264] : memref<4x8388608xf32, #tpu.memory_space<hbm>> -> memref<1x8192xf32, #tpu.memory_space<hbm>>
      %dma_start3A_269 = tpu.memref_squeeze %dma_start3A_268 : memref<1x8192xf32, #tpu.memory_space<hbm>> -> memref<8192xf32, #tpu.memory_space<hbm>>
      tpu.enqueue_dma source(%arg9 : memref<8192xf32, #tpu.memory_space<vmem>>) target(%dma_start3A_269 : memref<8192xf32, #tpu.memory_space<hbm>>) target_semaphore(%arg19 : memref<!tpu.dma_semaphore, #tpu.memory_space<semaphore_mem>>)
      %dma_wait3A_270 = tpu.memref_slice %arg3[%mul3A_4] : memref<8388608xf32, #tpu.memory_space<hbm>> -> memref<8192xf32, #tpu.memory_space<hbm>>
      %dma_wait3A_271 = tpu.memref_slice %arg3[%mul3A_4] : memref<8388608xf32, #tpu.memory_space<hbm>> -> memref<8192xf32, #tpu.memory_space<hbm>>
      tpu.wait_dma2 semaphore(%arg20 : memref<!tpu.dma_semaphore, #tpu.memory_space<semaphore_mem>>) src(%dma_wait3A_271 : memref<8192xf32, #tpu.memory_space<hbm>>) dst(%arg10 : memref<8192xf32, #tpu.memory_space<vmem>>)
      %parallel_loop3A_272 = arith.constant 0 : i32
      %parallel_loop3A_273 = arith.constant 8192 : i32
      %parallel_loop3A_274 = arith.constant 16 : i32
      scf.for %parallel_loop3A_415 = %parallel_loop3A_272 to %parallel_loop3A_273 step %parallel_loop3A_274  : i32 {
        %parallel_loop3A_416 = arith.index_cast %parallel_loop3A_415 : i32 to index
        %parallel_loop3A_417 = tpu.vector_load %arg14[%parallel_loop3A_416] {strides = array<i32>} : memref<8192xf32, #tpu.memory_space<vmem>>, vector<16xf32>,
        %parallel_loop3A_418 = vector.shape_cast %parallel_loop3A_417 : vector<16xf32> to vector<16xf32>
        %parallel_loop3A_419 = arith.index_cast %parallel_loop3A_415 : i32 to index
        %parallel_loop3A_420 = tpu.vector_load %arg10[%parallel_loop3A_419] {strides = array<i32>} : memref<8192xf32, #tpu.memory_space<vmem>>, vector<16xf32>,
        %parallel_loop3A_421 = vector.shape_cast %parallel_loop3A_420 : vector<16xf32> to vector<16xf32>
        %parallel_loop3A_422 = vector.shape_cast %parallel_loop3A_418 : vector<16xf32> to vector<16xf32>
        tpu.vector_store %arg10[%parallel_loop3A_419], %parallel_loop3A_422 {add = true, strides = array<i32>} : memref<8192xf32, #tpu.memory_space<vmem>>, vector<16xf32>,
      } {sc.loop_unroll_factor = 8 : i64, sc.parallel_access}
      %mul3A_275 = arith.constant 8192 : i32
      %mul3A_276 = arith.muli %add3A_254, %mul3A_275 : i32
      %add3A_277 = arith.addi %mul3A_4, %mul3A_276 : i32
      %dma_start3A_278 = arith.constant 1 : i32
      %dma_start3A_279 = tpu.memref_slice %arg4[%dma_start3A_278, %add3A_277] : memref<4x8388608xf32, #tpu.memory_space<hbm>> -> memref<1x8192xf32, #tpu.memory_space<hbm>>
      %dma_start3A_280 = tpu.memref_squeeze %dma_start3A_279 : memref<1x8192xf32, #tpu.memory_space<hbm>> -> memref<8192xf32, #tpu.memory_space<hbm>>
      %dma_start3A_281 = tpu.memref_slice %arg4[%dma_start3A_278, %add3A_277] : memref<4x8388608xf32, #tpu.memory_space<hbm>> -> memref<1x8192xf32, #tpu.memory_space<hbm>>
      %dma_start3A_282 = tpu.memref_squeeze %dma_start3A_281 : memref<1x8192xf32, #tpu.memory_space<hbm>> -> memref<8192xf32, #tpu.memory_space<hbm>>
      tpu.enqueue_dma source(%arg10 : memref<8192xf32, #tpu.memory_space<vmem>>) target(%dma_start3A_282 : memref<8192xf32, #tpu.memory_space<hbm>>) target_semaphore(%arg20 : memref<!tpu.dma_semaphore, #tpu.memory_space<semaphore_mem>>)
      %dma_wait3A_283 = tpu.memref_slice %arg3[%mul3A_4] : memref<8388608xf32, #tpu.memory_space<hbm>> -> memref<8192xf32, #tpu.memory_space<hbm>>
      %dma_wait3A_284 = tpu.memref_slice %arg3[%mul3A_4] : memref<8388608xf32, #tpu.memory_space<hbm>> -> memref<8192xf32, #tpu.memory_space<hbm>>
      tpu.wait_dma2 semaphore(%arg21 : memref<!tpu.dma_semaphore, #tpu.memory_space<semaphore_mem>>) src(%dma_wait3A_284 : memref<8192xf32, #tpu.memory_space<hbm>>) dst(%arg11 : memref<8192xf32, #tpu.memory_space<vmem>>)
      %parallel_loop3A_285 = arith.constant 0 : i32
      %parallel_loop3A_286 = arith.constant 8192 : i32
      %parallel_loop3A_287 = arith.constant 16 : i32
      scf.for %parallel_loop3A_415 = %parallel_loop3A_285 to %parallel_loop3A_286 step %parallel_loop3A_287  : i32 {
        %parallel_loop3A_416 = arith.index_cast %parallel_loop3A_415 : i32 to index
        %parallel_loop3A_417 = tpu.vector_load %arg14[%parallel_loop3A_416] {strides = array<i32>} : memref<8192xf32, #tpu.memory_space<vmem>>, vector<16xf32>,
        %parallel_loop3A_418 = vector.shape_cast %parallel_loop3A_417 : vector<16xf32> to vector<16xf32>
        %parallel_loop3A_419 = arith.index_cast %parallel_loop3A_415 : i32 to index
        %parallel_loop3A_420 = tpu.vector_load %arg11[%parallel_loop3A_419] {strides = array<i32>} : memref<8192xf32, #tpu.memory_space<vmem>>, vector<16xf32>,
        %parallel_loop3A_421 = vector.shape_cast %parallel_loop3A_420 : vector<16xf32> to vector<16xf32>
        %parallel_loop3A_422 = vector.shape_cast %parallel_loop3A_418 : vector<16xf32> to vector<16xf32>
        tpu.vector_store %arg11[%parallel_loop3A_419], %parallel_loop3A_422 {add = true, strides = array<i32>} : memref<8192xf32, #tpu.memory_space<vmem>>, vector<16xf32>,
      } {sc.loop_unroll_factor = 8 : i64, sc.parallel_access}
      %mul3A_288 = arith.constant 8192 : i32
      %mul3A_289 = arith.muli %add3A_254, %mul3A_288 : i32
      %add3A_290 = arith.addi %mul3A_4, %mul3A_289 : i32
      %dma_start3A_291 = arith.constant 2 : i32
      %dma_start3A_292 = tpu.memref_slice %arg4[%dma_start3A_291, %add3A_290] : memref<4x8388608xf32, #tpu.memory_space<hbm>> -> memref<1x8192xf32, #tpu.memory_space<hbm>>
      %dma_start3A_293 = tpu.memref_squeeze %dma_start3A_292 : memref<1x8192xf32, #tpu.memory_space<hbm>> -> memref<8192xf32, #tpu.memory_space<hbm>>
      %dma_start3A_294 = tpu.memref_slice %arg4[%dma_start3A_291, %add3A_290] : memref<4x8388608xf32, #tpu.memory_space<hbm>> -> memref<1x8192xf32, #tpu.memory_space<hbm>>
      %dma_start3A_295 = tpu.memref_squeeze %dma_start3A_294 : memref<1x8192xf32, #tpu.memory_space<hbm>> -> memref<8192xf32, #tpu.memory_space<hbm>>
      tpu.enqueue_dma source(%arg11 : memref<8192xf32, #tpu.memory_space<vmem>>) target(%dma_start3A_295 : memref<8192xf32, #tpu.memory_space<hbm>>) target_semaphore(%arg21 : memref<!tpu.dma_semaphore, #tpu.memory_space<semaphore_mem>>)
      %dma_wait3A_296 = tpu.memref_slice %arg3[%mul3A_4] : memref<8388608xf32, #tpu.memory_space<hbm>> -> memref<8192xf32, #tpu.memory_space<hbm>>
      %dma_wait3A_297 = tpu.memref_slice %arg3[%mul3A_4] : memref<8388608xf32, #tpu.memory_space<hbm>> -> memref<8192xf32, #tpu.memory_space<hbm>>
      tpu.wait_dma2 semaphore(%arg22 : memref<!tpu.dma_semaphore, #tpu.memory_space<semaphore_mem>>) src(%dma_wait3A_297 : memref<8192xf32, #tpu.memory_space<hbm>>) dst(%arg12 : memref<8192xf32, #tpu.memory_space<vmem>>)
      %parallel_loop3A_298 = arith.constant 0 : i32
      %parallel_loop3A_299 = arith.constant 8192 : i32
      %parallel_loop3A_300 = arith.constant 16 : i32
      scf.for %parallel_loop3A_415 = %parallel_loop3A_298 to %parallel_loop3A_299 step %parallel_loop3A_300  : i32 {
        %parallel_loop3A_416 = arith.index_cast %parallel_loop3A_415 : i32 to index
        %parallel_loop3A_417 = tpu.vector_load %arg14[%parallel_loop3A_416] {strides = array<i32>} : memref<8192xf32, #tpu.memory_space<vmem>>, vector<16xf32>,
        %parallel_loop3A_418 = vector.shape_cast %parallel_loop3A_417 : vector<16xf32> to vector<16xf32>
        %parallel_loop3A_419 = arith.index_cast %parallel_loop3A_415 : i32 to index
        %parallel_loop3A_420 = tpu.vector_load %arg12[%parallel_loop3A_419] {strides = array<i32>} : memref<8192xf32, #tpu.memory_space<vmem>>, vector<16xf32>,
        %parallel_loop3A_421 = vector.shape_cast %parallel_loop3A_420 : vector<16xf32> to vector<16xf32>
        %parallel_loop3A_422 = vector.shape_cast %parallel_loop3A_418 : vector<16xf32> to vector<16xf32>
        tpu.vector_store %arg12[%parallel_loop3A_419], %parallel_loop3A_422 {add = true, strides = array<i32>} : memref<8192xf32, #tpu.memory_space<vmem>>, vector<16xf32>,
      } {sc.loop_unroll_factor = 8 : i64, sc.parallel_access}
      %mul3A_301 = arith.constant 8192 : i32
      %mul3A_302 = arith.muli %add3A_254, %mul3A_301 : i32
      %add3A_303 = arith.addi %mul3A_4, %mul3A_302 : i32
      %dma_start3A_304 = arith.constant 3 : i32
      %dma_start3A_305 = tpu.memref_slice %arg4[%dma_start3A_304, %add3A_303] : memref<4x8388608xf32, #tpu.memory_space<hbm>> -> memref<1x8192xf32, #tpu.memory_space<hbm>>
      %dma_start3A_306 = tpu.memref_squeeze %dma_start3A_305 : memref<1x8192xf32, #tpu.memory_space<hbm>> -> memref<8192xf32, #tpu.memory_space<hbm>>
      %dma_start3A_307 = tpu.memref_slice %arg4[%dma_start3A_304, %add3A_303] : memref<4x8388608xf32, #tpu.memory_space<hbm>> -> memref<1x8192xf32, #tpu.memory_space<hbm>>
      %dma_start3A_308 = tpu.memref_squeeze %dma_start3A_307 : memref<1x8192xf32, #tpu.memory_space<hbm>> -> memref<8192xf32, #tpu.memory_space<hbm>>
      tpu.enqueue_dma source(%arg12 : memref<8192xf32, #tpu.memory_space<vmem>>) target(%dma_start3A_308 : memref<8192xf32, #tpu.memory_space<hbm>>) target_semaphore(%arg22 : memref<!tpu.dma_semaphore, #tpu.memory_space<semaphore_mem>>)
      %add3A_309 = arith.constant 2 : i32
      %add3A_310 = arith.addi %add3A_254, %add3A_309 : i32
      %mul3A_311 = arith.constant 8192 : i32
      %mul3A_312 = arith.muli %add3A_310, %mul3A_311 : i32
      %add3A_313 = arith.addi %mul3A_4, %mul3A_312 : i32
      %dma_start3A_314 = tpu.memref_slice %arg3[%add3A_313] : memref<8388608xf32, #tpu.memory_space<hbm>> -> memref<8192xf32, #tpu.memory_space<hbm>>
      %dma_start3A_315 = tpu.memref_slice %arg3[%add3A_313] : memref<8388608xf32, #tpu.memory_space<hbm>> -> memref<8192xf32, #tpu.memory_space<hbm>>
      tpu.enqueue_dma source(%dma_start3A_315 : memref<8192xf32, #tpu.memory_space<hbm>>) target(%arg14 : memref<8192xf32, #tpu.memory_space<vmem>>) target_semaphore(%arg24 : memref<!tpu.dma_semaphore, #tpu.memory_space<semaphore_mem>>)
      %dma_wait3A_316 = tpu.memref_slice %arg3[%mul3A_4] : memref<8388608xf32, #tpu.memory_space<hbm>> -> memref<8192xf32, #tpu.memory_space<hbm>>
      %dma_wait3A_317 = tpu.memref_slice %arg3[%mul3A_4] : memref<8388608xf32, #tpu.memory_space<hbm>> -> memref<8192xf32, #tpu.memory_space<hbm>>
      tpu.wait_dma2 semaphore(%arg15 : memref<!tpu.dma_semaphore, #tpu.memory_space<semaphore_mem>>) src(%dma_wait3A_317 : memref<8192xf32, #tpu.memory_space<hbm>>) dst(%arg5 : memref<8192xf32, #tpu.memory_space<vmem>>)
      %add3A_318 = arith.constant 2 : i32
      %add3A_319 = arith.addi %mul3A_191, %add3A_318 : i32
      %mul3A_320 = arith.constant 8192 : i32
      %mul3A_321 = arith.muli %add3A_319, %mul3A_320 : i32
      %add3A_322 = arith.addi %mul3A_4, %mul3A_321 : i32
      %dma_start3A_323 = arith.constant 0 : i32
      %dma_start3A_324 = tpu.memref_slice %arg2[%dma_start3A_323, %add3A_322] : memref<4x8388608xf32, #tpu.memory_space<hbm>> -> memref<1x8192xf32, #tpu.memory_space<hbm>>
      %dma_start3A_325 = tpu.memref_squeeze %dma_start3A_324 : memref<1x8192xf32, #tpu.memory_space<hbm>> -> memref<8192xf32, #tpu.memory_space<hbm>>
      %dma_start3A_326 = tpu.memref_slice %arg2[%dma_start3A_323, %add3A_322] : memref<4x8388608xf32, #tpu.memory_space<hbm>> -> memref<1x8192xf32, #tpu.memory_space<hbm>>
      %dma_start3A_327 = tpu.memref_squeeze %dma_start3A_326 : memref<1x8192xf32, #tpu.memory_space<hbm>> -> memref<8192xf32, #tpu.memory_space<hbm>>
      tpu.enqueue_dma source(%dma_start3A_327 : memref<8192xf32, #tpu.memory_space<hbm>>) target(%arg5 : memref<8192xf32, #tpu.memory_space<vmem>>) target_semaphore(%arg15 : memref<!tpu.dma_semaphore, #tpu.memory_space<semaphore_mem>>)
      %dma_wait3A_328 = tpu.memref_slice %arg3[%mul3A_4] : memref<8388608xf32, #tpu.memory_space<hbm>> -> memref<8192xf32, #tpu.memory_space<hbm>>
      %dma_wait3A_329 = tpu.memref_slice %arg3[%mul3A_4] : memref<8388608xf32, #tpu.memory_space<hbm>> -> memref<8192xf32, #tpu.memory_space<hbm>>
      tpu.wait_dma2 semaphore(%arg16 : memref<!tpu.dma_semaphore, #tpu.memory_space<semaphore_mem>>) src(%dma_wait3A_329 : memref<8192xf32, #tpu.memory_space<hbm>>) dst(%arg6 : memref<8192xf32, #tpu.memory_space<vmem>>)
      %add3A_330 = arith.constant 2 : i32
      %add3A_331 = arith.addi %mul3A_191, %add3A_330 : i32
      %mul3A_332 = arith.constant 8192 : i32
      %mul3A_333 = arith.muli %add3A_331, %mul3A_332 : i32
      %add3A_334 = arith.addi %mul3A_4, %mul3A_333 : i32
      %dma_start3A_335 = arith.constant 1 : i32
      %dma_start3A_336 = tpu.memref_slice %arg2[%dma_start3A_335, %add3A_334] : memref<4x8388608xf32, #tpu.memory_space<hbm>> -> memref<1x8192xf32, #tpu.memory_space<hbm>>
      %dma_start3A_337 = tpu.memref_squeeze %dma_start3A_336 : memref<1x8192xf32, #tpu.memory_space<hbm>> -> memref<8192xf32, #tpu.memory_space<hbm>>
      %dma_start3A_338 = tpu.memref_slice %arg2[%dma_start3A_335, %add3A_334] : memref<4x8388608xf32, #tpu.memory_space<hbm>> -> memref<1x8192xf32, #tpu.memory_space<hbm>>
      %dma_start3A_339 = tpu.memref_squeeze %dma_start3A_338 : memref<1x8192xf32, #tpu.memory_space<hbm>> -> memref<8192xf32, #tpu.memory_space<hbm>>
      tpu.enqueue_dma source(%dma_start3A_339 : memref<8192xf32, #tpu.memory_space<hbm>>) target(%arg6 : memref<8192xf32, #tpu.memory_space<vmem>>) target_semaphore(%arg16 : memref<!tpu.dma_semaphore, #tpu.memory_space<semaphore_mem>>)
      %dma_wait3A_340 = tpu.memref_slice %arg3[%mul3A_4] : memref<8388608xf32, #tpu.memory_space<hbm>> -> memref<8192xf32, #tpu.memory_space<hbm>>
      %dma_wait3A_341 = tpu.memref_slice %arg3[%mul3A_4] : memref<8388608xf32, #tpu.memory_space<hbm>> -> memref<8192xf32, #tpu.memory_space<hbm>>
      tpu.wait_dma2 semaphore(%arg17 : memref<!tpu.dma_semaphore, #tpu.memory_space<semaphore_mem>>) src(%dma_wait3A_341 : memref<8192xf32, #tpu.memory_space<hbm>>) dst(%arg7 : memref<8192xf32, #tpu.memory_space<vmem>>)
      %add3A_342 = arith.constant 2 : i32
      %add3A_343 = arith.addi %mul3A_191, %add3A_342 : i32
      %mul3A_344 = arith.constant 8192 : i32
      %mul3A_345 = arith.muli %add3A_343, %mul3A_344 : i32
      %add3A_346 = arith.addi %mul3A_4, %mul3A_345 : i32
      %dma_start3A_347 = arith.constant 2 : i32
      %dma_start3A_348 = tpu.memref_slice %arg2[%dma_start3A_347, %add3A_346] : memref<4x8388608xf32, #tpu.memory_space<hbm>> -> memref<1x8192xf32, #tpu.memory_space<hbm>>
      %dma_start3A_349 = tpu.memref_squeeze %dma_start3A_348 : memref<1x8192xf32, #tpu.memory_space<hbm>> -> memref<8192xf32, #tpu.memory_space<hbm>>
      %dma_start3A_350 = tpu.memref_slice %arg2[%dma_start3A_347, %add3A_346] : memref<4x8388608xf32, #tpu.memory_space<hbm>> -> memref<1x8192xf32, #tpu.memory_space<hbm>>
      %dma_start3A_351 = tpu.memref_squeeze %dma_start3A_350 : memref<1x8192xf32, #tpu.memory_space<hbm>> -> memref<8192xf32, #tpu.memory_space<hbm>>
      tpu.enqueue_dma source(%dma_start3A_351 : memref<8192xf32, #tpu.memory_space<hbm>>) target(%arg7 : memref<8192xf32, #tpu.memory_space<vmem>>) target_semaphore(%arg17 : memref<!tpu.dma_semaphore, #tpu.memory_space<semaphore_mem>>)
      %dma_wait3A_352 = tpu.memref_slice %arg3[%mul3A_4] : memref<8388608xf32, #tpu.memory_space<hbm>> -> memref<8192xf32, #tpu.memory_space<hbm>>
      %dma_wait3A_353 = tpu.memref_slice %arg3[%mul3A_4] : memref<8388608xf32, #tpu.memory_space<hbm>> -> memref<8192xf32, #tpu.memory_space<hbm>>
      tpu.wait_dma2 semaphore(%arg18 : memref<!tpu.dma_semaphore, #tpu.memory_space<semaphore_mem>>) src(%dma_wait3A_353 : memref<8192xf32, #tpu.memory_space<hbm>>) dst(%arg8 : memref<8192xf32, #tpu.memory_space<vmem>>)
      %add3A_354 = arith.constant 2 : i32
      %add3A_355 = arith.addi %mul3A_191, %add3A_354 : i32
      %mul3A_356 = arith.constant 8192 : i32
      %mul3A_357 = arith.muli %add3A_355, %mul3A_356 : i32
      %add3A_358 = arith.addi %mul3A_4, %mul3A_357 : i32
      %dma_start3A_359 = arith.constant 3 : i32
      %dma_start3A_360 = tpu.memref_slice %arg2[%dma_start3A_359, %add3A_358] : memref<4x8388608xf32, #tpu.memory_space<hbm>> -> memref<1x8192xf32, #tpu.memory_space<hbm>>
      %dma_start3A_361 = tpu.memref_squeeze %dma_start3A_360 : memref<1x8192xf32, #tpu.memory_space<hbm>> -> memref<8192xf32, #tpu.memory_space<hbm>>
      %dma_start3A_362 = tpu.memref_slice %arg2[%dma_start3A_359, %add3A_358] : memref<4x8388608xf32, #tpu.memory_space<hbm>> -> memref<1x8192xf32, #tpu.memory_space<hbm>>
      %dma_start3A_363 = tpu.memref_squeeze %dma_start3A_362 : memref<1x8192xf32, #tpu.memory_space<hbm>> -> memref<8192xf32, #tpu.memory_space<hbm>>
      tpu.enqueue_dma source(%dma_start3A_363 : memref<8192xf32, #tpu.memory_space<hbm>>) target(%arg8 : memref<8192xf32, #tpu.memory_space<vmem>>) target_semaphore(%arg18 : memref<!tpu.dma_semaphore, #tpu.memory_space<semaphore_mem>>)
      %add3A_364 = arith.constant 1 : i32
      %add3A_365 = arith.addi %mul3A_191, %add3A_364 : i32
      %dma_wait3A_366 = tpu.memref_slice %arg3[%mul3A_4] : memref<8388608xf32, #tpu.memory_space<hbm>> -> memref<8192xf32, #tpu.memory_space<hbm>>
      %dma_wait3A_367 = tpu.memref_slice %arg3[%mul3A_4] : memref<8388608xf32, #tpu.memory_space<hbm>> -> memref<8192xf32, #tpu.memory_space<hbm>>
      tpu.wait_dma2 semaphore(%arg19 : memref<!tpu.dma_semaphore, #tpu.memory_space<semaphore_mem>>) src(%dma_wait3A_367 : memref<8192xf32, #tpu.memory_space<hbm>>) dst(%arg9 : memref<8192xf32, #tpu.memory_space<vmem>>)
      %add3A_368 = arith.constant 2 : i32
      %add3A_369 = arith.addi %add3A_365, %add3A_368 : i32
      %mul3A_370 = arith.constant 8192 : i32
      %mul3A_371 = arith.muli %add3A_369, %mul3A_370 : i32
      %add3A_372 = arith.addi %mul3A_4, %mul3A_371 : i32
      %dma_start3A_373 = arith.constant 0 : i32
      %dma_start3A_374 = tpu.memref_slice %arg2[%dma_start3A_373, %add3A_372] : memref<4x8388608xf32, #tpu.memory_space<hbm>> -> memref<1x8192xf32, #tpu.memory_space<hbm>>
      %dma_start3A_375 = tpu.memref_squeeze %dma_start3A_374 : memref<1x8192xf32, #tpu.memory_space<hbm>> -> memref<8192xf32, #tpu.memory_space<hbm>>
      %dma_start3A_376 = tpu.memref_slice %arg2[%dma_start3A_373, %add3A_372] : memref<4x8388608xf32, #tpu.memory_space<hbm>> -> memref<1x8192xf32, #tpu.memory_space<hbm>>
      %dma_start3A_377 = tpu.memref_squeeze %dma_start3A_376 : memref<1x8192xf32, #tpu.memory_space<hbm>> -> memref<8192xf32, #tpu.memory_space<hbm>>
      tpu.enqueue_dma source(%dma_start3A_377 : memref<8192xf32, #tpu.memory_space<hbm>>) target(%arg9 : memref<8192xf32, #tpu.memory_space<vmem>>) target_semaphore(%arg19 : memref<!tpu.dma_semaphore, #tpu.memory_space<semaphore_mem>>)
      %dma_wait3A_378 = tpu.memref_slice %arg3[%mul3A_4] : memref<8388608xf32, #tpu.memory_space<hbm>> -> memref<8192xf32, #tpu.memory_space<hbm>>
      %dma_wait3A_379 = tpu.memref_slice %arg3[%mul3A_4] : memref<8388608xf32, #tpu.memory_space<hbm>> -> memref<8192xf32, #tpu.memory_space<hbm>>
      tpu.wait_dma2 semaphore(%arg20 : memref<!tpu.dma_semaphore, #tpu.memory_space<semaphore_mem>>) src(%dma_wait3A_379 : memref<8192xf32, #tpu.memory_space<hbm>>) dst(%arg10 : memref<8192xf32, #tpu.memory_space<vmem>>)
      %add3A_380 = arith.constant 2 : i32
      %add3A_381 = arith.addi %add3A_365, %add3A_380 : i32
      %mul3A_382 = arith.constant 8192 : i32
      %mul3A_383 = arith.muli %add3A_381, %mul3A_382 : i32
      %add3A_384 = arith.addi %mul3A_4, %mul3A_383 : i32
      %dma_start3A_385 = arith.constant 1 : i32
      %dma_start3A_386 = tpu.memref_slice %arg2[%dma_start3A_385, %add3A_384] : memref<4x8388608xf32, #tpu.memory_space<hbm>> -> memref<1x8192xf32, #tpu.memory_space<hbm>>
      %dma_start3A_387 = tpu.memref_squeeze %dma_start3A_386 : memref<1x8192xf32, #tpu.memory_space<hbm>> -> memref<8192xf32, #tpu.memory_space<hbm>>
      %dma_start3A_388 = tpu.memref_slice %arg2[%dma_start3A_385, %add3A_384] : memref<4x8388608xf32, #tpu.memory_space<hbm>> -> memref<1x8192xf32, #tpu.memory_space<hbm>>
      %dma_start3A_389 = tpu.memref_squeeze %dma_start3A_388 : memref<1x8192xf32, #tpu.memory_space<hbm>> -> memref<8192xf32, #tpu.memory_space<hbm>>
      tpu.enqueue_dma source(%dma_start3A_389 : memref<8192xf32, #tpu.memory_space<hbm>>) target(%arg10 : memref<8192xf32, #tpu.memory_space<vmem>>) target_semaphore(%arg20 : memref<!tpu.dma_semaphore, #tpu.memory_space<semaphore_mem>>)
      %dma_wait3A_390 = tpu.memref_slice %arg3[%mul3A_4] : memref<8388608xf32, #tpu.memory_space<hbm>> -> memref<8192xf32, #tpu.memory_space<hbm>>
      %dma_wait3A_391 = tpu.memref_slice %arg3[%mul3A_4] : memref<8388608xf32, #tpu.memory_space<hbm>> -> memref<8192xf32, #tpu.memory_space<hbm>>
      tpu.wait_dma2 semaphore(%arg21 : memref<!tpu.dma_semaphore, #tpu.memory_space<semaphore_mem>>) src(%dma_wait3A_391 : memref<8192xf32, #tpu.memory_space<hbm>>) dst(%arg11 : memref<8192xf32, #tpu.memory_space<vmem>>)
      %add3A_392 = arith.constant 2 : i32
      %add3A_393 = arith.addi %add3A_365, %add3A_392 : i32
      %mul3A_394 = arith.constant 8192 : i32
      %mul3A_395 = arith.muli %add3A_393, %mul3A_394 : i32
      %add3A_396 = arith.addi %mul3A_4, %mul3A_395 : i32
      %dma_start3A_397 = arith.constant 2 : i32
      %dma_start3A_398 = tpu.memref_slice %arg2[%dma_start3A_397, %add3A_396] : memref<4x8388608xf32, #tpu.memory_space<hbm>> -> memref<1x8192xf32, #tpu.memory_space<hbm>>
      %dma_start3A_399 = tpu.memref_squeeze %dma_start3A_398 : memref<1x8192xf32, #tpu.memory_space<hbm>> -> memref<8192xf32, #tpu.memory_space<hbm>>
      %dma_start3A_400 = tpu.memref_slice %arg2[%dma_start3A_397, %add3A_396] : memref<4x8388608xf32, #tpu.memory_space<hbm>> -> memref<1x8192xf32, #tpu.memory_space<hbm>>
      %dma_start3A_401 = tpu.memref_squeeze %dma_start3A_400 : memref<1x8192xf32, #tpu.memory_space<hbm>> -> memref<8192xf32, #tpu.memory_space<hbm>>
      tpu.enqueue_dma source(%dma_start3A_401 : memref<8192xf32, #tpu.memory_space<hbm>>) target(%arg11 : memref<8192xf32, #tpu.memory_space<vmem>>) target_semaphore(%arg21 : memref<!tpu.dma_semaphore, #tpu.memory_space<semaphore_mem>>)
      %dma_wait3A_402 = tpu.memref_slice %arg3[%mul3A_4] : memref<8388608xf32, #tpu.memory_space<hbm>> -> memref<8192xf32, #tpu.memory_space<hbm>>
      %dma_wait3A_403 = tpu.memref_slice %arg3[%mul3A_4] : memref<8388608xf32, #tpu.memory_space<hbm>> -> memref<8192xf32, #tpu.memory_space<hbm>>
      tpu.wait_dma2 semaphore(%arg22 : memref<!tpu.dma_semaphore, #tpu.memory_space<semaphore_mem>>) src(%dma_wait3A_403 : memref<8192xf32, #tpu.memory_space<hbm>>) dst(%arg12 : memref<8192xf32, #tpu.memory_space<vmem>>)
      %add3A_404 = arith.constant 2 : i32
      %add3A_405 = arith.addi %add3A_365, %add3A_404 : i32
      %mul3A_406 = arith.constant 8192 : i32
      %mul3A_407 = arith.muli %add3A_405, %mul3A_406 : i32
      %add3A_408 = arith.addi %mul3A_4, %mul3A_407 : i32
      %dma_start3A_409 = arith.constant 3 : i32
      %dma_start3A_410 = tpu.memref_slice %arg2[%dma_start3A_409, %add3A_408] : memref<4x8388608xf32, #tpu.memory_space<hbm>> -> memref<1x8192xf32, #tpu.memory_space<hbm>>
      %dma_start3A_411 = tpu.memref_squeeze %dma_start3A_410 : memref<1x8192xf32, #tpu.memory_space<hbm>> -> memref<8192xf32, #tpu.memory_space<hbm>>
      %dma_start3A_412 = tpu.memref_slice %arg2[%dma_start3A_409, %add3A_408] : memref<4x8388608xf32, #tpu.memory_space<hbm>> -> memref<1x8192xf32, #tpu.memory_space<hbm>>
      %dma_start3A_413 = tpu.memref_squeeze %dma_start3A_412 : memref<1x8192xf32, #tpu.memory_space<hbm>> -> memref<8192xf32, #tpu.memory_space<hbm>>
      tpu.enqueue_dma source(%dma_start3A_413 : memref<8192xf32, #tpu.memory_space<hbm>>) target(%arg12 : memref<8192xf32, #tpu.memory_space<vmem>>) target_semaphore(%arg22 : memref<!tpu.dma_semaphore, #tpu.memory_space<semaphore_mem>>)
      %scan3A_414 = arith.constant 0 : i32
      scf.yield %scan3A_414 : i32
    }
    %scan3A_73 = arith.constant 15 : i32
    %dma_wait3A = tpu.memref_slice %arg3[%mul3A_4] : memref<8388608xf32, #tpu.memory_space<hbm>> -> memref<8192xf32, #tpu.memory_space<hbm>>
    %dma_wait3A_74 = tpu.memref_slice %arg3[%mul3A_4] : memref<8388608xf32, #tpu.memory_space<hbm>> -> memref<8192xf32, #tpu.memory_space<hbm>>
    tpu.wait_dma2 semaphore(%arg23 : memref<!tpu.dma_semaphore, #tpu.memory_space<semaphore_mem>>) src(%dma_wait3A_74 : memref<8192xf32, #tpu.memory_space<hbm>>) dst(%arg13 : memref<8192xf32, #tpu.memory_space<vmem>>)
    %dma_wait3A_75 = tpu.memref_slice %arg3[%mul3A_4] : memref<8388608xf32, #tpu.memory_space<hbm>> -> memref<8192xf32, #tpu.memory_space<hbm>>
    %dma_wait3A_76 = tpu.memref_slice %arg3[%mul3A_4] : memref<8388608xf32, #tpu.memory_space<hbm>> -> memref<8192xf32, #tpu.memory_space<hbm>>
    tpu.wait_dma2 semaphore(%arg15 : memref<!tpu.dma_semaphore, #tpu.memory_space<semaphore_mem>>) src(%dma_wait3A_76 : memref<8192xf32, #tpu.memory_space<hbm>>) dst(%arg5 : memref<8192xf32, #tpu.memory_space<vmem>>)
    %parallel_loop3A = arith.constant 0 : i32
    %parallel_loop3A_77 = arith.constant 8192 : i32
    %parallel_loop3A_78 = arith.constant 16 : i32
    scf.for %parallel_loop3A_188 = %parallel_loop3A to %parallel_loop3A_77 step %parallel_loop3A_78  : i32 {
      %parallel_loop3A_189 = arith.index_cast %parallel_loop3A_188 : i32 to index
      %parallel_loop3A_190 = tpu.vector_load %arg13[%parallel_loop3A_189] {strides = array<i32>} : memref<8192xf32, #tpu.memory_space<vmem>>, vector<16xf32>,
      %parallel_loop3A_191 = vector.shape_cast %parallel_loop3A_190 : vector<16xf32> to vector<16xf32>
      %parallel_loop3A_192 = arith.index_cast %parallel_loop3A_188 : i32 to index
      %parallel_loop3A_193 = tpu.vector_load %arg5[%parallel_loop3A_192] {strides = array<i32>} : memref<8192xf32, #tpu.memory_space<vmem>>, vector<16xf32>,
      %parallel_loop3A_194 = vector.shape_cast %parallel_loop3A_193 : vector<16xf32> to vector<16xf32>
      %parallel_loop3A_195 = vector.shape_cast %parallel_loop3A_191 : vector<16xf32> to vector<16xf32>
      tpu.vector_store %arg5[%parallel_loop3A_192], %parallel_loop3A_195 {add = true, strides = array<i32>} : memref<8192xf32, #tpu.memory_space<vmem>>, vector<16xf32>,
    } {sc.loop_unroll_factor = 8 : i64, sc.parallel_access}
    %add3A_79 = arith.constant 245760 : i32
    %add3A_80 = arith.addi %mul3A_4, %add3A_79 : i32
    %dma_start3A_81 = arith.constant 0 : i32
    %dma_start3A_82 = tpu.memref_slice %arg4[%dma_start3A_81, %add3A_80] : memref<4x8388608xf32, #tpu.memory_space<hbm>> -> memref<1x8192xf32, #tpu.memory_space<hbm>>
    %dma_start3A_83 = tpu.memref_squeeze %dma_start3A_82 : memref<1x8192xf32, #tpu.memory_space<hbm>> -> memref<8192xf32, #tpu.memory_space<hbm>>
    %dma_start3A_84 = tpu.memref_slice %arg4[%dma_start3A_81, %add3A_80] : memref<4x8388608xf32, #tpu.memory_space<hbm>> -> memref<1x8192xf32, #tpu.memory_space<hbm>>
    %dma_start3A_85 = tpu.memref_squeeze %dma_start3A_84 : memref<1x8192xf32, #tpu.memory_space<hbm>> -> memref<8192xf32, #tpu.memory_space<hbm>>
    tpu.enqueue_dma source(%arg5 : memref<8192xf32, #tpu.memory_space<vmem>>) target(%dma_start3A_85 : memref<8192xf32, #tpu.memory_space<hbm>>) target_semaphore(%arg15 : memref<!tpu.dma_semaphore, #tpu.memory_space<semaphore_mem>>)
    %dma_wait3A_86 = tpu.memref_slice %arg3[%mul3A_4] : memref<8388608xf32, #tpu.memory_space<hbm>> -> memref<8192xf32, #tpu.memory_space<hbm>>
    %dma_wait3A_87 = tpu.memref_slice %arg3[%mul3A_4] : memref<8388608xf32, #tpu.memory_space<hbm>> -> memref<8192xf32, #tpu.memory_space<hbm>>
    tpu.wait_dma2 semaphore(%arg16 : memref<!tpu.dma_semaphore, #tpu.memory_space<semaphore_mem>>) src(%dma_wait3A_87 : memref<8192xf32, #tpu.memory_space<hbm>>) dst(%arg6 : memref<8192xf32, #tpu.memory_space<vmem>>)
    %parallel_loop3A_88 = arith.constant 0 : i32
    %parallel_loop3A_89 = arith.constant 8192 : i32
    %parallel_loop3A_90 = arith.constant 16 : i32
    scf.for %parallel_loop3A_188 = %parallel_loop3A_88 to %parallel_loop3A_89 step %parallel_loop3A_90  : i32 {
      %parallel_loop3A_189 = arith.index_cast %parallel_loop3A_188 : i32 to index
      %parallel_loop3A_190 = tpu.vector_load %arg13[%parallel_loop3A_189] {strides = array<i32>} : memref<8192xf32, #tpu.memory_space<vmem>>, vector<16xf32>,
      %parallel_loop3A_191 = vector.shape_cast %parallel_loop3A_190 : vector<16xf32> to vector<16xf32>
      %parallel_loop3A_192 = arith.index_cast %parallel_loop3A_188 : i32 to index
      %parallel_loop3A_193 = tpu.vector_load %arg6[%parallel_loop3A_192] {strides = array<i32>} : memref<8192xf32, #tpu.memory_space<vmem>>, vector<16xf32>,
      %parallel_loop3A_194 = vector.shape_cast %parallel_loop3A_193 : vector<16xf32> to vector<16xf32>
      %parallel_loop3A_195 = vector.shape_cast %parallel_loop3A_191 : vector<16xf32> to vector<16xf32>
      tpu.vector_store %arg6[%parallel_loop3A_192], %parallel_loop3A_195 {add = true, strides = array<i32>} : memref<8192xf32, #tpu.memory_space<vmem>>, vector<16xf32>,
    } {sc.loop_unroll_factor = 8 : i64, sc.parallel_access}
    %add3A_91 = arith.constant 245760 : i32
    %add3A_92 = arith.addi %mul3A_4, %add3A_91 : i32
    %dma_start3A_93 = arith.constant 1 : i32
    %dma_start3A_94 = tpu.memref_slice %arg4[%dma_start3A_93, %add3A_92] : memref<4x8388608xf32, #tpu.memory_space<hbm>> -> memref<1x8192xf32, #tpu.memory_space<hbm>>
    %dma_start3A_95 = tpu.memref_squeeze %dma_start3A_94 : memref<1x8192xf32, #tpu.memory_space<hbm>> -> memref<8192xf32, #tpu.memory_space<hbm>>
    %dma_start3A_96 = tpu.memref_slice %arg4[%dma_start3A_93, %add3A_92] : memref<4x8388608xf32, #tpu.memory_space<hbm>> -> memref<1x8192xf32, #tpu.memory_space<hbm>>
    %dma_start3A_97 = tpu.memref_squeeze %dma_start3A_96 : memref<1x8192xf32, #tpu.memory_space<hbm>> -> memref<8192xf32, #tpu.memory_space<hbm>>
    tpu.enqueue_dma source(%arg6 : memref<8192xf32, #tpu.memory_space<vmem>>) target(%dma_start3A_97 : memref<8192xf32, #tpu.memory_space<hbm>>) target_semaphore(%arg16 : memref<!tpu.dma_semaphore, #tpu.memory_space<semaphore_mem>>)
    %dma_wait3A_98 = tpu.memref_slice %arg3[%mul3A_4] : memref<8388608xf32, #tpu.memory_space<hbm>> -> memref<8192xf32, #tpu.memory_space<hbm>>
    %dma_wait3A_99 = tpu.memref_slice %arg3[%mul3A_4] : memref<8388608xf32, #tpu.memory_space<hbm>> -> memref<8192xf32, #tpu.memory_space<hbm>>
    tpu.wait_dma2 semaphore(%arg17 : memref<!tpu.dma_semaphore, #tpu.memory_space<semaphore_mem>>) src(%dma_wait3A_99 : memref<8192xf32, #tpu.memory_space<hbm>>) dst(%arg7 : memref<8192xf32, #tpu.memory_space<vmem>>)
    %parallel_loop3A_100 = arith.constant 0 : i32
    %parallel_loop3A_101 = arith.constant 8192 : i32
    %parallel_loop3A_102 = arith.constant 16 : i32
    scf.for %parallel_loop3A_188 = %parallel_loop3A_100 to %parallel_loop3A_101 step %parallel_loop3A_102  : i32 {
      %parallel_loop3A_189 = arith.index_cast %parallel_loop3A_188 : i32 to index
      %parallel_loop3A_190 = tpu.vector_load %arg13[%parallel_loop3A_189] {strides = array<i32>} : memref<8192xf32, #tpu.memory_space<vmem>>, vector<16xf32>,
      %parallel_loop3A_191 = vector.shape_cast %parallel_loop3A_190 : vector<16xf32> to vector<16xf32>
      %parallel_loop3A_192 = arith.index_cast %parallel_loop3A_188 : i32 to index
      %parallel_loop3A_193 = tpu.vector_load %arg7[%parallel_loop3A_192] {strides = array<i32>} : memref<8192xf32, #tpu.memory_space<vmem>>, vector<16xf32>,
      %parallel_loop3A_194 = vector.shape_cast %parallel_loop3A_193 : vector<16xf32> to vector<16xf32>
      %parallel_loop3A_195 = vector.shape_cast %parallel_loop3A_191 : vector<16xf32> to vector<16xf32>
      tpu.vector_store %arg7[%parallel_loop3A_192], %parallel_loop3A_195 {add = true, strides = array<i32>} : memref<8192xf32, #tpu.memory_space<vmem>>, vector<16xf32>,
    } {sc.loop_unroll_factor = 8 : i64, sc.parallel_access}
    %add3A_103 = arith.constant 245760 : i32
    %add3A_104 = arith.addi %mul3A_4, %add3A_103 : i32
    %dma_start3A_105 = arith.constant 2 : i32
    %dma_start3A_106 = tpu.memref_slice %arg4[%dma_start3A_105, %add3A_104] : memref<4x8388608xf32, #tpu.memory_space<hbm>> -> memref<1x8192xf32, #tpu.memory_space<hbm>>
    %dma_start3A_107 = tpu.memref_squeeze %dma_start3A_106 : memref<1x8192xf32, #tpu.memory_space<hbm>> -> memref<8192xf32, #tpu.memory_space<hbm>>
    %dma_start3A_108 = tpu.memref_slice %arg4[%dma_start3A_105, %add3A_104] : memref<4x8388608xf32, #tpu.memory_space<hbm>> -> memref<1x8192xf32, #tpu.memory_space<hbm>>
    %dma_start3A_109 = tpu.memref_squeeze %dma_start3A_108 : memref<1x8192xf32, #tpu.memory_space<hbm>> -> memref<8192xf32, #tpu.memory_space<hbm>>
    tpu.enqueue_dma source(%arg7 : memref<8192xf32, #tpu.memory_space<vmem>>) target(%dma_start3A_109 : memref<8192xf32, #tpu.memory_space<hbm>>) target_semaphore(%arg17 : memref<!tpu.dma_semaphore, #tpu.memory_space<semaphore_mem>>)
    %dma_wait3A_110 = tpu.memref_slice %arg3[%mul3A_4] : memref<8388608xf32, #tpu.memory_space<hbm>> -> memref<8192xf32, #tpu.memory_space<hbm>>
    %dma_wait3A_111 = tpu.memref_slice %arg3[%mul3A_4] : memref<8388608xf32, #tpu.memory_space<hbm>> -> memref<8192xf32, #tpu.memory_space<hbm>>
    tpu.wait_dma2 semaphore(%arg18 : memref<!tpu.dma_semaphore, #tpu.memory_space<semaphore_mem>>) src(%dma_wait3A_111 : memref<8192xf32, #tpu.memory_space<hbm>>) dst(%arg8 : memref<8192xf32, #tpu.memory_space<vmem>>)
    %parallel_loop3A_112 = arith.constant 0 : i32
    %parallel_loop3A_113 = arith.constant 8192 : i32
    %parallel_loop3A_114 = arith.constant 16 : i32
    scf.for %parallel_loop3A_188 = %parallel_loop3A_112 to %parallel_loop3A_113 step %parallel_loop3A_114  : i32 {
      %parallel_loop3A_189 = arith.index_cast %parallel_loop3A_188 : i32 to index
      %parallel_loop3A_190 = tpu.vector_load %arg13[%parallel_loop3A_189] {strides = array<i32>} : memref<8192xf32, #tpu.memory_space<vmem>>, vector<16xf32>,
      %parallel_loop3A_191 = vector.shape_cast %parallel_loop3A_190 : vector<16xf32> to vector<16xf32>
      %parallel_loop3A_192 = arith.index_cast %parallel_loop3A_188 : i32 to index
      %parallel_loop3A_193 = tpu.vector_load %arg8[%parallel_loop3A_192] {strides = array<i32>} : memref<8192xf32, #tpu.memory_space<vmem>>, vector<16xf32>,
      %parallel_loop3A_194 = vector.shape_cast %parallel_loop3A_193 : vector<16xf32> to vector<16xf32>
      %parallel_loop3A_195 = vector.shape_cast %parallel_loop3A_191 : vector<16xf32> to vector<16xf32>
      tpu.vector_store %arg8[%parallel_loop3A_192], %parallel_loop3A_195 {add = true, strides = array<i32>} : memref<8192xf32, #tpu.memory_space<vmem>>, vector<16xf32>,
    } {sc.loop_unroll_factor = 8 : i64, sc.parallel_access}
    %add3A_115 = arith.constant 245760 : i32
    %add3A_116 = arith.addi %mul3A_4, %add3A_115 : i32
    %dma_start3A_117 = arith.constant 3 : i32
    %dma_start3A_118 = tpu.memref_slice %arg4[%dma_start3A_117, %add3A_116] : memref<4x8388608xf32, #tpu.memory_space<hbm>> -> memref<1x8192xf32, #tpu.memory_space<hbm>>
    %dma_start3A_119 = tpu.memref_squeeze %dma_start3A_118 : memref<1x8192xf32, #tpu.memory_space<hbm>> -> memref<8192xf32, #tpu.memory_space<hbm>>
    %dma_start3A_120 = tpu.memref_slice %arg4[%dma_start3A_117, %add3A_116] : memref<4x8388608xf32, #tpu.memory_space<hbm>> -> memref<1x8192xf32, #tpu.memory_space<hbm>>
    %dma_start3A_121 = tpu.memref_squeeze %dma_start3A_120 : memref<1x8192xf32, #tpu.memory_space<hbm>> -> memref<8192xf32, #tpu.memory_space<hbm>>
    tpu.enqueue_dma source(%arg8 : memref<8192xf32, #tpu.memory_space<vmem>>) target(%dma_start3A_121 : memref<8192xf32, #tpu.memory_space<hbm>>) target_semaphore(%arg18 : memref<!tpu.dma_semaphore, #tpu.memory_space<semaphore_mem>>)
    %dma_wait3A_122 = tpu.memref_slice %arg3[%mul3A_4] : memref<8388608xf32, #tpu.memory_space<hbm>> -> memref<8192xf32, #tpu.memory_space<hbm>>
    %dma_wait3A_123 = tpu.memref_slice %arg3[%mul3A_4] : memref<8388608xf32, #tpu.memory_space<hbm>> -> memref<8192xf32, #tpu.memory_space<hbm>>
    tpu.wait_dma2 semaphore(%arg24 : memref<!tpu.dma_semaphore, #tpu.memory_space<semaphore_mem>>) src(%dma_wait3A_123 : memref<8192xf32, #tpu.memory_space<hbm>>) dst(%arg14 : memref<8192xf32, #tpu.memory_space<vmem>>)
    %dma_wait3A_124 = tpu.memref_slice %arg3[%mul3A_4] : memref<8388608xf32, #tpu.memory_space<hbm>> -> memref<8192xf32, #tpu.memory_space<hbm>>
    %dma_wait3A_125 = tpu.memref_slice %arg3[%mul3A_4] : memref<8388608xf32, #tpu.memory_space<hbm>> -> memref<8192xf32, #tpu.memory_space<hbm>>
    tpu.wait_dma2 semaphore(%arg19 : memref<!tpu.dma_semaphore, #tpu.memory_space<semaphore_mem>>) src(%dma_wait3A_125 : memref<8192xf32, #tpu.memory_space<hbm>>) dst(%arg9 : memref<8192xf32, #tpu.memory_space<vmem>>)
    %parallel_loop3A_126 = arith.constant 0 : i32
    %parallel_loop3A_127 = arith.constant 8192 : i32
    %parallel_loop3A_128 = arith.constant 16 : i32
    scf.for %parallel_loop3A_188 = %parallel_loop3A_126 to %parallel_loop3A_127 step %parallel_loop3A_128  : i32 {
      %parallel_loop3A_189 = arith.index_cast %parallel_loop3A_188 : i32 to index
      %parallel_loop3A_190 = tpu.vector_load %arg14[%parallel_loop3A_189] {strides = array<i32>} : memref<8192xf32, #tpu.memory_space<vmem>>, vector<16xf32>,
      %parallel_loop3A_191 = vector.shape_cast %parallel_loop3A_190 : vector<16xf32> to vector<16xf32>
      %parallel_loop3A_192 = arith.index_cast %parallel_loop3A_188 : i32 to index
      %parallel_loop3A_193 = tpu.vector_load %arg9[%parallel_loop3A_192] {strides = array<i32>} : memref<8192xf32, #tpu.memory_space<vmem>>, vector<16xf32>,
      %parallel_loop3A_194 = vector.shape_cast %parallel_loop3A_193 : vector<16xf32> to vector<16xf32>
      %parallel_loop3A_195 = vector.shape_cast %parallel_loop3A_191 : vector<16xf32> to vector<16xf32>
      tpu.vector_store %arg9[%parallel_loop3A_192], %parallel_loop3A_195 {add = true, strides = array<i32>} : memref<8192xf32, #tpu.memory_space<vmem>>, vector<16xf32>,
    } {sc.loop_unroll_factor = 8 : i64, sc.parallel_access}
    %add3A_129 = arith.constant 253952 : i32
    %add3A_130 = arith.addi %mul3A_4, %add3A_129 : i32
    %dma_start3A_131 = arith.constant 0 : i32
    %dma_start3A_132 = tpu.memref_slice %arg4[%dma_start3A_131, %add3A_130] : memref<4x8388608xf32, #tpu.memory_space<hbm>> -> memref<1x8192xf32, #tpu.memory_space<hbm>>
    %dma_start3A_133 = tpu.memref_squeeze %dma_start3A_132 : memref<1x8192xf32, #tpu.memory_space<hbm>> -> memref<8192xf32, #tpu.memory_space<hbm>>
    %dma_start3A_134 = tpu.memref_slice %arg4[%dma_start3A_131, %add3A_130] : memref<4x8388608xf32, #tpu.memory_space<hbm>> -> memref<1x8192xf32, #tpu.memory_space<hbm>>
    %dma_start3A_135 = tpu.memref_squeeze %dma_start3A_134 : memref<1x8192xf32, #tpu.memory_space<hbm>> -> memref<8192xf32, #tpu.memory_space<hbm>>
    tpu.enqueue_dma source(%arg9 : memref<8192xf32, #tpu.memory_space<vmem>>) target(%dma_start3A_135 : memref<8192xf32, #tpu.memory_space<hbm>>) target_semaphore(%arg19 : memref<!tpu.dma_semaphore, #tpu.memory_space<semaphore_mem>>)
    %dma_wait3A_136 = tpu.memref_slice %arg3[%mul3A_4] : memref<8388608xf32, #tpu.memory_space<hbm>> -> memref<8192xf32, #tpu.memory_space<hbm>>
    %dma_wait3A_137 = tpu.memref_slice %arg3[%mul3A_4] : memref<8388608xf32, #tpu.memory_space<hbm>> -> memref<8192xf32, #tpu.memory_space<hbm>>
    tpu.wait_dma2 semaphore(%arg20 : memref<!tpu.dma_semaphore, #tpu.memory_space<semaphore_mem>>) src(%dma_wait3A_137 : memref<8192xf32, #tpu.memory_space<hbm>>) dst(%arg10 : memref<8192xf32, #tpu.memory_space<vmem>>)
    %parallel_loop3A_138 = arith.constant 0 : i32
    %parallel_loop3A_139 = arith.constant 8192 : i32
    %parallel_loop3A_140 = arith.constant 16 : i32
    scf.for %parallel_loop3A_188 = %parallel_loop3A_138 to %parallel_loop3A_139 step %parallel_loop3A_140  : i32 {
      %parallel_loop3A_189 = arith.index_cast %parallel_loop3A_188 : i32 to index
      %parallel_loop3A_190 = tpu.vector_load %arg14[%parallel_loop3A_189] {strides = array<i32>} : memref<8192xf32, #tpu.memory_space<vmem>>, vector<16xf32>,
      %parallel_loop3A_191 = vector.shape_cast %parallel_loop3A_190 : vector<16xf32> to vector<16xf32>
      %parallel_loop3A_192 = arith.index_cast %parallel_loop3A_188 : i32 to index
      %parallel_loop3A_193 = tpu.vector_load %arg10[%parallel_loop3A_192] {strides = array<i32>} : memref<8192xf32, #tpu.memory_space<vmem>>, vector<16xf32>,
      %parallel_loop3A_194 = vector.shape_cast %parallel_loop3A_193 : vector<16xf32> to vector<16xf32>
      %parallel_loop3A_195 = vector.shape_cast %parallel_loop3A_191 : vector<16xf32> to vector<16xf32>
      tpu.vector_store %arg10[%parallel_loop3A_192], %parallel_loop3A_195 {add = true, strides = array<i32>} : memref<8192xf32, #tpu.memory_space<vmem>>, vector<16xf32>,
    } {sc.loop_unroll_factor = 8 : i64, sc.parallel_access}
    %add3A_141 = arith.constant 253952 : i32
    %add3A_142 = arith.addi %mul3A_4, %add3A_141 : i32
    %dma_start3A_143 = arith.constant 1 : i32
    %dma_start3A_144 = tpu.memref_slice %arg4[%dma_start3A_143, %add3A_142] : memref<4x8388608xf32, #tpu.memory_space<hbm>> -> memref<1x8192xf32, #tpu.memory_space<hbm>>
    %dma_start3A_145 = tpu.memref_squeeze %dma_start3A_144 : memref<1x8192xf32, #tpu.memory_space<hbm>> -> memref<8192xf32, #tpu.memory_space<hbm>>
    %dma_start3A_146 = tpu.memref_slice %arg4[%dma_start3A_143, %add3A_142] : memref<4x8388608xf32, #tpu.memory_space<hbm>> -> memref<1x8192xf32, #tpu.memory_space<hbm>>
    %dma_start3A_147 = tpu.memref_squeeze %dma_start3A_146 : memref<1x8192xf32, #tpu.memory_space<hbm>> -> memref<8192xf32, #tpu.memory_space<hbm>>
    tpu.enqueue_dma source(%arg10 : memref<8192xf32, #tpu.memory_space<vmem>>) target(%dma_start3A_147 : memref<8192xf32, #tpu.memory_space<hbm>>) target_semaphore(%arg20 : memref<!tpu.dma_semaphore, #tpu.memory_space<semaphore_mem>>)
    %dma_wait3A_148 = tpu.memref_slice %arg3[%mul3A_4] : memref<8388608xf32, #tpu.memory_space<hbm>> -> memref<8192xf32, #tpu.memory_space<hbm>>
    %dma_wait3A_149 = tpu.memref_slice %arg3[%mul3A_4] : memref<8388608xf32, #tpu.memory_space<hbm>> -> memref<8192xf32, #tpu.memory_space<hbm>>
    tpu.wait_dma2 semaphore(%arg21 : memref<!tpu.dma_semaphore, #tpu.memory_space<semaphore_mem>>) src(%dma_wait3A_149 : memref<8192xf32, #tpu.memory_space<hbm>>) dst(%arg11 : memref<8192xf32, #tpu.memory_space<vmem>>)
    %parallel_loop3A_150 = arith.constant 0 : i32
    %parallel_loop3A_151 = arith.constant 8192 : i32
    %parallel_loop3A_152 = arith.constant 16 : i32
    scf.for %parallel_loop3A_188 = %parallel_loop3A_150 to %parallel_loop3A_151 step %parallel_loop3A_152  : i32 {
      %parallel_loop3A_189 = arith.index_cast %parallel_loop3A_188 : i32 to index
      %parallel_loop3A_190 = tpu.vector_load %arg14[%parallel_loop3A_189] {strides = array<i32>} : memref<8192xf32, #tpu.memory_space<vmem>>, vector<16xf32>,
      %parallel_loop3A_191 = vector.shape_cast %parallel_loop3A_190 : vector<16xf32> to vector<16xf32>
      %parallel_loop3A_192 = arith.index_cast %parallel_loop3A_188 : i32 to index
      %parallel_loop3A_193 = tpu.vector_load %arg11[%parallel_loop3A_192] {strides = array<i32>} : memref<8192xf32, #tpu.memory_space<vmem>>, vector<16xf32>,
      %parallel_loop3A_194 = vector.shape_cast %parallel_loop3A_193 : vector<16xf32> to vector<16xf32>
      %parallel_loop3A_195 = vector.shape_cast %parallel_loop3A_191 : vector<16xf32> to vector<16xf32>
      tpu.vector_store %arg11[%parallel_loop3A_192], %parallel_loop3A_195 {add = true, strides = array<i32>} : memref<8192xf32, #tpu.memory_space<vmem>>, vector<16xf32>,
    } {sc.loop_unroll_factor = 8 : i64, sc.parallel_access}
    %add3A_153 = arith.constant 253952 : i32
    %add3A_154 = arith.addi %mul3A_4, %add3A_153 : i32
    %dma_start3A_155 = arith.constant 2 : i32
    %dma_start3A_156 = tpu.memref_slice %arg4[%dma_start3A_155, %add3A_154] : memref<4x8388608xf32, #tpu.memory_space<hbm>> -> memref<1x8192xf32, #tpu.memory_space<hbm>>
    %dma_start3A_157 = tpu.memref_squeeze %dma_start3A_156 : memref<1x8192xf32, #tpu.memory_space<hbm>> -> memref<8192xf32, #tpu.memory_space<hbm>>
    %dma_start3A_158 = tpu.memref_slice %arg4[%dma_start3A_155, %add3A_154] : memref<4x8388608xf32, #tpu.memory_space<hbm>> -> memref<1x8192xf32, #tpu.memory_space<hbm>>
    %dma_start3A_159 = tpu.memref_squeeze %dma_start3A_158 : memref<1x8192xf32, #tpu.memory_space<hbm>> -> memref<8192xf32, #tpu.memory_space<hbm>>
    tpu.enqueue_dma source(%arg11 : memref<8192xf32, #tpu.memory_space<vmem>>) target(%dma_start3A_159 : memref<8192xf32, #tpu.memory_space<hbm>>) target_semaphore(%arg21 : memref<!tpu.dma_semaphore, #tpu.memory_space<semaphore_mem>>)
    %dma_wait3A_160 = tpu.memref_slice %arg3[%mul3A_4] : memref<8388608xf32, #tpu.memory_space<hbm>> -> memref<8192xf32, #tpu.memory_space<hbm>>
    %dma_wait3A_161 = tpu.memref_slice %arg3[%mul3A_4] : memref<8388608xf32, #tpu.memory_space<hbm>> -> memref<8192xf32, #tpu.memory_space<hbm>>
    tpu.wait_dma2 semaphore(%arg22 : memref<!tpu.dma_semaphore, #tpu.memory_space<semaphore_mem>>) src(%dma_wait3A_161 : memref<8192xf32, #tpu.memory_space<hbm>>) dst(%arg12 : memref<8192xf32, #tpu.memory_space<vmem>>)
    %parallel_loop3A_162 = arith.constant 0 : i32
    %parallel_loop3A_163 = arith.constant 8192 : i32
    %parallel_loop3A_164 = arith.constant 16 : i32
    scf.for %parallel_loop3A_188 = %parallel_loop3A_162 to %parallel_loop3A_163 step %parallel_loop3A_164  : i32 {
      %parallel_loop3A_189 = arith.index_cast %parallel_loop3A_188 : i32 to index
      %parallel_loop3A_190 = tpu.vector_load %arg14[%parallel_loop3A_189] {strides = array<i32>} : memref<8192xf32, #tpu.memory_space<vmem>>, vector<16xf32>,
      %parallel_loop3A_191 = vector.shape_cast %parallel_loop3A_190 : vector<16xf32> to vector<16xf32>
      %parallel_loop3A_192 = arith.index_cast %parallel_loop3A_188 : i32 to index
      %parallel_loop3A_193 = tpu.vector_load %arg12[%parallel_loop3A_192] {strides = array<i32>} : memref<8192xf32, #tpu.memory_space<vmem>>, vector<16xf32>,
      %parallel_loop3A_194 = vector.shape_cast %parallel_loop3A_193 : vector<16xf32> to vector<16xf32>
      %parallel_loop3A_195 = vector.shape_cast %parallel_loop3A_191 : vector<16xf32> to vector<16xf32>
      tpu.vector_store %arg12[%parallel_loop3A_192], %parallel_loop3A_195 {add = true, strides = array<i32>} : memref<8192xf32, #tpu.memory_space<vmem>>, vector<16xf32>,
    } {sc.loop_unroll_factor = 8 : i64, sc.parallel_access}
    %add3A_165 = arith.constant 253952 : i32
    %add3A_166 = arith.addi %mul3A_4, %add3A_165 : i32
    %dma_start3A_167 = arith.constant 3 : i32
    %dma_start3A_168 = tpu.memref_slice %arg4[%dma_start3A_167, %add3A_166] : memref<4x8388608xf32, #tpu.memory_space<hbm>> -> memref<1x8192xf32, #tpu.memory_space<hbm>>
    %dma_start3A_169 = tpu.memref_squeeze %dma_start3A_168 : memref<1x8192xf32, #tpu.memory_space<hbm>> -> memref<8192xf32, #tpu.memory_space<hbm>>
    %dma_start3A_170 = tpu.memref_slice %arg4[%dma_start3A_167, %add3A_166] : memref<4x8388608xf32, #tpu.memory_space<hbm>> -> memref<1x8192xf32, #tpu.memory_space<hbm>>
    %dma_start3A_171 = tpu.memref_squeeze %dma_start3A_170 : memref<1x8192xf32, #tpu.memory_space<hbm>> -> memref<8192xf32, #tpu.memory_space<hbm>>
    tpu.enqueue_dma source(%arg12 : memref<8192xf32, #tpu.memory_space<vmem>>) target(%dma_start3A_171 : memref<8192xf32, #tpu.memory_space<hbm>>) target_semaphore(%arg22 : memref<!tpu.dma_semaphore, #tpu.memory_space<semaphore_mem>>)
    %dma_wait3A_172 = tpu.memref_slice %arg3[%mul3A_4] : memref<8388608xf32, #tpu.memory_space<hbm>> -> memref<8192xf32, #tpu.memory_space<hbm>>
    %dma_wait3A_173 = tpu.memref_slice %arg3[%mul3A_4] : memref<8388608xf32, #tpu.memory_space<hbm>> -> memref<8192xf32, #tpu.memory_space<hbm>>
    tpu.wait_dma2 semaphore(%arg15 : memref<!tpu.dma_semaphore, #tpu.memory_space<semaphore_mem>>) src(%dma_wait3A_173 : memref<8192xf32, #tpu.memory_space<hbm>>) dst(%arg5 : memref<8192xf32, #tpu.memory_space<vmem>>)
    %dma_wait3A_174 = tpu.memref_slice %arg3[%mul3A_4] : memref<8388608xf32, #tpu.memory_space<hbm>> -> memref<8192xf32, #tpu.memory_space<hbm>>
    %dma_wait3A_175 = tpu.memref_slice %arg3[%mul3A_4] : memref<8388608xf32, #tpu.memory_space<hbm>> -> memref<8192xf32, #tpu.memory_space<hbm>>
    tpu.wait_dma2 semaphore(%arg16 : memref<!tpu.dma_semaphore, #tpu.memory_space<semaphore_mem>>) src(%dma_wait3A_175 : memref<8192xf32, #tpu.memory_space<hbm>>) dst(%arg6 : memref<8192xf32, #tpu.memory_space<vmem>>)
    %dma_wait3A_176 = tpu.memref_slice %arg3[%mul3A_4] : memref<8388608xf32, #tpu.memory_space<hbm>> -> memref<8192xf32, #tpu.memory_space<hbm>>
    %dma_wait3A_177 = tpu.memref_slice %arg3[%mul3A_4] : memref<8388608xf32, #tpu.memory_space<hbm>> -> memref<8192xf32, #tpu.memory_space<hbm>>
    tpu.wait_dma2 semaphore(%arg17 : memref<!tpu.dma_semaphore, #tpu.memory_space<semaphore_mem>>) src(%dma_wait3A_177 : memref<8192xf32, #tpu.memory_space<hbm>>) dst(%arg7 : memref<8192xf32, #tpu.memory_space<vmem>>)
    %dma_wait3A_178 = tpu.memref_slice %arg3[%mul3A_4] : memref<8388608xf32, #tpu.memory_space<hbm>> -> memref<8192xf32, #tpu.memory_space<hbm>>
    %dma_wait3A_179 = tpu.memref_slice %arg3[%mul3A_4] : memref<8388608xf32, #tpu.memory_space<hbm>> -> memref<8192xf32, #tpu.memory_space<hbm>>
    tpu.wait_dma2 semaphore(%arg18 : memref<!tpu.dma_semaphore, #tpu.memory_space<semaphore_mem>>) src(%dma_wait3A_179 : memref<8192xf32, #tpu.memory_space<hbm>>) dst(%arg8 : memref<8192xf32, #tpu.memory_space<vmem>>)
    %dma_wait3A_180 = tpu.memref_slice %arg3[%mul3A_4] : memref<8388608xf32, #tpu.memory_space<hbm>> -> memref<8192xf32, #tpu.memory_space<hbm>>
    %dma_wait3A_181 = tpu.memref_slice %arg3[%mul3A_4] : memref<8388608xf32, #tpu.memory_space<hbm>> -> memref<8192xf32, #tpu.memory_space<hbm>>
    tpu.wait_dma2 semaphore(%arg19 : memref<!tpu.dma_semaphore, #tpu.memory_space<semaphore_mem>>) src(%dma_wait3A_181 : memref<8192xf32, #tpu.memory_space<hbm>>) dst(%arg9 : memref<8192xf32, #tpu.memory_space<vmem>>)
    %dma_wait3A_182 = tpu.memref_slice %arg3[%mul3A_4] : memref<8388608xf32, #tpu.memory_space<hbm>> -> memref<8192xf32, #tpu.memory_space<hbm>>
    %dma_wait3A_183 = tpu.memref_slice %arg3[%mul3A_4] : memref<8388608xf32, #tpu.memory_space<hbm>> -> memref<8192xf32, #tpu.memory_space<hbm>>
    tpu.wait_dma2 semaphore(%arg20 : memref<!tpu.dma_semaphore, #tpu.memory_space<semaphore_mem>>) src(%dma_wait3A_183 : memref<8192xf32, #tpu.memory_space<hbm>>) dst(%arg10 : memref<8192xf32, #tpu.memory_space<vmem>>)
    %dma_wait3A_184 = tpu.memref_slice %arg3[%mul3A_4] : memref<8388608xf32, #tpu.memory_space<hbm>> -> memref<8192xf32, #tpu.memory_space<hbm>>
    %dma_wait3A_185 = tpu.memref_slice %arg3[%mul3A_4] : memref<8388608xf32, #tpu.memory_space<hbm>> -> memref<8192xf32, #tpu.memory_space<hbm>>
    tpu.wait_dma2 semaphore(%arg21 : memref<!tpu.dma_semaphore, #tpu.memory_space<semaphore_mem>>) src(%dma_wait3A_185 : memref<8192xf32, #tpu.memory_space<hbm>>) dst(%arg11 : memref<8192xf32, #tpu.memory_space<vmem>>)
    %dma_wait3A_186 = tpu.memref_slice %arg3[%mul3A_4] : memref<8388608xf32, #tpu.memory_space<hbm>> -> memref<8192xf32, #tpu.memory_space<hbm>>
    %dma_wait3A_187 = tpu.memref_slice %arg3[%mul3A_4] : memref<8388608xf32, #tpu.memory_space<hbm>> -> memref<8192xf32, #tpu.memory_space<hbm>>
    tpu.wait_dma2 semaphore(%arg22 : memref<!tpu.dma_semaphore, #tpu.memory_space<semaphore_mem>>) src(%dma_wait3A_187 : memref<8192xf32, #tpu.memory_space<hbm>>) dst(%arg12 : memref<8192xf32, #tpu.memory_space<vmem>>)
    return
  }
}

</mosaic_0001>

<sc_bundles>
// kernel: kernel.3.cloned.1.call-start
scs
__scs_entry_jumppad:
0x0: {  	(pc) =	sbr.rel $0x88, $3  }
0x1: {  	(tag) =	ssettag $0x0;
	lr =	simm.s32 $0x1  }
0x2: {  	[smem:$0x3F9F] =	sst lr;
	_ =	strace $0xD0000000  }
0x3: {  	_ = 	snop  }
0x4: {  	_ = 	snop  }
0x5: {  	_ = 	snop  }
0x6: {  	_ = 	snop  }
0x7: {  	_ = 	snop  }
__scs_overlays_trampoline_lowered:
0x8: {  	[smem:$0x3FAE] =	sst s0  }
0x9: {  	[smem:$0x3FAF] =	sst s1  }
0xa: {  	[smem:$0x3FB0] =	sst s2  }
0xb: {  	[smem:$0x3FB1] =	sst s3  }
0xc: {  	[smem:$0x3FB2] =	sst s4  }
0xd: {  	[smem:$0x3FB3] =	sst s5  }
0xe: {  	[smem:$0x3FB4] =	sst s6  }
0xf: {  	[smem:$0x3FB5] =	sst s7  }
0x10: {  	[smem:$0x3FB6] =	sst s8  }
0x11: {  	[smem:$0x3FB7] =	sst s9;
	s0 =	simm.s32 @!p0 $0x0  }
0x12: {  	s1 =	sld [smem:$0x3F9D];
	s0 =	simm.s32 @p0 $0x1  }
0x13: {  	[smem:$0x3FB8] =	sst s0;
	s0 =	simm.s32 @!p1 $0x0  }
0x14: {  	s2 =	sld [smem:$0x3F9C];
	s0 =	simm.s32 @p1 $0x1  }
0x15: {  	[smem:$0x3FB9] =	sst s0;
	s0 =	simm.s32 @!p2 $0x0  }
0x16: {  	s3 =	sld [smem:$0x3FDB];
	s0 =	simm.s32 @p2 $0x1  }
0x17: {  	s4 =	simm.s32 $0x1BF5;
	[smem:$0x3FBB] =	sst s0  }
0x18: {  	s0 =	sld [smem:$0x3F9E];
	_ =	swait.ge [sflag:s4], $0x0  }
0x19: {  	s7 =	sld [smem:$0x3F9F]  }
0x1a: {  	s8 =	sadd.s32 $0xFFFFE003, lr  }
0x1b: {  	s9 =	sadd.s32 $0xFFFFFEF7, lr;
	s5 =	simm.s32 $0xFFFFFFFF;
	p2 =	slt.u32 s8, $0xFFFFF086  }
0x1c: {  	p1 =	slt.u32 s9, $0xF7A;
	s5 =	simm.s32 @!p2 $0x0  }
0x1d: {  	s5 =	simm.s32 @p1 $0x1;
	p0 =	seq.s32 s7, s2  }
0x1e: {  	s7 =	smul.u32 @!p0 $0xF7A, s2;
	p2 =	seq.s32 @!p0 s5, $0x0  }
0x1f: {  	s9 =	smul.u32 $0xF7A, s1;
	s8 =	simm.s32 @!p0 $0x1BF5;
	p2 =	por !p2, p0  }
0x20: {  	[sflag:s8] =	ssyncset.s32 @!p0 $0xFFFFF086;
	s6 =	sadd.s32 @!p0 s3, s7;
	s7 =	simm.s32 @!p0 $0x108  }
0x21: {  	s3 =	sadd.s32 s3, s9;
	s6 =	sadd.s32 @!p0 $0x88, s6;
	s7 =	simm.s32 @p2 $0x1082  }
0x22: {  	[simem:s7], [sflag:s8] =	dma.local @!p0 [hbm:s6], $0xF7A  }
0x23: {  	s9 =	sor.u32 $0xD0000000, s2;
	s6 =	simm.s32 $0x108;
	_ =	swait.ge @!p0 [sflag:s8], $0x0  }
0x24: {  	s3 =	sadd.s32 $0x88, s3;
	s6 =	simm.s32 @!p1 $0x1082;
	[sflag:s4] =	ssyncset.s32 $0xFFFFF086  }
0x25: {  	[simem:s6], [sflag:s4] =	dma.local [hbm:s3], $0xF7A  }
0x26: {  	[smem:$0x3F9F] =	sst s1;
	(tag) =	ssettag s2;
	_ =	strace s9  }
0x27: {  	s1 =	sld [smem:$0x3FAF]  }
0x28: {  	s2 =	sld [smem:$0x3FB0]  }
0x29: {  	s4 =	sld [smem:$0x3FB2]  }
0x2a: {  	p0 =	seq.s32 s5, $0x0;
	s5 =	sld [smem:$0x3FB3]  }
0x2b: {  	s6 =	sld [smem:$0x3FB4]  }
0x2c: {  	s7 =	sld [smem:$0x3FB5]  }
0x2d: {  	s3 =	simm.s32 $0x108;
	s8 =	sld [smem:$0x3FB6]  }
0x2e: {  	s3 =	simm.s32 @!p0 $0x1082;
	s9 =	sld [smem:$0x3FB7]  }
0x2f: {  	lr =	sadd.s32 s0, s3;
	s0 =	sld [smem:$0x3FAE]  }
0x30: {  	s3 =	sld [smem:$0x3FB1]  }
0x31: {  	[smem:$0x3FBA] =	sst s10  }
0x32: {  	s10 =	sld [smem:$0x3FB8];
	_ =	sdelay $0x3  }
0x33: {  	p0 =	seq.s32 s10, $0x1;
	s10 =	sld [smem:$0x3FBA];
	_ =	sdelay $0x3  }
0x34: {  	[smem:$0x3FBA] =	sst s10  }
0x35: {  	s10 =	sld [smem:$0x3FB9];
	_ =	sdelay $0x3  }
0x36: {  	p1 =	seq.s32 s10, $0x1;
	s10 =	sld [smem:$0x3FBA];
	_ =	sdelay $0x3  }
0x37: {  	[smem:$0x3FBA] =	sst s10  }
0x38: {  	s10 =	sld [smem:$0x3FBB]  }
0x39: {  	_ = 	snop;
	(pc) =	sbr.ind lr, $3  }
0x3a: {  	_ = 	snop  }
0x3b: {  	_ = 	snop  }
0x3c: {  	p2 =	seq.s32 s10, $0x1;
	s10 =	sld [smem:$0x3FBA]  }
0x3d: {  	_ =	shalt  }
0x3e: {  	_ =	shalt  }
0x3f: {  	_ =	shalt  }
0x40: {  	_ =	shalt  }
0x41: {  	_ =	shalt  }
0x42: {  	_ =	shalt  }
0x43: {  	_ =	shalt  }
0x44: {  	_ =	shalt  }
0x45: {  	_ =	shalt  }
0x46: {  	_ =	shalt  }
0x47: {  	_ =	shalt  }
0x48: {  	_ =	shalt  }
0x49: {  	_ =	shalt  }
0x4a: {  	_ =	shalt  }
0x4b: {  	_ =	shalt  }
0x4c: {  	_ =	shalt  }
0x4d: {  	_ =	shalt  }
0x4e: {  	_ =	shalt  }
0x4f: {  	_ =	shalt  }
0x50: {  	_ =	shalt  }
0x51: {  	_ =	shalt  }
0x52: {  	_ =	shalt  }
0x53: {  	_ =	shalt  }
0x54: {  	_ =	shalt  }
0x55: {  	_ =	shalt  }
0x56: {  	_ =	shalt  }
0x57: {  	_ =	shalt  }
0x58: {  	_ =	shalt  }
0x59: {  	_ =	shalt  }
0x5a: {  	_ =	shalt  }
0x5b: {  	_ =	shalt  }
0x5c: {  	_ =	shalt  }
0x5d: {  	_ =	shalt  }
0x5e: {  	_ =	shalt  }
0x5f: {  	_ =	shalt  }
0x60: {  	_ =	shalt  }
0x61: {  	_ =	shalt  }
0x62: {  	_ =	shalt  }
0x63: {  	_ =	shalt  }
0x64: {  	_ =	shalt  }
0x65: {  	_ =	shalt  }
0x66: {  	_ =	shalt  }
0x67: {  	_ =	shalt  }
0x68: {  	_ =	shalt  }
0x69: {  	_ =	shalt  }
0x6a: {  	_ =	shalt  }
0x6b: {  	_ =	shalt  }
0x6c: {  	_ =	shalt  }
0x6d: {  	_ =	shalt  }
0x6e: {  	_ =	shalt  }
0x6f: {  	_ =	shalt  }
0x70: {  	_ =	shalt  }
0x71: {  	_ =	shalt  }
0x72: {  	_ =	shalt  }
0x73: {  	_ =	shalt  }
0x74: {  	_ =	shalt  }
0x75: {  	_ =	shalt  }
0x76: {  	_ =	shalt  }
0x77: {  	_ =	shalt  }
0x78: {  	_ =	shalt  }
0x79: {  	_ =	shalt  }
0x7a: {  	_ =	shalt  }
0x7b: {  	_ =	shalt  }
0x7c: {  	_ =	shalt  }
0x7d: {  	_ =	shalt  }
0x7e: {  	_ =	shalt  }
0x7f: {  	_ =	shalt  }
0x80: {  	_ =	shalt  }
0x81: {  	_ =	shalt  }
0x82: {  	_ =	shalt  }
0x83: {  	_ =	shalt  }
0x84: {  	_ =	shalt  }
0x85: {  	_ =	shalt  }
0x86: {  	_ =	shalt  }
0x87: {  	_ =	shalt  }
.Lfunc_end0:
.L_simem_size_0:
called_computation.3_lowered:
.L_overlay_start_0:
0x88: {  	s2 =	sld [smem:$0x3FD9]  }
0x89: {  	s3 =	sld [smem:$0x3FFE];
	_ =	sdelay $0x1  }
0x8a: {  	s1 =	srdreg.scid  }
0x8b: {  	s0 =	sand.u32 $0x1, s1  }
0x8c: {  	s17 =	sshll.u32 s0, $0xA;
	s2 =	sadd.s32 s3, s2  }
0x8d: {  	s2 =	sadd.s32 s2, s17  }
0x8e: {  	[smem:$0x3FC6] =	sst s2  }
0x8f: {  	_ = 	snop  }
0x90: {  	s2 =	sld [smem:$0x3FD0];
	(tm) =	ssettm $0x1  }
0x91: {  	s18 =	sld [smem:$0x3FFB];
	_ =	sdelay $0x3  }
0x92: {  	_ =	strace s18  }
0x93: {  	s3 =	sld [smem:$0x3FFC];
	_ =	sdelay $0x3  }
0x94: {  	_ =	strace s3  }
0x95: {  	s3 =	sld [smem:$0x3FFD];
	_ =	sdelay $0x3  }
0x96: {  	_ =	strace s3  }
0x97: {  	_ =	strace $0x8FFFFFFF  }
0x98: {  	s19 =	sld [smem:$0x3FDB];
	_ =	sdelay $0x1  }
0x99: {  	s4 =	simm.s32 $_scs_section_size  }
0x9a: {  	s5 =	simm.s32 $_size__tile_overlayer_lowered;
	s6 =	simm.s32 $_tile_overlayer_lowered  }
0x9b: {  	s22 =	simm.s32 $0x1BFF;
	s21 =	sshll.u32 s6, $0x1;
	s3 =	sadd.s32 s4, s19  }
0x9c: {  	s7 =	simm.s32 $0x0;
	s20 =	sshll.u32 s5, $0x1;
	s5 =	sadd.s32 s21, s3  }
0x9d: {  	[timem:s7], [sflag:s22] =	dma.local [hbm:s5], s20  }
0x9e: {  	_ =	swait.ge [sflag:s22], s20  }
0x9f: {  	s4 =	ssub.s32 $0x0, s20;
	[sflag:s22] =	ssyncset.done $0x0  }
0xa0: {  	[sflag:s22] =	ssyncadd.s32 s4;
	_ =	sdelay $0x1  }
0xa1: {  	s23 =	simm.s32 $0x1B8B  }
0xa2: {  	_ =	swait.ge [sflag:s23], $0x1  }
0xa3: {  	[sflag:s23] =	ssyncset.done $0x0  }
0xa4: {  	s25 =	simm.s32 $0x1B8E;
	s24 =	sld [smem:$0x3FFE];
	[sflag:s23] =	ssyncadd.s32 $0xFFFFFFFF  }
0xa5: {  	s26 =	simm.s32 $execute0_lowered;
	[smem:$0x3FD2] =	sst s25  }
0xa6: {  	s5 =	sshll.u32 s26, $0x1;
	_ =	strace $0x8000004C;
	[dreg:$0x1] =	wrdreg $0xFFFFFFFF  }
0xa7: {  	s28 =	simm.s32 $_size_execute0_lowered;
	s3 =	sadd.s32 s3, s5;
	[dreg:$0x0] =	wrdreg $0x0  }
0xa8: {  	s5 =	sshll.u32 s28, $0x1;
	[dreg:$0x2] =	wrdreg s3  }
0xa9: {  	[dreg:$0x3] =	wrdreg s5  }
0xaa: {  	[dreg:$0x4] =	wrdreg $0xC0  }
0xab: {  	_ =	task [dreg:s7], $0x5FFFF  }
0xac: {  	[dreg:$0x1] =	wrdreg $0xFFFFFFFF  }
0xad: {  	[dreg:$0x0] =	wrdreg $0x60  }
0xae: {  	[dreg:$0x2] =	wrdreg s2  }
0xaf: {  	[dreg:$0x3] =	wrdreg s24  }
0xb0: {  	[dreg:$0x4] =	wrdreg $0x9  }
0xb1: {  	_ =	task.clear_ibuf [dreg:s7], $0x5FFFF;
	_ =	strace $0x9000004C  }
0xb2: {  	s29 =	simm.s32 $0x9;
	_ =	strace $0x8000004E  }
0xb3: {  	_ =	swait.ge [sflag:s29], $0x1  }
0xb4: {  	[sflag:s29] =	ssyncadd.s32 $0xFFFFFFFF  }
0xb5: {  	_ =	strace $0x9000004E  }
0xb6: {  	_ =	sfence  }
0xb7: {  	s30 =	sld [smem:$0x0];
	_ =	sdelay $0x2  }
0xb8: {  	s31 =	sshll.u32 s1, $0xD;
	s1 =	sshrl.u32 s1, $0x2  }
0xb9: {  	s3 =	sand.u32 $0x4000, s31;
	s1 =	sadd.s32 s1, s30  }
0xba: {  	s0 =	sor.u32 s3, s0;
	s1 =	sshll.u32 s1, $0x11  }
0xbb: {  	s0 =	sor.u32 s1, s0  }
0xbc: {  	s0 =	sadd.s32 $0x8F2B, s0  }
0xbd: {  	[sflag:s0] =	ssyncadd.remote.s32 $0x1  }
0xbe: {  	_ =	sfence.sel $0xFFFF  }
0xbf: {  	[dreg:$0x0] =	wrdreg $0xFFFFFFFF;
	(pc) =	sbr.abs _section_cstart, $3  }
0xc0: {  	[dreg:$0x1] =	wrdreg $0xFFFFFFFF  }
0xc1: {  	_ =	task.clear_ibuf [dreg:s7], $0x2FFFF;
	_ =	strace $0x9FFFFFFF  }
0xc2: {  	(tm) =	ssettm $0x7FFFFFFF  }
0xc3: {  	_ =	shalt  }
tec
execute0_lowered:
.L_overlay_start_1:
0x0: {  	(tag) =	ssettag $0x1  }
0x1: {  	s7 =	rddreg [dreg:$0x0]  }
0x2: {  	s0 =	rddreg [dreg:$0x1];
	s2 =	simm.s32 $0x0  }
0x3: {  	s1 =	srdreg.scid;
	s15 =	stileid.u32;
	s28 =	simm.s32 $0x1  }
0x4: {  	s29 =	simm.s32 $0x2;
	s30 =	simm.s32 $0x3;
	s31 =	simm.s32 $0x4  }
0x5: {  	[smem:$0x7FF] =	sst s2;
	s1 =	sand.u32 $0x1, s1;
	s2 =	sshll.u32 s15, $0x13  }
0x6: {  	s4 =	sadd.s32 $0x1000, s0;
	s6 =	sadd.s32 $0x101000, s0;
	s3 =	sshll.u32 s1, $0x12  }
0x7: {  	s9 =	sadd.s32 $0x10, s7;
	s11 =	sadd.s32 $0x20, s7;
	s8 =	sor.u32 s3, s2  }
0x8: {  	s13 =	sadd.s32 $0x30, s7;
	_ =	strace $0x8000004D;
	s3 =	sshrl.u32 s8, $0x3  }
0x9: {  	s18 =	sshrl.u32 s8, $0x1;
	[dreg:$0x3] =	wrdreg s8;
	s17 =	sadd.s32 s4, s3  }
0xa: {  	s19 =	sadd.s32 $0x101010, s0;
	s21 =	sadd.s32 s7, s18;
	[dreg:$0x4] =	wrdreg s17  }
0xb: {  	s20 =	sadd.s32 $0x101020, s0;
	s5 =	sadd.s32 s18, s9;
	[dreg:$0x5] =	wrdreg s21  }
0xc: {  	s1 =	ssub.s32 $0x2, s1;
	s23 =	sadd.s32 s18, s11;
	[dreg:$0x6] =	wrdreg s5  }
0xd: {  	s10 =	sadd.s32 s18, s13;
	s2 =	sadd.s32 s18, s6;
	[dreg:$0x7] =	wrdreg s23  }
0xe: {  	s16 =	sshrl.u32 s1, $0x1;
	[dreg:$0x8] =	wrdreg s10;
	s10 =	sadd.s32 $0x1E000, s2  }
0xf: {  	s1 =	ssub.s32 s1, s16;
	s12 =	sadd.s32 $0x1E010, s2;
	[dreg:$0xe] =	wrdreg s10  }
0x10: {  	s22 =	sshrl.u32 s8, $0x7;
	s14 =	sadd.s32 $0x1E020, s2;
	[dreg:$0xf] =	wrdreg s12  }
0x11: {  	s3 =	sor.u32 $0x40, s22;
	s15 =	sadd.s32 $0x1E030, s2;
	[dreg:$0x10] =	wrdreg s14  }
0x12: {  	s22 =	sadd.s32 $0x101030, s0;
	s16 =	sadd.s32 $0x1F000, s2;
	[dreg:$0x11] =	wrdreg s15  }
0x13: {  	s0 =	simm.s32 $0xA;
	s17 =	sadd.s32 $0x1F010, s2;
	[dreg:$0x12] =	wrdreg s16  }
0x14: {  	s24 =	sshll.u32 s3, $0x4;
	s18 =	sadd.s32 $0x1F020, s2;
	[dreg:$0x13] =	wrdreg s17  }
0x15: {  	s3 =	sshll.u32 s3, $0x6;
	s21 =	sadd.s32 $0x1F030, s2;
	[dreg:$0x14] =	wrdreg s18  }
0x16: {  	s23 =	smax.u32 s1, $0x1;
	s1 =	simm.s32 $0x7;
	[dreg:$0x15] =	wrdreg s21  }
0x17: {  	s5 =	sadd.s32 s4, s24;
	s25 =	sadd.s32 s7, s3;
	[dreg:$0x16] =	wrdreg s23  }
0x18: {  	s26 =	sadd.s32 s3, s9;
	s7 =	sadd.s32 s3, s11;
	[dreg:$0x9] =	wrdreg s5  }
0x19: {  	s3 =	sadd.s32 s3, s13;
	s24 =	sshll.u32 s8, $0x2;
	[dreg:$0xa] =	wrdreg s25  }
0x1a: {  	s12 =	simm.s32 $0x80;
	s14 =	simm.s32 $0x200;
	[dreg:$0xb] =	wrdreg s26  }
0x1b: {  	s16 =	simm.s32 $0x2000;
	s17 =	simm.s32 $0x4000;
	[dreg:$0xc] =	wrdreg s7  }
0x1c: {  	s21 =	simm.s32 $0x8000;
	s23 =	simm.s32 $0xA000;
	[dreg:$0xd] =	wrdreg s3  }
0x1d: {  	s10 =	simm.s32 $0x5;
	s18 =	simm.s32 $0x6;
	[dreg:$0x17] =	wrdreg s24  }
0x1e: {  	s25 =	sor.u32 $0x4000, s8;
	s26 =	sor.u32 $0x6000, s8;
	s24 =	simm.s32 $0xC000  }
0x1f: {  	s5 =	simm.s32 $0x8;
	s3 =	simm.s32 $0x0;
	[dreg:$0x18] =	wrdreg s25  }
0x20: {  	[dreg:$0x19] =	wrdreg s26;
	s25 =	simm.s32 $0xE000;
	s26 =	simm.s32 $0x9  }
.LBB2_1:
0x21: {  	[dreg:$0x1a] =	wrdreg s3  }
0x22: {  	s2 =	simm.s32 $0x0;
	s15 =	rddreg [dreg:$0x4];
	s7 =	simm.s32 $0x10000  }
0x23: {  	[tilespmem:s7], [sflag:$0x9] =	stream.linear.gather [hbm4b:s15+s2], $0x2000, $0x38;
	[tilespmem:$0x14000] =	vst v63  }
0x24: {  	s8 =	rddreg [dreg:$0x5]  }
0x25: {  	[tilespmem:s2], [sflag:$0x1] =	stream.strided.gather [hbm4b:s8+s12], $0x2000, s14, s12, $0x38;
	[tilespmem:$0x14000] =	vst v63  }
0x26: {  	s15 =	rddreg [dreg:$0x6]  }
0x27: {  	[tilespmem:s16], [sflag:$0x2] =	stream.strided.gather [hbm4b:s15+s12], $0x2000, s14, s12, $0x38;
	[tilespmem:$0x14000] =	vst v63  }
0x28: {  	s7 =	rddreg [dreg:$0x7]  }
0x29: {  	[tilespmem:s17], [sflag:$0x3] =	stream.strided.gather [hbm4b:s7+s12], $0x2000, s14, s12, $0x38;
	[tilespmem:$0x14000] =	vst v63  }
0x2a: {  	s8 =	rddreg [dreg:$0x8];
	s15 =	simm.s32 $0x6000  }
0x2b: {  	[tilespmem:s15], [sflag:$0x4] =	stream.strided.gather [hbm4b:s8+s12], $0x2000, s14, s12, $0x38;
	[tilespmem:$0x14000] =	vst v63  }
0x2c: {  	s8 =	rddreg [dreg:$0x9];
	s15 =	simm.s32 $0x12000  }
0x2d: {  	[tilespmem:s15], [sflag:$0xA] =	stream.linear.gather [hbm4b:s8+s2], $0x2000, $0x38;
	[tilespmem:$0x14000] =	vst v63  }
0x2e: {  	s3 =	rddreg [dreg:$0xa]  }
0x2f: {  	[tilespmem:s21], [sflag:$0x5] =	stream.strided.gather [hbm4b:s3+s12], $0x2000, s14, s12, $0x38;
	[tilespmem:$0x14000] =	vst v63  }
0x30: {  	s7 =	rddreg [dreg:$0xb]  }
0x31: {  	[tilespmem:s23], [sflag:$0x6] =	stream.strided.gather [hbm4b:s7+s12], $0x2000, s14, s12, $0x38;
	[tilespmem:$0x14000] =	vst v63  }
0x32: {  	s8 =	rddreg [dreg:$0xc]  }
0x33: {  	[tilespmem:s24], [sflag:$0x7] =	stream.strided.gather [hbm4b:s8+s12], $0x2000, s14, s12, $0x38;
	[tilespmem:$0x14000] =	vst v63  }
0x34: {  	s15 =	rddreg [dreg:$0xd];
	s2 =	simm.s32 $0x0  }
0x35: {  	[tilespmem:s25], [sflag:$0x8] =	stream.strided.gather [hbm4b:s15+s12], $0x2000, s14, s12, $0x38;
	[tilespmem:$0x14000] =	vst v63  }
.LBB2_2:
0x36: {  	_ =	swait.ge [sflag:s26], $0x2000  }
0x37: {  	[sflag:s26] =	ssyncset.done $0x0  }
0x38: {  	[sflag:s26] =	ssyncadd.s32 $0xFFFFE000  }
0x39: {  	_ =	swait.ge [sflag:s28], $0x2000  }
0x3a: {  	[sflag:s28] =	ssyncset.done $0x0  }
0x3b: {  	s3 =	simm.s32 $0x0;
	[sflag:s28] =	ssyncadd.s32 $0xFFFFE000  }
0x3c: {  	v0 =	vld [tilespmem:s3+$0x10070]  }
0x3d: {  	v1 =	vld [tilespmem:s3+$0x10000]  }
0x3e: {  	v2 =	vld [tilespmem:s3+$0x10010]  }
0x3f: {  	v3 =	vld [tilespmem:s3+$0x10020]  }
0x40: {  	v4 =	vld [tilespmem:s3+$0x10030]  }
0x41: {  	v5 =	vld [tilespmem:s3+$0x10040]  }
0x42: {  	v6 =	vld [tilespmem:s3+$0x10050]  }
0x43: {  	[tilespmem:s3+$0x70] =	vst.add.f32.msk $0xffff, v0  }
0x44: {  	v0 =	vld [tilespmem:s3+$0x10060]  }
0x45: {  	[tilespmem:s3+$0x0] =	vst.add.f32.msk $0xffff, v1  }
0x46: {  	[tilespmem:s3+$0x10] =	vst.add.f32.msk $0xffff, v2  }
0x47: {  	[tilespmem:s3+$0x20] =	vst.add.f32.msk $0xffff, v3  }
0x48: {  	[tilespmem:s3+$0x30] =	vst.add.f32.msk $0xffff, v4  }
0x49: {  	[tilespmem:s3+$0x40] =	vst.add.f32.msk $0xffff, v5  }
0x4a: {  	s7 =	simm.s32 $0x0;
	s8 =	simm.s32 $0x200;
	[tilespmem:s3+$0x50] =	vst.add.f32.msk $0xffff, v6  }
.LBB2_3:
0x4b: {  	s7 =	sadd.s32 $0x80, s7;
	[tilespmem:s3+$0x60] =	vst.add.f32.msk $0xffff, v0;
	s3 =	sshra.s32 s8, $0x2  }
0x4c: {  	v0 =	vld [tilespmem:s3+$0x10070];
	p0 =	slt.u32 s7, $0x1F80  }
0x4d: {  	v1 =	vld [tilespmem:s3+$0x10000]  }
0x4e: {  	v2 =	vld [tilespmem:s3+$0x10010]  }
0x4f: {  	v3 =	vld [tilespmem:s3+$0x10020]  }
0x50: {  	v4 =	vld [tilespmem:s3+$0x10030]  }
0x51: {  	[tilespmem:s3+$0x70] =	vst.add.f32.msk $0xffff, v0  }
0x52: {  	v5 =	vld [tilespmem:s3+$0x10040]  }
0x53: {  	v6 =	vld [tilespmem:s3+$0x10050]  }
0x54: {  	v0 =	vld [tilespmem:s3+$0x10060]  }
0x55: {  	[tilespmem:s3+$0x0] =	vst.add.f32.msk $0xffff, v1  }
.Ltmp0:
0x56: {  	[tilespmem:s3+$0x10] =	vst.add.f32.msk $0xffff, v2;
	(pc) =	sbr.rel @p0 .LBB2_3-.Ltmp0, $4  }
0x57: {  	[tilespmem:s3+$0x20] =	vst.add.f32.msk $0xffff, v3  }
0x58: {  	[tilespmem:s3+$0x30] =	vst.add.f32.msk $0xffff, v4  }
0x59: {  	[tilespmem:s3+$0x40] =	vst.add.f32.msk $0xffff, v5  }
0x5a: {  	s8 =	sadd.s32 $0x200, s8;
	[tilespmem:s3+$0x50] =	vst.add.f32.msk $0xffff, v6  }
0x5b: {  	s7 =	sshll.u32 s2, $0x10;
	s8 =	rddreg [dreg:$0x17]  }
0x5c: {  	s7 =	sadd.s32 s8, s7  }
0x5d: {  	s7 =	sshrl.u32 s7, $0x3  }
0x5e: {  	[tilespmem:s3+$0x60] =	vst.add.f32.msk $0xffff, v0;
	s15 =	simm.s32 $0x0;
	s8 =	sadd.s32 s6, s7  }
0x5f: {  	[hbm4b:s8+s12] =	stream.strided.scatter [tilespmem:s15], [sflag:$0x1], $0x2000, s14, s12, $0x38;
	[tilespmem:$0x14000] =	vst v63  }
0x60: {  	_ =	swait.ge [sflag:s29], $0x2000  }
0x61: {  	[sflag:s29] =	ssyncset.done $0x0  }
0x62: {  	s3 =	simm.s32 $0x0;
	[sflag:s29] =	ssyncadd.s32 $0xFFFFE000  }
0x63: {  	v0 =	vld [tilespmem:s3+$0x10070]  }
0x64: {  	v1 =	vld [tilespmem:s3+$0x10000]  }
0x65: {  	v2 =	vld [tilespmem:s3+$0x10010]  }
0x66: {  	v3 =	vld [tilespmem:s3+$0x10020]  }
0x67: {  	v4 =	vld [tilespmem:s3+$0x10030]  }
0x68: {  	v5 =	vld [tilespmem:s3+$0x10040]  }
0x69: {  	v6 =	vld [tilespmem:s3+$0x10050]  }
0x6a: {  	[tilespmem:s3+$0x2070] =	vst.add.f32.msk $0xffff, v0  }
0x6b: {  	v0 =	vld [tilespmem:s3+$0x10060]  }
0x6c: {  	[tilespmem:s3+$0x2000] =	vst.add.f32.msk $0xffff, v1  }
0x6d: {  	[tilespmem:s3+$0x2010] =	vst.add.f32.msk $0xffff, v2  }
0x6e: {  	[tilespmem:s3+$0x2020] =	vst.add.f32.msk $0xffff, v3  }
0x6f: {  	[tilespmem:s3+$0x2030] =	vst.add.f32.msk $0xffff, v4  }
0x70: {  	[tilespmem:s3+$0x2040] =	vst.add.f32.msk $0xffff, v5  }
0x71: {  	s8 =	simm.s32 $0x0;
	s15 =	simm.s32 $0x200;
	[tilespmem:s3+$0x2050] =	vst.add.f32.msk $0xffff, v6  }
.LBB2_5:
0x72: {  	s8 =	sadd.s32 $0x80, s8;
	[tilespmem:s3+$0x2060] =	vst.add.f32.msk $0xffff, v0;
	s3 =	sshra.s32 s15, $0x2  }
0x73: {  	v0 =	vld [tilespmem:s3+$0x10070];
	p0 =	slt.u32 s8, $0x1F80  }
0x74: {  	v1 =	vld [tilespmem:s3+$0x10000]  }
0x75: {  	v2 =	vld [tilespmem:s3+$0x10010]  }
0x76: {  	v3 =	vld [tilespmem:s3+$0x10020]  }
0x77: {  	v4 =	vld [tilespmem:s3+$0x10030]  }
0x78: {  	[tilespmem:s3+$0x2070] =	vst.add.f32.msk $0xffff, v0  }
0x79: {  	v5 =	vld [tilespmem:s3+$0x10040]  }
0x7a: {  	v6 =	vld [tilespmem:s3+$0x10050]  }
0x7b: {  	v0 =	vld [tilespmem:s3+$0x10060]  }
0x7c: {  	[tilespmem:s3+$0x2000] =	vst.add.f32.msk $0xffff, v1  }
.Ltmp1:
0x7d: {  	[tilespmem:s3+$0x2010] =	vst.add.f32.msk $0xffff, v2;
	(pc) =	sbr.rel @p0 .LBB2_5-.Ltmp1, $4  }
0x7e: {  	[tilespmem:s3+$0x2020] =	vst.add.f32.msk $0xffff, v3  }
0x7f: {  	[tilespmem:s3+$0x2030] =	vst.add.f32.msk $0xffff, v4  }
0x80: {  	[tilespmem:s3+$0x2040] =	vst.add.f32.msk $0xffff, v5  }
0x81: {  	s15 =	sadd.s32 $0x200, s15;
	[tilespmem:s3+$0x2050] =	vst.add.f32.msk $0xffff, v6  }
0x82: {  	[tilespmem:s3+$0x2060] =	vst.add.f32.msk $0xffff, v0;
	s15 =	sadd.s32 s7, s19  }
0x83: {  	[hbm4b:s15+s12] =	stream.strided.scatter [tilespmem:s16], [sflag:$0x2], $0x2000, s14, s12, $0x38;
	[tilespmem:$0x14000] =	vst v63  }
0x84: {  	_ =	swait.ge [sflag:s30], $0x2000  }
0x85: {  	[sflag:s30] =	ssyncset.done $0x0  }
0x86: {  	s3 =	simm.s32 $0x0;
	[sflag:s30] =	ssyncadd.s32 $0xFFFFE000  }
0x87: {  	v0 =	vld [tilespmem:s3+$0x10070]  }
0x88: {  	v1 =	vld [tilespmem:s3+$0x10000]  }
0x89: {  	v2 =	vld [tilespmem:s3+$0x10010]  }
0x8a: {  	v3 =	vld [tilespmem:s3+$0x10020]  }
0x8b: {  	v4 =	vld [tilespmem:s3+$0x10030]  }
0x8c: {  	v5 =	vld [tilespmem:s3+$0x10040]  }
0x8d: {  	v6 =	vld [tilespmem:s3+$0x10050]  }
0x8e: {  	[tilespmem:s3+$0x4070] =	vst.add.f32.msk $0xffff, v0  }
0x8f: {  	v0 =	vld [tilespmem:s3+$0x10060]  }
0x90: {  	[tilespmem:s3+$0x4000] =	vst.add.f32.msk $0xffff, v1  }
0x91: {  	[tilespmem:s3+$0x4010] =	vst.add.f32.msk $0xffff, v2  }
0x92: {  	[tilespmem:s3+$0x4020] =	vst.add.f32.msk $0xffff, v3  }
0x93: {  	[tilespmem:s3+$0x4030] =	vst.add.f32.msk $0xffff, v4  }
0x94: {  	[tilespmem:s3+$0x4040] =	vst.add.f32.msk $0xffff, v5  }
0x95: {  	s8 =	simm.s32 $0x0;
	s15 =	simm.s32 $0x200;
	[tilespmem:s3+$0x4050] =	vst.add.f32.msk $0xffff, v6  }
.LBB2_7:
0x96: {  	s8 =	sadd.s32 $0x80, s8;
	[tilespmem:s3+$0x4060] =	vst.add.f32.msk $0xffff, v0;
	s3 =	sshra.s32 s15, $0x2  }
0x97: {  	v0 =	vld [tilespmem:s3+$0x10070];
	p0 =	slt.u32 s8, $0x1F80  }
0x98: {  	v1 =	vld [tilespmem:s3+$0x10000]  }
0x99: {  	v2 =	vld [tilespmem:s3+$0x10010]  }
0x9a: {  	v3 =	vld [tilespmem:s3+$0x10020]  }
0x9b: {  	v4 =	vld [tilespmem:s3+$0x10030]  }
0x9c: {  	[tilespmem:s3+$0x4070] =	vst.add.f32.msk $0xffff, v0  }
0x9d: {  	v5 =	vld [tilespmem:s3+$0x10040]  }
0x9e: {  	v6 =	vld [tilespmem:s3+$0x10050]  }
0x9f: {  	v0 =	vld [tilespmem:s3+$0x10060]  }
0xa0: {  	[tilespmem:s3+$0x4000] =	vst.add.f32.msk $0xffff, v1  }
.Ltmp2:
0xa1: {  	[tilespmem:s3+$0x4010] =	vst.add.f32.msk $0xffff, v2;
	(pc) =	sbr.rel @p0 .LBB2_7-.Ltmp2, $4  }
0xa2: {  	[tilespmem:s3+$0x4020] =	vst.add.f32.msk $0xffff, v3  }
0xa3: {  	[tilespmem:s3+$0x4030] =	vst.add.f32.msk $0xffff, v4  }
0xa4: {  	[tilespmem:s3+$0x4040] =	vst.add.f32.msk $0xffff, v5  }
0xa5: {  	s15 =	sadd.s32 $0x200, s15;
	[tilespmem:s3+$0x4050] =	vst.add.f32.msk $0xffff, v6  }
0xa6: {  	[tilespmem:s3+$0x4060] =	vst.add.f32.msk $0xffff, v0;
	s16 =	sadd.s32 s7, s20  }
0xa7: {  	[hbm4b:s16+s12] =	stream.strided.scatter [tilespmem:s17], [sflag:$0x3], $0x2000, s14, s12, $0x38;
	[tilespmem:$0x14000] =	vst v63  }
0xa8: {  	_ =	swait.ge [sflag:s31], $0x2000  }
0xa9: {  	[sflag:s31] =	ssyncset.done $0x0  }
0xaa: {  	s3 =	simm.s32 $0x0;
	[sflag:s31] =	ssyncadd.s32 $0xFFFFE000  }
0xab: {  	v0 =	vld [tilespmem:s3+$0x10070]  }
0xac: {  	v1 =	vld [tilespmem:s3+$0x10000]  }
0xad: {  	v2 =	vld [tilespmem:s3+$0x10010]  }
0xae: {  	v3 =	vld [tilespmem:s3+$0x10020]  }
0xaf: {  	v4 =	vld [tilespmem:s3+$0x10030]  }
0xb0: {  	v5 =	vld [tilespmem:s3+$0x10040]  }
0xb1: {  	v6 =	vld [tilespmem:s3+$0x10050]  }
0xb2: {  	[tilespmem:s3+$0x6070] =	vst.add.f32.msk $0xffff, v0  }
0xb3: {  	v0 =	vld [tilespmem:s3+$0x10060]  }
0xb4: {  	[tilespmem:s3+$0x6000] =	vst.add.f32.msk $0xffff, v1  }
0xb5: {  	[tilespmem:s3+$0x6010] =	vst.add.f32.msk $0xffff, v2  }
0xb6: {  	[tilespmem:s3+$0x6020] =	vst.add.f32.msk $0xffff, v3  }
0xb7: {  	[tilespmem:s3+$0x6030] =	vst.add.f32.msk $0xffff, v4  }
0xb8: {  	[tilespmem:s3+$0x6040] =	vst.add.f32.msk $0xffff, v5  }
0xb9: {  	s8 =	simm.s32 $0x0;
	s15 =	simm.s32 $0x200;
	[tilespmem:s3+$0x6050] =	vst.add.f32.msk $0xffff, v6  }
.LBB2_9:
0xba: {  	s8 =	sadd.s32 $0x80, s8;
	[tilespmem:s3+$0x6060] =	vst.add.f32.msk $0xffff, v0;
	s3 =	sshra.s32 s15, $0x2  }
0xbb: {  	v0 =	vld [tilespmem:s3+$0x10070];
	p0 =	slt.u32 s8, $0x1F80  }
0xbc: {  	v1 =	vld [tilespmem:s3+$0x10000]  }
0xbd: {  	v2 =	vld [tilespmem:s3+$0x10010]  }
0xbe: {  	v3 =	vld [tilespmem:s3+$0x10020]  }
0xbf: {  	v4 =	vld [tilespmem:s3+$0x10030]  }
0xc0: {  	[tilespmem:s3+$0x6070] =	vst.add.f32.msk $0xffff, v0  }
0xc1: {  	v5 =	vld [tilespmem:s3+$0x10040]  }
0xc2: {  	v6 =	vld [tilespmem:s3+$0x10050]  }
0xc3: {  	v0 =	vld [tilespmem:s3+$0x10060]  }
0xc4: {  	[tilespmem:s3+$0x6000] =	vst.add.f32.msk $0xffff, v1  }
.Ltmp3:
0xc5: {  	[tilespmem:s3+$0x6010] =	vst.add.f32.msk $0xffff, v2;
	(pc) =	sbr.rel @p0 .LBB2_9-.Ltmp3, $4  }
0xc6: {  	[tilespmem:s3+$0x6020] =	vst.add.f32.msk $0xffff, v3  }
0xc7: {  	[tilespmem:s3+$0x6030] =	vst.add.f32.msk $0xffff, v4  }
0xc8: {  	[tilespmem:s3+$0x6040] =	vst.add.f32.msk $0xffff, v5  }
0xc9: {  	s15 =	sadd.s32 $0x200, s15;
	[tilespmem:s3+$0x6050] =	vst.add.f32.msk $0xffff, v6  }
0xca: {  	[tilespmem:s3+$0x6060] =	vst.add.f32.msk $0xffff, v0;
	s15 =	sadd.s32 s7, s22;
	s16 =	simm.s32 $0x6000  }
0xcb: {  	[hbm4b:s15+s12] =	stream.strided.scatter [tilespmem:s16], [sflag:$0x4], $0x2000, s14, s12, $0x38;
	[tilespmem:$0x14000] =	vst v63  }
0xcc: {  	s8 =	sshll.u32 s2, $0xE;
	s17 =	rddreg [dreg:$0x18]  }
0xcd: {  	s7 =	sadd.s32 s8, s17  }
0xce: {  	s3 =	sshrl.u32 s7, $0x3  }
0xcf: {  	s15 =	simm.s32 $0x0;
	s16 =	simm.s32 $0x10000;
	s3 =	sadd.s32 s4, s3  }
0xd0: {  	[tilespmem:s16], [sflag:$0x9] =	stream.linear.gather [hbm4b:s3+s15], $0x2000, $0x38;
	[tilespmem:$0x14000] =	vst v63  }
0xd1: {  	_ =	swait.ge [sflag:s0], $0x2000  }
0xd2: {  	[sflag:s0] =	ssyncset.done $0x0  }
0xd3: {  	[sflag:s0] =	ssyncadd.s32 $0xFFFFE000  }
0xd4: {  	_ =	swait.ge [sflag:s10], $0x2000  }
0xd5: {  	[sflag:s10] =	ssyncset.done $0x0  }
0xd6: {  	s15 =	simm.s32 $0x0;
	[sflag:s10] =	ssyncadd.s32 $0xFFFFE000  }
0xd7: {  	v0 =	vld [tilespmem:s15+$0x12070]  }
0xd8: {  	v1 =	vld [tilespmem:s15+$0x12000]  }
0xd9: {  	v2 =	vld [tilespmem:s15+$0x12010]  }
0xda: {  	v3 =	vld [tilespmem:s15+$0x12020]  }
0xdb: {  	v4 =	vld [tilespmem:s15+$0x12030]  }
0xdc: {  	v5 =	vld [tilespmem:s15+$0x12040]  }
0xdd: {  	v6 =	vld [tilespmem:s15+$0x12050]  }
0xde: {  	[tilespmem:s15+$0x8070] =	vst.add.f32.msk $0xffff, v0  }
0xdf: {  	v0 =	vld [tilespmem:s15+$0x12060]  }
0xe0: {  	[tilespmem:s15+$0x8000] =	vst.add.f32.msk $0xffff, v1  }
0xe1: {  	[tilespmem:s15+$0x8010] =	vst.add.f32.msk $0xffff, v2  }
0xe2: {  	[tilespmem:s15+$0x8020] =	vst.add.f32.msk $0xffff, v3  }
0xe3: {  	[tilespmem:s15+$0x8030] =	vst.add.f32.msk $0xffff, v4  }
0xe4: {  	[tilespmem:s15+$0x8040] =	vst.add.f32.msk $0xffff, v5  }
0xe5: {  	s3 =	simm.s32 $0x0;
	s16 =	simm.s32 $0x200;
	[tilespmem:s15+$0x8050] =	vst.add.f32.msk $0xffff, v6  }
.LBB2_11:
0xe6: {  	s3 =	sadd.s32 $0x80, s3;
	[tilespmem:s15+$0x8060] =	vst.add.f32.msk $0xffff, v0;
	s15 =	sshra.s32 s16, $0x2  }
0xe7: {  	v0 =	vld [tilespmem:s15+$0x12070];
	p0 =	slt.u32 s3, $0x1F80  }
0xe8: {  	v1 =	vld [tilespmem:s15+$0x12000]  }
0xe9: {  	v2 =	vld [tilespmem:s15+$0x12010]  }
0xea: {  	v3 =	vld [tilespmem:s15+$0x12020]  }
0xeb: {  	v4 =	vld [tilespmem:s15+$0x12030]  }
0xec: {  	[tilespmem:s15+$0x8070] =	vst.add.f32.msk $0xffff, v0  }
0xed: {  	v5 =	vld [tilespmem:s15+$0x12040]  }
0xee: {  	v6 =	vld [tilespmem:s15+$0x12050]  }
0xef: {  	v0 =	vld [tilespmem:s15+$0x12060]  }
0xf0: {  	[tilespmem:s15+$0x8000] =	vst.add.f32.msk $0xffff, v1  }
.Ltmp4:
0xf1: {  	[tilespmem:s15+$0x8010] =	vst.add.f32.msk $0xffff, v2;
	(pc) =	sbr.rel @p0 .LBB2_11-.Ltmp4, $4  }
0xf2: {  	[tilespmem:s15+$0x8020] =	vst.add.f32.msk $0xffff, v3  }
0xf3: {  	[tilespmem:s15+$0x8030] =	vst.add.f32.msk $0xffff, v4  }
0xf4: {  	[tilespmem:s15+$0x8040] =	vst.add.f32.msk $0xffff, v5  }
0xf5: {  	s16 =	sadd.s32 $0x200, s16;
	[tilespmem:s15+$0x8050] =	vst.add.f32.msk $0xffff, v6  }
0xf6: {  	s3 =	rddreg [dreg:$0x3]  }
0xf7: {  	s3 =	sor.u32 s8, s3  }
0xf8: {  	s3 =	sshrl.u32 s3, $0x1  }
0xf9: {  	s3 =	sor.u32 $0x1000, s3  }
0xfa: {  	[tilespmem:s15+$0x8060] =	vst.add.f32.msk $0xffff, v0;
	s17 =	sadd.s32 s6, s3  }
0xfb: {  	[hbm4b:s17+s12] =	stream.strided.scatter [tilespmem:s21], [sflag:$0x5], $0x2000, s14, s12, $0x38;
	[tilespmem:$0x14000] =	vst v63  }
0xfc: {  	_ =	swait.ge [sflag:s18], $0x2000  }
0xfd: {  	[sflag:s18] =	ssyncset.done $0x0  }
0xfe: {  	s15 =	simm.s32 $0x0;
	[sflag:s18] =	ssyncadd.s32 $0xFFFFE000  }
0xff: {  	v0 =	vld [tilespmem:s15+$0x12070]  }
0x100: {  	v1 =	vld [tilespmem:s15+$0x12000]  }
0x101: {  	v2 =	vld [tilespmem:s15+$0x12010]  }
0x102: {  	v3 =	vld [tilespmem:s15+$0x12020]  }
0x103: {  	v4 =	vld [tilespmem:s15+$0x12030]  }
0x104: {  	v5 =	vld [tilespmem:s15+$0x12040]  }
0x105: {  	v6 =	vld [tilespmem:s15+$0x12050]  }
0x106: {  	[tilespmem:s15+$0xA070] =	vst.add.f32.msk $0xffff, v0  }
0x107: {  	v0 =	vld [tilespmem:s15+$0x12060]  }
0x108: {  	[tilespmem:s15+$0xA000] =	vst.add.f32.msk $0xffff, v1  }
0x109: {  	[tilespmem:s15+$0xA010] =	vst.add.f32.msk $0xffff, v2  }
0x10a: {  	[tilespmem:s15+$0xA020] =	vst.add.f32.msk $0xffff, v3  }
0x10b: {  	[tilespmem:s15+$0xA030] =	vst.add.f32.msk $0xffff, v4  }
0x10c: {  	[tilespmem:s15+$0xA040] =	vst.add.f32.msk $0xffff, v5  }
0x10d: {  	s16 =	simm.s32 $0x0;
	s17 =	simm.s32 $0x200;
	[tilespmem:s15+$0xA050] =	vst.add.f32.msk $0xffff, v6  }
.LBB2_13:
0x10e: {  	s16 =	sadd.s32 $0x80, s16;
	[tilespmem:s15+$0xA060] =	vst.add.f32.msk $0xffff, v0;
	s15 =	sshra.s32 s17, $0x2  }
0x10f: {  	v0 =	vld [tilespmem:s15+$0x12070];
	p0 =	slt.u32 s16, $0x1F80  }
0x110: {  	v1 =	vld [tilespmem:s15+$0x12000]  }
0x111: {  	v2 =	vld [tilespmem:s15+$0x12010]  }
0x112: {  	v3 =	vld [tilespmem:s15+$0x12020]  }
0x113: {  	v4 =	vld [tilespmem:s15+$0x12030]  }
0x114: {  	[tilespmem:s15+$0xA070] =	vst.add.f32.msk $0xffff, v0  }
0x115: {  	v5 =	vld [tilespmem:s15+$0x12040]  }
0x116: {  	v6 =	vld [tilespmem:s15+$0x12050]  }
0x117: {  	v0 =	vld [tilespmem:s15+$0x12060]  }
0x118: {  	[tilespmem:s15+$0xA000] =	vst.add.f32.msk $0xffff, v1  }
.Ltmp5:
0x119: {  	[tilespmem:s15+$0xA010] =	vst.add.f32.msk $0xffff, v2;
	(pc) =	sbr.rel @p0 .LBB2_13-.Ltmp5, $4  }
0x11a: {  	[tilespmem:s15+$0xA020] =	vst.add.f32.msk $0xffff, v3  }
0x11b: {  	[tilespmem:s15+$0xA030] =	vst.add.f32.msk $0xffff, v4  }
0x11c: {  	[tilespmem:s15+$0xA040] =	vst.add.f32.msk $0xffff, v5  }
0x11d: {  	s17 =	sadd.s32 $0x200, s17;
	[tilespmem:s15+$0xA050] =	vst.add.f32.msk $0xffff, v6  }
0x11e: {  	[tilespmem:s15+$0xA060] =	vst.add.f32.msk $0xffff, v0;
	s17 =	sadd.s32 s3, s19  }
0x11f: {  	[hbm4b:s17+s12] =	stream.strided.scatter [tilespmem:s23], [sflag:$0x6], $0x2000, s14, s12, $0x38;
	[tilespmem:$0x14000] =	vst v63  }
0x120: {  	_ =	swait.ge [sflag:s1], $0x2000  }
0x121: {  	[sflag:s1] =	ssyncset.done $0x0  }
0x122: {  	s15 =	simm.s32 $0x0;
	[sflag:s1] =	ssyncadd.s32 $0xFFFFE000  }
0x123: {  	v0 =	vld [tilespmem:s15+$0x12070]  }
0x124: {  	v1 =	vld [tilespmem:s15+$0x12000]  }
0x125: {  	v2 =	vld [tilespmem:s15+$0x12010]  }
0x126: {  	v3 =	vld [tilespmem:s15+$0x12020]  }
0x127: {  	v4 =	vld [tilespmem:s15+$0x12030]  }
0x128: {  	v5 =	vld [tilespmem:s15+$0x12040]  }
0x129: {  	v6 =	vld [tilespmem:s15+$0x12050]  }
0x12a: {  	[tilespmem:s15+$0xC070] =	vst.add.f32.msk $0xffff, v0  }
0x12b: {  	v0 =	vld [tilespmem:s15+$0x12060]  }
0x12c: {  	[tilespmem:s15+$0xC000] =	vst.add.f32.msk $0xffff, v1  }
0x12d: {  	[tilespmem:s15+$0xC010] =	vst.add.f32.msk $0xffff, v2  }
0x12e: {  	[tilespmem:s15+$0xC020] =	vst.add.f32.msk $0xffff, v3  }
0x12f: {  	[tilespmem:s15+$0xC030] =	vst.add.f32.msk $0xffff, v4  }
0x130: {  	[tilespmem:s15+$0xC040] =	vst.add.f32.msk $0xffff, v5  }
0x131: {  	s16 =	simm.s32 $0x0;
	s17 =	simm.s32 $0x200;
	[tilespmem:s15+$0xC050] =	vst.add.f32.msk $0xffff, v6  }
.LBB2_15:
0x132: {  	s16 =	sadd.s32 $0x80, s16;
	[tilespmem:s15+$0xC060] =	vst.add.f32.msk $0xffff, v0;
	s15 =	sshra.s32 s17, $0x2  }
0x133: {  	v0 =	vld [tilespmem:s15+$0x12070];
	p0 =	slt.u32 s16, $0x1F80  }
0x134: {  	v1 =	vld [tilespmem:s15+$0x12000]  }
0x135: {  	v2 =	vld [tilespmem:s15+$0x12010]  }
0x136: {  	v3 =	vld [tilespmem:s15+$0x12020]  }
0x137: {  	v4 =	vld [tilespmem:s15+$0x12030]  }
0x138: {  	[tilespmem:s15+$0xC070] =	vst.add.f32.msk $0xffff, v0  }
0x139: {  	v5 =	vld [tilespmem:s15+$0x12040]  }
0x13a: {  	v6 =	vld [tilespmem:s15+$0x12050]  }
0x13b: {  	v0 =	vld [tilespmem:s15+$0x12060]  }
0x13c: {  	[tilespmem:s15+$0xC000] =	vst.add.f32.msk $0xffff, v1  }
.Ltmp6:
0x13d: {  	[tilespmem:s15+$0xC010] =	vst.add.f32.msk $0xffff, v2;
	(pc) =	sbr.rel @p0 .LBB2_15-.Ltmp6, $4  }
0x13e: {  	[tilespmem:s15+$0xC020] =	vst.add.f32.msk $0xffff, v3  }
0x13f: {  	[tilespmem:s15+$0xC030] =	vst.add.f32.msk $0xffff, v4  }
0x140: {  	[tilespmem:s15+$0xC040] =	vst.add.f32.msk $0xffff, v5  }
0x141: {  	s17 =	sadd.s32 $0x200, s17;
	[tilespmem:s15+$0xC050] =	vst.add.f32.msk $0xffff, v6  }
0x142: {  	[tilespmem:s15+$0xC060] =	vst.add.f32.msk $0xffff, v0;
	s17 =	sadd.s32 s3, s20  }
0x143: {  	[hbm4b:s17+s12] =	stream.strided.scatter [tilespmem:s24], [sflag:$0x7], $0x2000, s14, s12, $0x38;
	[tilespmem:$0x14000] =	vst v63  }
0x144: {  	_ =	swait.ge [sflag:s5], $0x2000  }
0x145: {  	[sflag:s5] =	ssyncset.done $0x0  }
0x146: {  	s15 =	simm.s32 $0x0;
	[sflag:s5] =	ssyncadd.s32 $0xFFFFE000  }
0x147: {  	v0 =	vld [tilespmem:s15+$0x12070]  }
0x148: {  	v1 =	vld [tilespmem:s15+$0x12000]  }
0x149: {  	v2 =	vld [tilespmem:s15+$0x12010]  }
0x14a: {  	v3 =	vld [tilespmem:s15+$0x12020]  }
0x14b: {  	v4 =	vld [tilespmem:s15+$0x12030]  }
0x14c: {  	v5 =	vld [tilespmem:s15+$0x12040]  }
0x14d: {  	v6 =	vld [tilespmem:s15+$0x12050]  }
0x14e: {  	[tilespmem:s15+$0xE070] =	vst.add.f32.msk $0xffff, v0  }
0x14f: {  	v0 =	vld [tilespmem:s15+$0x12060]  }
0x150: {  	[tilespmem:s15+$0xE000] =	vst.add.f32.msk $0xffff, v1  }
0x151: {  	[tilespmem:s15+$0xE010] =	vst.add.f32.msk $0xffff, v2  }
0x152: {  	[tilespmem:s15+$0xE020] =	vst.add.f32.msk $0xffff, v3  }
0x153: {  	[tilespmem:s15+$0xE030] =	vst.add.f32.msk $0xffff, v4  }
0x154: {  	[tilespmem:s15+$0xE040] =	vst.add.f32.msk $0xffff, v5  }
0x155: {  	s16 =	simm.s32 $0x0;
	s17 =	simm.s32 $0x200;
	[tilespmem:s15+$0xE050] =	vst.add.f32.msk $0xffff, v6  }
.LBB2_17:
0x156: {  	s16 =	sadd.s32 $0x80, s16;
	[tilespmem:s15+$0xE060] =	vst.add.f32.msk $0xffff, v0;
	s15 =	sshra.s32 s17, $0x2  }
0x157: {  	v0 =	vld [tilespmem:s15+$0x12070];
	p0 =	slt.u32 s16, $0x1F80  }
0x158: {  	v1 =	vld [tilespmem:s15+$0x12000]  }
0x159: {  	v2 =	vld [tilespmem:s15+$0x12010]  }
0x15a: {  	v3 =	vld [tilespmem:s15+$0x12020]  }
0x15b: {  	v4 =	vld [tilespmem:s15+$0x12030]  }
0x15c: {  	[tilespmem:s15+$0xE070] =	vst.add.f32.msk $0xffff, v0  }
0x15d: {  	v5 =	vld [tilespmem:s15+$0x12040]  }
0x15e: {  	v6 =	vld [tilespmem:s15+$0x12050]  }
0x15f: {  	v0 =	vld [tilespmem:s15+$0x12060]  }
0x160: {  	[tilespmem:s15+$0xE000] =	vst.add.f32.msk $0xffff, v1  }
.Ltmp7:
0x161: {  	[tilespmem:s15+$0xE010] =	vst.add.f32.msk $0xffff, v2;
	(pc) =	sbr.rel @p0 .LBB2_17-.Ltmp7, $4  }
0x162: {  	[tilespmem:s15+$0xE020] =	vst.add.f32.msk $0xffff, v3  }
0x163: {  	[tilespmem:s15+$0xE030] =	vst.add.f32.msk $0xffff, v4  }
0x164: {  	[tilespmem:s15+$0xE040] =	vst.add.f32.msk $0xffff, v5  }
0x165: {  	s17 =	sadd.s32 $0x200, s17;
	[tilespmem:s15+$0xE050] =	vst.add.f32.msk $0xffff, v6  }
0x166: {  	[tilespmem:s15+$0xE060] =	vst.add.f32.msk $0xffff, v0;
	s3 =	sadd.s32 s3, s22  }
0x167: {  	[hbm4b:s3+s12] =	stream.strided.scatter [tilespmem:s25], [sflag:$0x8], $0x2000, s14, s12, $0x38;
	[tilespmem:$0x14000] =	vst v63  }
0x168: {  	s16 =	rddreg [dreg:$0x19]  }
0x169: {  	s3 =	sadd.s32 s8, s16  }
0x16a: {  	s8 =	sshrl.u32 s3, $0x3  }
0x16b: {  	s17 =	simm.s32 $0x12000;
	s16 =	simm.s32 $0x0;
	s8 =	sadd.s32 s4, s8  }
0x16c: {  	[tilespmem:s17], [sflag:$0xA] =	stream.linear.gather [hbm4b:s8+s16], $0x2000, $0x38;
	[tilespmem:$0x14000] =	vst v63  }
0x16d: {  	_ =	swait.ge [sflag:s28], $0x2000  }
0x16e: {  	[sflag:s28] =	ssyncset.done $0x0  }
0x16f: {  	[sflag:s28] =	ssyncadd.s32 $0xFFFFE000  }
0x170: {  	s7 =	sshrl.u32 s7, $0x1;
	s15 =	rddreg [dreg:$0x0]  }
0x171: {  	s17 =	sadd.s32 s15, s7  }
0x172: {  	[tilespmem:s16], [sflag:$0x1] =	stream.strided.gather [hbm4b:s17+s12], $0x2000, s14, s12, $0x38;
	[tilespmem:$0x14000] =	vst v63  }
0x173: {  	_ =	swait.ge [sflag:s29], $0x2000  }
0x174: {  	[sflag:s29] =	ssyncset.done $0x0  }
0x175: {  	s17 =	sadd.s32 s7, s9;
	s16 =	simm.s32 $0x2000;
	[sflag:s29] =	ssyncadd.s32 $0xFFFFE000  }
0x176: {  	[tilespmem:s16], [sflag:$0x2] =	stream.strided.gather [hbm4b:s17+s12], $0x2000, s14, s12, $0x38;
	[tilespmem:$0x14000] =	vst v63  }
0x177: {  	_ =	swait.ge [sflag:s30], $0x2000  }
0x178: {  	[sflag:s30] =	ssyncset.done $0x0  }
0x179: {  	s8 =	sadd.s32 s7, s11;
	s17 =	simm.s32 $0x4000;
	[sflag:s30] =	ssyncadd.s32 $0xFFFFE000  }
0x17a: {  	[tilespmem:s17], [sflag:$0x3] =	stream.strided.gather [hbm4b:s8+s12], $0x2000, s14, s12, $0x38;
	[tilespmem:$0x14000] =	vst v63  }
0x17b: {  	_ =	swait.ge [sflag:s31], $0x2000  }
0x17c: {  	[sflag:s31] =	ssyncset.done $0x0  }
0x17d: {  	s7 =	sadd.s32 s7, s13;
	s8 =	simm.s32 $0x6000;
	[sflag:s31] =	ssyncadd.s32 $0xFFFFE000  }
0x17e: {  	[tilespmem:s8], [sflag:$0x4] =	stream.strided.gather [hbm4b:s7+s12], $0x2000, s14, s12, $0x38;
	[tilespmem:$0x14000] =	vst v63  }
0x17f: {  	_ =	swait.ge [sflag:s10], $0x2000  }
0x180: {  	s3 =	sshrl.u32 s3, $0x1;
	[sflag:s10] =	ssyncset.done $0x0  }
0x181: {  	s15 =	sadd.s32 s15, s3;
	[sflag:s10] =	ssyncadd.s32 $0xFFFFE000  }
0x182: {  	[tilespmem:s21], [sflag:$0x5] =	stream.strided.gather [hbm4b:s15+s12], $0x2000, s14, s12, $0x38;
	[tilespmem:$0x14000] =	vst v63  }
0x183: {  	_ =	swait.ge [sflag:s18], $0x2000  }
0x184: {  	[sflag:s18] =	ssyncset.done $0x0  }
0x185: {  	s8 =	sadd.s32 s3, s9;
	[sflag:s18] =	ssyncadd.s32 $0xFFFFE000  }
0x186: {  	[tilespmem:s23], [sflag:$0x6] =	stream.strided.gather [hbm4b:s8+s12], $0x2000, s14, s12, $0x38;
	[tilespmem:$0x14000] =	vst v63  }
0x187: {  	_ =	swait.ge [sflag:s1], $0x2000  }
0x188: {  	s2 =	sadd.s32 $0x1, s2;
	[sflag:s1] =	ssyncset.done $0x0  }
0x189: {  	p0 =	sne.s32 s2, $0xF;
	s15 =	sadd.s32 s3, s11;
	[sflag:s1] =	ssyncadd.s32 $0xFFFFE000  }
0x18a: {  	[tilespmem:s24], [sflag:$0x7] =	stream.strided.gather [hbm4b:s15+s12], $0x2000, s14, s12, $0x38;
	[tilespmem:$0x14000] =	vst v63  }
.Ltmp8:
0x18b: {  	_ = 	snop;
	(pc) =	sbr.rel @p0 .LBB2_2-.Ltmp8, $4  }
0x18c: {  	_ =	swait.ge [sflag:s5], $0x2000  }
0x18d: {  	[sflag:s5] =	ssyncset.done $0x0  }
0x18e: {  	s3 =	sadd.s32 s3, s13;
	[sflag:s5] =	ssyncadd.s32 $0xFFFFE000  }
0x18f: {  	[tilespmem:s25], [sflag:$0x8] =	stream.strided.gather [hbm4b:s3+s12], $0x2000, s14, s12, $0x38;
	[tilespmem:$0x14000] =	vst v63  }
0x190: {  	_ =	swait.ge [sflag:s26], $0x2000  }
0x191: {  	[sflag:s26] =	ssyncset.done $0x0  }
0x192: {  	[sflag:s26] =	ssyncadd.s32 $0xFFFFE000  }
0x193: {  	_ =	swait.ge [sflag:s28], $0x2000  }
0x194: {  	[sflag:s28] =	ssyncset.done $0x0  }
0x195: {  	s2 =	simm.s32 $0x0;
	[sflag:s28] =	ssyncadd.s32 $0xFFFFE000  }
0x196: {  	v0 =	vld [tilespmem:s2+$0x10070]  }
0x197: {  	v1 =	vld [tilespmem:s2+$0x10000]  }
0x198: {  	v2 =	vld [tilespmem:s2+$0x10010]  }
0x199: {  	v3 =	vld [tilespmem:s2+$0x10020]  }
0x19a: {  	v4 =	vld [tilespmem:s2+$0x10030]  }
0x19b: {  	v5 =	vld [tilespmem:s2+$0x10040]  }
0x19c: {  	v6 =	vld [tilespmem:s2+$0x10050]  }
0x19d: {  	[tilespmem:s2+$0x70] =	vst.add.f32.msk $0xffff, v0  }
0x19e: {  	v0 =	vld [tilespmem:s2+$0x10060]  }
0x19f: {  	[tilespmem:s2+$0x0] =	vst.add.f32.msk $0xffff, v1  }
0x1a0: {  	[tilespmem:s2+$0x10] =	vst.add.f32.msk $0xffff, v2  }
0x1a1: {  	[tilespmem:s2+$0x20] =	vst.add.f32.msk $0xffff, v3  }
0x1a2: {  	[tilespmem:s2+$0x30] =	vst.add.f32.msk $0xffff, v4  }
0x1a3: {  	[tilespmem:s2+$0x40] =	vst.add.f32.msk $0xffff, v5  }
0x1a4: {  	s3 =	simm.s32 $0x0;
	s7 =	simm.s32 $0x200;
	[tilespmem:s2+$0x50] =	vst.add.f32.msk $0xffff, v6  }
.LBB2_20:
0x1a5: {  	s3 =	sadd.s32 $0x80, s3;
	[tilespmem:s2+$0x60] =	vst.add.f32.msk $0xffff, v0;
	s2 =	sshra.s32 s7, $0x2  }
0x1a6: {  	v0 =	vld [tilespmem:s2+$0x10070];
	p0 =	slt.u32 s3, $0x1F80  }
0x1a7: {  	v1 =	vld [tilespmem:s2+$0x10000]  }
0x1a8: {  	v2 =	vld [tilespmem:s2+$0x10010]  }
0x1a9: {  	v3 =	vld [tilespmem:s2+$0x10020]  }
0x1aa: {  	v4 =	vld [tilespmem:s2+$0x10030]  }
0x1ab: {  	[tilespmem:s2+$0x70] =	vst.add.f32.msk $0xffff, v0  }
0x1ac: {  	v5 =	vld [tilespmem:s2+$0x10040]  }
0x1ad: {  	v6 =	vld [tilespmem:s2+$0x10050]  }
0x1ae: {  	v0 =	vld [tilespmem:s2+$0x10060]  }
0x1af: {  	[tilespmem:s2+$0x0] =	vst.add.f32.msk $0xffff, v1  }
.Ltmp9:
0x1b0: {  	[tilespmem:s2+$0x10] =	vst.add.f32.msk $0xffff, v2;
	(pc) =	sbr.rel @p0 .LBB2_20-.Ltmp9, $4  }
0x1b1: {  	[tilespmem:s2+$0x20] =	vst.add.f32.msk $0xffff, v3  }
0x1b2: {  	[tilespmem:s2+$0x30] =	vst.add.f32.msk $0xffff, v4  }
0x1b3: {  	[tilespmem:s2+$0x40] =	vst.add.f32.msk $0xffff, v5  }
0x1b4: {  	s7 =	sadd.s32 $0x200, s7;
	[tilespmem:s2+$0x50] =	vst.add.f32.msk $0xffff, v6  }
0x1b5: {  	[tilespmem:s2+$0x60] =	vst.add.f32.msk $0xffff, v0  }
0x1b6: {  	s15 =	simm.s32 $0x0;
	s3 =	rddreg [dreg:$0xe]  }
0x1b7: {  	[hbm4b:s3+s12] =	stream.strided.scatter [tilespmem:s15], [sflag:$0x1], $0x2000, s14, s12, $0x38;
	[tilespmem:$0x14000] =	vst v63  }
0x1b8: {  	_ =	swait.ge [sflag:s29], $0x2000  }
0x1b9: {  	[sflag:s29] =	ssyncset.done $0x0  }
0x1ba: {  	s2 =	simm.s32 $0x0;
	[sflag:s29] =	ssyncadd.s32 $0xFFFFE000  }
0x1bb: {  	v0 =	vld [tilespmem:s2+$0x10070]  }
0x1bc: {  	v1 =	vld [tilespmem:s2+$0x10000]  }
0x1bd: {  	v2 =	vld [tilespmem:s2+$0x10010]  }
0x1be: {  	v3 =	vld [tilespmem:s2+$0x10020]  }
0x1bf: {  	v4 =	vld [tilespmem:s2+$0x10030]  }
0x1c0: {  	v5 =	vld [tilespmem:s2+$0x10040]  }
0x1c1: {  	v6 =	vld [tilespmem:s2+$0x10050]  }
0x1c2: {  	[tilespmem:s2+$0x2070] =	vst.add.f32.msk $0xffff, v0  }
0x1c3: {  	v0 =	vld [tilespmem:s2+$0x10060]  }
0x1c4: {  	[tilespmem:s2+$0x2000] =	vst.add.f32.msk $0xffff, v1  }
0x1c5: {  	[tilespmem:s2+$0x2010] =	vst.add.f32.msk $0xffff, v2  }
0x1c6: {  	[tilespmem:s2+$0x2020] =	vst.add.f32.msk $0xffff, v3  }
0x1c7: {  	[tilespmem:s2+$0x2030] =	vst.add.f32.msk $0xffff, v4  }
0x1c8: {  	[tilespmem:s2+$0x2040] =	vst.add.f32.msk $0xffff, v5  }
0x1c9: {  	s7 =	simm.s32 $0x200;
	s3 =	simm.s32 $0x0;
	[tilespmem:s2+$0x2050] =	vst.add.f32.msk $0xffff, v6  }
.LBB2_22:
0x1ca: {  	s3 =	sadd.s32 $0x80, s3;
	[tilespmem:s2+$0x2060] =	vst.add.f32.msk $0xffff, v0;
	s2 =	sshra.s32 s7, $0x2  }
0x1cb: {  	v0 =	vld [tilespmem:s2+$0x10070];
	p0 =	slt.u32 s3, $0x1F80  }
0x1cc: {  	v1 =	vld [tilespmem:s2+$0x10000]  }
0x1cd: {  	v2 =	vld [tilespmem:s2+$0x10010]  }
0x1ce: {  	v3 =	vld [tilespmem:s2+$0x10020]  }
0x1cf: {  	v4 =	vld [tilespmem:s2+$0x10030]  }
0x1d0: {  	[tilespmem:s2+$0x2070] =	vst.add.f32.msk $0xffff, v0  }
0x1d1: {  	v5 =	vld [tilespmem:s2+$0x10040]  }
0x1d2: {  	v6 =	vld [tilespmem:s2+$0x10050]  }
0x1d3: {  	v0 =	vld [tilespmem:s2+$0x10060]  }
0x1d4: {  	[tilespmem:s2+$0x2000] =	vst.add.f32.msk $0xffff, v1  }
.Ltmp10:
0x1d5: {  	[tilespmem:s2+$0x2010] =	vst.add.f32.msk $0xffff, v2;
	(pc) =	sbr.rel @p0 .LBB2_22-.Ltmp10, $4  }
0x1d6: {  	[tilespmem:s2+$0x2020] =	vst.add.f32.msk $0xffff, v3  }
0x1d7: {  	[tilespmem:s2+$0x2030] =	vst.add.f32.msk $0xffff, v4  }
0x1d8: {  	[tilespmem:s2+$0x2040] =	vst.add.f32.msk $0xffff, v5  }
0x1d9: {  	s7 =	sadd.s32 $0x200, s7;
	[tilespmem:s2+$0x2050] =	vst.add.f32.msk $0xffff, v6  }
0x1da: {  	[tilespmem:s2+$0x2060] =	vst.add.f32.msk $0xffff, v0  }
0x1db: {  	s2 =	rddreg [dreg:$0xf]  }
0x1dc: {  	[hbm4b:s2+s12] =	stream.strided.scatter [tilespmem:s16], [sflag:$0x2], $0x2000, s14, s12, $0x38;
	[tilespmem:$0x14000] =	vst v63  }
0x1dd: {  	_ =	swait.ge [sflag:s30], $0x2000  }
0x1de: {  	[sflag:s30] =	ssyncset.done $0x0  }
0x1df: {  	s2 =	simm.s32 $0x0;
	[sflag:s30] =	ssyncadd.s32 $0xFFFFE000  }
0x1e0: {  	v0 =	vld [tilespmem:s2+$0x10070]  }
0x1e1: {  	v1 =	vld [tilespmem:s2+$0x10000]  }
0x1e2: {  	v2 =	vld [tilespmem:s2+$0x10010]  }
0x1e3: {  	v3 =	vld [tilespmem:s2+$0x10020]  }
0x1e4: {  	v4 =	vld [tilespmem:s2+$0x10030]  }
0x1e5: {  	v5 =	vld [tilespmem:s2+$0x10040]  }
0x1e6: {  	v6 =	vld [tilespmem:s2+$0x10050]  }
0x1e7: {  	[tilespmem:s2+$0x4070] =	vst.add.f32.msk $0xffff, v0  }
0x1e8: {  	v0 =	vld [tilespmem:s2+$0x10060]  }
0x1e9: {  	[tilespmem:s2+$0x4000] =	vst.add.f32.msk $0xffff, v1  }
0x1ea: {  	[tilespmem:s2+$0x4010] =	vst.add.f32.msk $0xffff, v2  }
0x1eb: {  	[tilespmem:s2+$0x4020] =	vst.add.f32.msk $0xffff, v3  }
0x1ec: {  	[tilespmem:s2+$0x4030] =	vst.add.f32.msk $0xffff, v4  }
0x1ed: {  	[tilespmem:s2+$0x4040] =	vst.add.f32.msk $0xffff, v5  }
0x1ee: {  	s3 =	simm.s32 $0x0;
	s7 =	simm.s32 $0x200;
	[tilespmem:s2+$0x4050] =	vst.add.f32.msk $0xffff, v6  }
.LBB2_24:
0x1ef: {  	s3 =	sadd.s32 $0x80, s3;
	[tilespmem:s2+$0x4060] =	vst.add.f32.msk $0xffff, v0;
	s2 =	sshra.s32 s7, $0x2  }
0x1f0: {  	v0 =	vld [tilespmem:s2+$0x10070];
	p0 =	slt.u32 s3, $0x1F80  }
0x1f1: {  	v1 =	vld [tilespmem:s2+$0x10000]  }
0x1f2: {  	v2 =	vld [tilespmem:s2+$0x10010]  }
0x1f3: {  	v3 =	vld [tilespmem:s2+$0x10020]  }
0x1f4: {  	v4 =	vld [tilespmem:s2+$0x10030]  }
0x1f5: {  	[tilespmem:s2+$0x4070] =	vst.add.f32.msk $0xffff, v0  }
0x1f6: {  	v5 =	vld [tilespmem:s2+$0x10040]  }
0x1f7: {  	v6 =	vld [tilespmem:s2+$0x10050]  }
0x1f8: {  	v0 =	vld [tilespmem:s2+$0x10060]  }
0x1f9: {  	[tilespmem:s2+$0x4000] =	vst.add.f32.msk $0xffff, v1  }
.Ltmp11:
0x1fa: {  	[tilespmem:s2+$0x4010] =	vst.add.f32.msk $0xffff, v2;
	(pc) =	sbr.rel @p0 .LBB2_24-.Ltmp11, $4  }
0x1fb: {  	[tilespmem:s2+$0x4020] =	vst.add.f32.msk $0xffff, v3  }
0x1fc: {  	[tilespmem:s2+$0x4030] =	vst.add.f32.msk $0xffff, v4  }
0x1fd: {  	[tilespmem:s2+$0x4040] =	vst.add.f32.msk $0xffff, v5  }
0x1fe: {  	s7 =	sadd.s32 $0x200, s7;
	[tilespmem:s2+$0x4050] =	vst.add.f32.msk $0xffff, v6  }
0x1ff: {  	[tilespmem:s2+$0x4060] =	vst.add.f32.msk $0xffff, v0  }
0x200: {  	s2 =	rddreg [dreg:$0x10]  }
0x201: {  	[hbm4b:s2+s12] =	stream.strided.scatter [tilespmem:s17], [sflag:$0x3], $0x2000, s14, s12, $0x38;
	[tilespmem:$0x14000] =	vst v63  }
0x202: {  	_ =	swait.ge [sflag:s31], $0x2000  }
0x203: {  	[sflag:s31] =	ssyncset.done $0x0  }
0x204: {  	s2 =	simm.s32 $0x0;
	[sflag:s31] =	ssyncadd.s32 $0xFFFFE000  }
0x205: {  	v0 =	vld [tilespmem:s2+$0x10070]  }
0x206: {  	v1 =	vld [tilespmem:s2+$0x10000]  }
0x207: {  	v2 =	vld [tilespmem:s2+$0x10010]  }
0x208: {  	v3 =	vld [tilespmem:s2+$0x10020]  }
0x209: {  	v4 =	vld [tilespmem:s2+$0x10030]  }
0x20a: {  	v5 =	vld [tilespmem:s2+$0x10040]  }
0x20b: {  	v6 =	vld [tilespmem:s2+$0x10050]  }
0x20c: {  	[tilespmem:s2+$0x6070] =	vst.add.f32.msk $0xffff, v0  }
0x20d: {  	v0 =	vld [tilespmem:s2+$0x10060]  }
0x20e: {  	[tilespmem:s2+$0x6000] =	vst.add.f32.msk $0xffff, v1  }
0x20f: {  	[tilespmem:s2+$0x6010] =	vst.add.f32.msk $0xffff, v2  }
0x210: {  	[tilespmem:s2+$0x6020] =	vst.add.f32.msk $0xffff, v3  }
0x211: {  	[tilespmem:s2+$0x6030] =	vst.add.f32.msk $0xffff, v4  }
0x212: {  	[tilespmem:s2+$0x6040] =	vst.add.f32.msk $0xffff, v5  }
0x213: {  	s3 =	simm.s32 $0x0;
	s7 =	simm.s32 $0x200;
	[tilespmem:s2+$0x6050] =	vst.add.f32.msk $0xffff, v6  }
.LBB2_26:
0x214: {  	s3 =	sadd.s32 $0x80, s3;
	[tilespmem:s2+$0x6060] =	vst.add.f32.msk $0xffff, v0;
	s2 =	sshra.s32 s7, $0x2  }
0x215: {  	v0 =	vld [tilespmem:s2+$0x10070];
	p0 =	slt.u32 s3, $0x1F80  }
0x216: {  	v1 =	vld [tilespmem:s2+$0x10000]  }
0x217: {  	v2 =	vld [tilespmem:s2+$0x10010]  }
0x218: {  	v3 =	vld [tilespmem:s2+$0x10020]  }
0x219: {  	v4 =	vld [tilespmem:s2+$0x10030]  }
0x21a: {  	[tilespmem:s2+$0x6070] =	vst.add.f32.msk $0xffff, v0  }
0x21b: {  	v5 =	vld [tilespmem:s2+$0x10040]  }
0x21c: {  	v6 =	vld [tilespmem:s2+$0x10050]  }
0x21d: {  	v0 =	vld [tilespmem:s2+$0x10060]  }
0x21e: {  	[tilespmem:s2+$0x6000] =	vst.add.f32.msk $0xffff, v1  }
.Ltmp12:
0x21f: {  	[tilespmem:s2+$0x6010] =	vst.add.f32.msk $0xffff, v2;
	(pc) =	sbr.rel @p0 .LBB2_26-.Ltmp12, $4  }
0x220: {  	[tilespmem:s2+$0x6020] =	vst.add.f32.msk $0xffff, v3  }
0x221: {  	[tilespmem:s2+$0x6030] =	vst.add.f32.msk $0xffff, v4  }
0x222: {  	[tilespmem:s2+$0x6040] =	vst.add.f32.msk $0xffff, v5  }
0x223: {  	s7 =	sadd.s32 $0x200, s7;
	[tilespmem:s2+$0x6050] =	vst.add.f32.msk $0xffff, v6  }
0x224: {  	[tilespmem:s2+$0x6060] =	vst.add.f32.msk $0xffff, v0  }
0x225: {  	s3 =	simm.s32 $0x6000;
	s2 =	rddreg [dreg:$0x11]  }
0x226: {  	[hbm4b:s2+s12] =	stream.strided.scatter [tilespmem:s3], [sflag:$0x4], $0x2000, s14, s12, $0x38;
	[tilespmem:$0x14000] =	vst v63  }
0x227: {  	_ =	swait.ge [sflag:s0], $0x2000  }
0x228: {  	[sflag:s0] =	ssyncset.done $0x0  }
0x229: {  	[sflag:s0] =	ssyncadd.s32 $0xFFFFE000  }
0x22a: {  	_ =	swait.ge [sflag:s10], $0x2000  }
0x22b: {  	[sflag:s10] =	ssyncset.done $0x0  }
0x22c: {  	s2 =	simm.s32 $0x0;
	[sflag:s10] =	ssyncadd.s32 $0xFFFFE000  }
0x22d: {  	v0 =	vld [tilespmem:s2+$0x12070]  }
0x22e: {  	v1 =	vld [tilespmem:s2+$0x12000]  }
0x22f: {  	v2 =	vld [tilespmem:s2+$0x12010]  }
0x230: {  	v3 =	vld [tilespmem:s2+$0x12020]  }
0x231: {  	v4 =	vld [tilespmem:s2+$0x12030]  }
0x232: {  	v5 =	vld [tilespmem:s2+$0x12040]  }
0x233: {  	v6 =	vld [tilespmem:s2+$0x12050]  }
0x234: {  	[tilespmem:s2+$0x8070] =	vst.add.f32.msk $0xffff, v0  }
0x235: {  	v0 =	vld [tilespmem:s2+$0x12060]  }
0x236: {  	[tilespmem:s2+$0x8000] =	vst.add.f32.msk $0xffff, v1  }
0x237: {  	[tilespmem:s2+$0x8010] =	vst.add.f32.msk $0xffff, v2  }
0x238: {  	[tilespmem:s2+$0x8020] =	vst.add.f32.msk $0xffff, v3  }
0x239: {  	[tilespmem:s2+$0x8030] =	vst.add.f32.msk $0xffff, v4  }
0x23a: {  	[tilespmem:s2+$0x8040] =	vst.add.f32.msk $0xffff, v5  }
0x23b: {  	s7 =	simm.s32 $0x200;
	s3 =	simm.s32 $0x0;
	[tilespmem:s2+$0x8050] =	vst.add.f32.msk $0xffff, v6  }
.LBB2_28:
0x23c: {  	s3 =	sadd.s32 $0x80, s3;
	[tilespmem:s2+$0x8060] =	vst.add.f32.msk $0xffff, v0;
	s2 =	sshra.s32 s7, $0x2  }
0x23d: {  	v0 =	vld [tilespmem:s2+$0x12070];
	p0 =	slt.u32 s3, $0x1F80  }
0x23e: {  	v1 =	vld [tilespmem:s2+$0x12000]  }
0x23f: {  	v2 =	vld [tilespmem:s2+$0x12010]  }
0x240: {  	v3 =	vld [tilespmem:s2+$0x12020]  }
0x241: {  	v4 =	vld [tilespmem:s2+$0x12030]  }
0x242: {  	[tilespmem:s2+$0x8070] =	vst.add.f32.msk $0xffff, v0  }
0x243: {  	v5 =	vld [tilespmem:s2+$0x12040]  }
0x244: {  	v6 =	vld [tilespmem:s2+$0x12050]  }
0x245: {  	v0 =	vld [tilespmem:s2+$0x12060]  }
0x246: {  	[tilespmem:s2+$0x8000] =	vst.add.f32.msk $0xffff, v1  }
.Ltmp13:
0x247: {  	[tilespmem:s2+$0x8010] =	vst.add.f32.msk $0xffff, v2;
	(pc) =	sbr.rel @p0 .LBB2_28-.Ltmp13, $4  }
0x248: {  	[tilespmem:s2+$0x8020] =	vst.add.f32.msk $0xffff, v3  }
0x249: {  	[tilespmem:s2+$0x8030] =	vst.add.f32.msk $0xffff, v4  }
0x24a: {  	[tilespmem:s2+$0x8040] =	vst.add.f32.msk $0xffff, v5  }
0x24b: {  	s7 =	sadd.s32 $0x200, s7;
	[tilespmem:s2+$0x8050] =	vst.add.f32.msk $0xffff, v6  }
0x24c: {  	[tilespmem:s2+$0x8060] =	vst.add.f32.msk $0xffff, v0  }
0x24d: {  	s2 =	rddreg [dreg:$0x12]  }
0x24e: {  	[hbm4b:s2+s12] =	stream.strided.scatter [tilespmem:s21], [sflag:$0x5], $0x2000, s14, s12, $0x38;
	[tilespmem:$0x14000] =	vst v63  }
0x24f: {  	_ =	swait.ge [sflag:s18], $0x2000  }
0x250: {  	[sflag:s18] =	ssyncset.done $0x0  }
0x251: {  	s2 =	simm.s32 $0x0;
	[sflag:s18] =	ssyncadd.s32 $0xFFFFE000  }
0x252: {  	v0 =	vld [tilespmem:s2+$0x12070]  }
0x253: {  	v1 =	vld [tilespmem:s2+$0x12000]  }
0x254: {  	v2 =	vld [tilespmem:s2+$0x12010]  }
0x255: {  	v3 =	vld [tilespmem:s2+$0x12020]  }
0x256: {  	v4 =	vld [tilespmem:s2+$0x12030]  }
0x257: {  	v5 =	vld [tilespmem:s2+$0x12040]  }
0x258: {  	v6 =	vld [tilespmem:s2+$0x12050]  }
0x259: {  	[tilespmem:s2+$0xA070] =	vst.add.f32.msk $0xffff, v0  }
0x25a: {  	v0 =	vld [tilespmem:s2+$0x12060]  }
0x25b: {  	[tilespmem:s2+$0xA000] =	vst.add.f32.msk $0xffff, v1  }
0x25c: {  	[tilespmem:s2+$0xA010] =	vst.add.f32.msk $0xffff, v2  }
0x25d: {  	[tilespmem:s2+$0xA020] =	vst.add.f32.msk $0xffff, v3  }
0x25e: {  	[tilespmem:s2+$0xA030] =	vst.add.f32.msk $0xffff, v4  }
0x25f: {  	[tilespmem:s2+$0xA040] =	vst.add.f32.msk $0xffff, v5  }
0x260: {  	s3 =	simm.s32 $0x0;
	s7 =	simm.s32 $0x200;
	[tilespmem:s2+$0xA050] =	vst.add.f32.msk $0xffff, v6  }
.LBB2_30:
0x261: {  	s3 =	sadd.s32 $0x80, s3;
	[tilespmem:s2+$0xA060] =	vst.add.f32.msk $0xffff, v0;
	s2 =	sshra.s32 s7, $0x2  }
0x262: {  	v0 =	vld [tilespmem:s2+$0x12070];
	p0 =	slt.u32 s3, $0x1F80  }
0x263: {  	v1 =	vld [tilespmem:s2+$0x12000]  }
0x264: {  	v2 =	vld [tilespmem:s2+$0x12010]  }
0x265: {  	v3 =	vld [tilespmem:s2+$0x12020]  }
0x266: {  	v4 =	vld [tilespmem:s2+$0x12030]  }
0x267: {  	[tilespmem:s2+$0xA070] =	vst.add.f32.msk $0xffff, v0  }
0x268: {  	v5 =	vld [tilespmem:s2+$0x12040]  }
0x269: {  	v6 =	vld [tilespmem:s2+$0x12050]  }
0x26a: {  	v0 =	vld [tilespmem:s2+$0x12060]  }
0x26b: {  	[tilespmem:s2+$0xA000] =	vst.add.f32.msk $0xffff, v1  }
.Ltmp14:
0x26c: {  	[tilespmem:s2+$0xA010] =	vst.add.f32.msk $0xffff, v2;
	(pc) =	sbr.rel @p0 .LBB2_30-.Ltmp14, $4  }
0x26d: {  	[tilespmem:s2+$0xA020] =	vst.add.f32.msk $0xffff, v3  }
0x26e: {  	[tilespmem:s2+$0xA030] =	vst.add.f32.msk $0xffff, v4  }
0x26f: {  	[tilespmem:s2+$0xA040] =	vst.add.f32.msk $0xffff, v5  }
0x270: {  	s7 =	sadd.s32 $0x200, s7;
	[tilespmem:s2+$0xA050] =	vst.add.f32.msk $0xffff, v6  }
0x271: {  	[tilespmem:s2+$0xA060] =	vst.add.f32.msk $0xffff, v0  }
0x272: {  	s2 =	rddreg [dreg:$0x13]  }
0x273: {  	[hbm4b:s2+s12] =	stream.strided.scatter [tilespmem:s23], [sflag:$0x6], $0x2000, s14, s12, $0x38;
	[tilespmem:$0x14000] =	vst v63  }
0x274: {  	_ =	swait.ge [sflag:s1], $0x2000  }
0x275: {  	[sflag:s1] =	ssyncset.done $0x0  }
0x276: {  	s2 =	simm.s32 $0x0;
	[sflag:s1] =	ssyncadd.s32 $0xFFFFE000  }
0x277: {  	v0 =	vld [tilespmem:s2+$0x12070]  }
0x278: {  	v1 =	vld [tilespmem:s2+$0x12000]  }
0x279: {  	v2 =	vld [tilespmem:s2+$0x12010]  }
0x27a: {  	v3 =	vld [tilespmem:s2+$0x12020]  }
0x27b: {  	v4 =	vld [tilespmem:s2+$0x12030]  }
0x27c: {  	v5 =	vld [tilespmem:s2+$0x12040]  }
0x27d: {  	v6 =	vld [tilespmem:s2+$0x12050]  }
0x27e: {  	[tilespmem:s2+$0xC070] =	vst.add.f32.msk $0xffff, v0  }
0x27f: {  	v0 =	vld [tilespmem:s2+$0x12060]  }
0x280: {  	[tilespmem:s2+$0xC000] =	vst.add.f32.msk $0xffff, v1  }
0x281: {  	[tilespmem:s2+$0xC010] =	vst.add.f32.msk $0xffff, v2  }
0x282: {  	[tilespmem:s2+$0xC020] =	vst.add.f32.msk $0xffff, v3  }
0x283: {  	[tilespmem:s2+$0xC030] =	vst.add.f32.msk $0xffff, v4  }
0x284: {  	[tilespmem:s2+$0xC040] =	vst.add.f32.msk $0xffff, v5  }
0x285: {  	s3 =	simm.s32 $0x0;
	s7 =	simm.s32 $0x200;
	[tilespmem:s2+$0xC050] =	vst.add.f32.msk $0xffff, v6  }
.LBB2_32:
0x286: {  	s3 =	sadd.s32 $0x80, s3;
	[tilespmem:s2+$0xC060] =	vst.add.f32.msk $0xffff, v0;
	s2 =	sshra.s32 s7, $0x2  }
0x287: {  	v0 =	vld [tilespmem:s2+$0x12070];
	p0 =	slt.u32 s3, $0x1F80  }
0x288: {  	v1 =	vld [tilespmem:s2+$0x12000]  }
0x289: {  	v2 =	vld [tilespmem:s2+$0x12010]  }
0x28a: {  	v3 =	vld [tilespmem:s2+$0x12020]  }
0x28b: {  	v4 =	vld [tilespmem:s2+$0x12030]  }
0x28c: {  	[tilespmem:s2+$0xC070] =	vst.add.f32.msk $0xffff, v0  }
0x28d: {  	v5 =	vld [tilespmem:s2+$0x12040]  }
0x28e: {  	v6 =	vld [tilespmem:s2+$0x12050]  }
0x28f: {  	v0 =	vld [tilespmem:s2+$0x12060]  }
0x290: {  	[tilespmem:s2+$0xC000] =	vst.add.f32.msk $0xffff, v1  }
.Ltmp15:
0x291: {  	[tilespmem:s2+$0xC010] =	vst.add.f32.msk $0xffff, v2;
	(pc) =	sbr.rel @p0 .LBB2_32-.Ltmp15, $4  }
0x292: {  	[tilespmem:s2+$0xC020] =	vst.add.f32.msk $0xffff, v3  }
0x293: {  	[tilespmem:s2+$0xC030] =	vst.add.f32.msk $0xffff, v4  }
0x294: {  	[tilespmem:s2+$0xC040] =	vst.add.f32.msk $0xffff, v5  }
0x295: {  	s7 =	sadd.s32 $0x200, s7;
	[tilespmem:s2+$0xC050] =	vst.add.f32.msk $0xffff, v6  }
0x296: {  	[tilespmem:s2+$0xC060] =	vst.add.f32.msk $0xffff, v0  }
0x297: {  	s2 =	rddreg [dreg:$0x14]  }
0x298: {  	[hbm4b:s2+s12] =	stream.strided.scatter [tilespmem:s24], [sflag:$0x7], $0x2000, s14, s12, $0x38;
	[tilespmem:$0x14000] =	vst v63  }
0x299: {  	_ =	swait.ge [sflag:s5], $0x2000  }
0x29a: {  	[sflag:s5] =	ssyncset.done $0x0  }
0x29b: {  	s2 =	simm.s32 $0x0;
	[sflag:s5] =	ssyncadd.s32 $0xFFFFE000  }
0x29c: {  	v0 =	vld [tilespmem:s2+$0x12070]  }
0x29d: {  	v1 =	vld [tilespmem:s2+$0x12000]  }
0x29e: {  	v2 =	vld [tilespmem:s2+$0x12010]  }
0x29f: {  	v3 =	vld [tilespmem:s2+$0x12020]  }
0x2a0: {  	v4 =	vld [tilespmem:s2+$0x12030]  }
0x2a1: {  	v5 =	vld [tilespmem:s2+$0x12040]  }
0x2a2: {  	v6 =	vld [tilespmem:s2+$0x12050]  }
0x2a3: {  	[tilespmem:s2+$0xE070] =	vst.add.f32.msk $0xffff, v0  }
0x2a4: {  	v0 =	vld [tilespmem:s2+$0x12060]  }
0x2a5: {  	[tilespmem:s2+$0xE000] =	vst.add.f32.msk $0xffff, v1  }
0x2a6: {  	[tilespmem:s2+$0xE010] =	vst.add.f32.msk $0xffff, v2  }
0x2a7: {  	[tilespmem:s2+$0xE020] =	vst.add.f32.msk $0xffff, v3  }
0x2a8: {  	[tilespmem:s2+$0xE030] =	vst.add.f32.msk $0xffff, v4  }
0x2a9: {  	[tilespmem:s2+$0xE040] =	vst.add.f32.msk $0xffff, v5  }
0x2aa: {  	s3 =	simm.s32 $0x0;
	s7 =	simm.s32 $0x200;
	[tilespmem:s2+$0xE050] =	vst.add.f32.msk $0xffff, v6  }
.LBB2_34:
0x2ab: {  	s3 =	sadd.s32 $0x80, s3;
	[tilespmem:s2+$0xE060] =	vst.add.f32.msk $0xffff, v0;
	s2 =	sshra.s32 s7, $0x2  }
0x2ac: {  	v0 =	vld [tilespmem:s2+$0x12070];
	p0 =	slt.u32 s3, $0x1F80  }
0x2ad: {  	v1 =	vld [tilespmem:s2+$0x12000]  }
0x2ae: {  	v2 =	vld [tilespmem:s2+$0x12010]  }
0x2af: {  	v3 =	vld [tilespmem:s2+$0x12020]  }
0x2b0: {  	v4 =	vld [tilespmem:s2+$0x12030]  }
0x2b1: {  	[tilespmem:s2+$0xE070] =	vst.add.f32.msk $0xffff, v0  }
0x2b2: {  	v5 =	vld [tilespmem:s2+$0x12040]  }
0x2b3: {  	v6 =	vld [tilespmem:s2+$0x12050]  }
0x2b4: {  	v0 =	vld [tilespmem:s2+$0x12060]  }
0x2b5: {  	[tilespmem:s2+$0xE000] =	vst.add.f32.msk $0xffff, v1  }
.Ltmp16:
0x2b6: {  	[tilespmem:s2+$0xE010] =	vst.add.f32.msk $0xffff, v2;
	(pc) =	sbr.rel @p0 .LBB2_34-.Ltmp16, $4  }
0x2b7: {  	[tilespmem:s2+$0xE020] =	vst.add.f32.msk $0xffff, v3  }
0x2b8: {  	[tilespmem:s2+$0xE030] =	vst.add.f32.msk $0xffff, v4  }
0x2b9: {  	[tilespmem:s2+$0xE040] =	vst.add.f32.msk $0xffff, v5  }
0x2ba: {  	s7 =	sadd.s32 $0x200, s7;
	[tilespmem:s2+$0xE050] =	vst.add.f32.msk $0xffff, v6  }
0x2bb: {  	[tilespmem:s2+$0xE060] =	vst.add.f32.msk $0xffff, v0  }
0x2bc: {  	s2 =	rddreg [dreg:$0x15]  }
0x2bd: {  	[hbm4b:s2+s12] =	stream.strided.scatter [tilespmem:s25], [sflag:$0x8], $0x2000, s14, s12, $0x38;
	[tilespmem:$0x14000] =	vst v63  }
0x2be: {  	_ =	swait.ge [sflag:s28], $0x2000  }
0x2bf: {  	[sflag:s28] =	ssyncset.done $0x0  }
0x2c0: {  	[sflag:s28] =	ssyncadd.s32 $0xFFFFE000  }
0x2c1: {  	_ =	swait.ge [sflag:s29], $0x2000  }
0x2c2: {  	[sflag:s29] =	ssyncset.done $0x0  }
0x2c3: {  	[sflag:s29] =	ssyncadd.s32 $0xFFFFE000  }
0x2c4: {  	_ =	swait.ge [sflag:s30], $0x2000  }
0x2c5: {  	[sflag:s30] =	ssyncset.done $0x0  }
0x2c6: {  	[sflag:s30] =	ssyncadd.s32 $0xFFFFE000  }
0x2c7: {  	_ =	swait.ge [sflag:s31], $0x2000  }
0x2c8: {  	[sflag:s31] =	ssyncset.done $0x0  }
0x2c9: {  	[sflag:s31] =	ssyncadd.s32 $0xFFFFE000  }
0x2ca: {  	_ =	swait.ge [sflag:s10], $0x2000  }
0x2cb: {  	[sflag:s10] =	ssyncset.done $0x0  }
0x2cc: {  	[sflag:s10] =	ssyncadd.s32 $0xFFFFE000  }
0x2cd: {  	_ =	swait.ge [sflag:s18], $0x2000  }
0x2ce: {  	[sflag:s18] =	ssyncset.done $0x0  }
0x2cf: {  	[sflag:s18] =	ssyncadd.s32 $0xFFFFE000  }
0x2d0: {  	_ =	swait.ge [sflag:s1], $0x2000  }
0x2d1: {  	[sflag:s1] =	ssyncset.done $0x0  }
0x2d2: {  	[sflag:s1] =	ssyncadd.s32 $0xFFFFE000  }
0x2d3: {  	_ =	swait.ge [sflag:s5], $0x2000  }
0x2d4: {  	s3 =	rddreg [dreg:$0x1a]  }
0x2d5: {  	s15 =	rddreg [dreg:$0x16];
	s3 =	sadd.s32 $0x1, s3  }
0x2d6: {  	p0 =	sne.s32 s3, s15  }
.Ltmp17:
0x2d7: {  	_ = 	snop;
	(pc) =	sbr.rel @p0 .LBB2_1-.Ltmp17, $3  }
0x2d8: {  	_ =	sdelay $0x1  }
0x2d9: {  	[sflag:s5] =	ssyncset.done $0x0  }
0x2da: {  	[sflag:s5] =	ssyncadd.s32 $0xFFFFE000  }
0x2db: {  	_ =	sfence.sel $0x180000  }
0x2dc: {  	[bflag:$0x0] =	sbarrier.arrive $0xFFFF  }
0x2dd: {  	_ =	strace $0x9000004D  }
0x2de: {  	s0 =	stileid.u32;
	[bflag:$0x2] =	sbarrier.arrive $0xFFFF  }
0x2df: {  	p0 =	sne.s32 s0, $0x0;
	s0 =	rddreg [dreg:$0x2]  }
0x2e0: {  	s0 =	sadd.s32 @!p0 $0x100000, s0  }
0x2e1: {  	[sflag:s0] =	ssyncadd.tile.s32 @!p0 $0x1;
	_ =	shalt  }
.Lfunc_end2:
_tile_overlayer_lowered:
.L_overlay_start_2:
0x2e2: {  	(tag) =	ssettag $0x2  }
0x2e3: {  	s0 =	rddreg [dreg:$0x0];
	s2 =	stileid.u32  }
0x2e4: {  	s1 =	rddreg [dreg:$0x1];
	p0 =	sne.s32 s2, $0x0  }
0x2e5: {  	s3 =	rddreg [dreg:$0x2];
	[bflag:$0x3] =	sbarrier.arrive $0xFFFF;
	s2 =	simm.s32 @!p0 $0x1C0B  }
0x2e6: {  	[timem:s3], [sflag:s2] =	dma.local @!p0 [hbm:s0], s1  }
0x2e7: {  	s0 =	simm.s32 @!p0 $0xB  }
0x2e8: {  	_ =	swait.ge @!p0 [sflag:s0], s1  }
0x2e9: {  	s1 =	ssub.s32 @!p0 $0x0, s1;
	[sflag:s0] =	ssyncset.done @!p0 $0x0  }
0x2ea: {  	[sflag:s0] =	ssyncadd.s32 @!p0 s1  }
0x2eb: {  	[bflag:$0x3] =	sbarrier.arrive $0xFFFF  }
0x2ec: {  	_ =	shalt  }

// kernel: sparse-core-data-format-call.1.cloned.1.call-start
scs
called_computation.1_lowered:
.L_overlay_start_0:
0x0: {  	s2 =	sld [smem:$0x3FD9]  }
0x1: {  	s3 =	sld [smem:$0x3FFE];
	_ =	sdelay $0x1  }
0x2: {  	s1 =	srdreg.scid  }
0x3: {  	s0 =	sand.u32 $0x1, s1  }
0x4: {  	s18 =	sshll.u32 s0, $0xA;
	s2 =	sadd.s32 s3, s2  }
0x5: {  	s2 =	sadd.s32 s2, s18  }
0x6: {  	[smem:$0x3FC6] =	sst s2  }
0x7: {  	_ = 	snop  }
0x8: {  	s2 =	sld [smem:$0x3FC8];
	(tm) =	ssettm $0x1  }
0x9: {  	s19 =	sld [smem:$0x3FFB];
	_ =	sdelay $0x3  }
0xa: {  	_ =	strace s19  }
0xb: {  	s3 =	sld [smem:$0x3FFC];
	_ =	sdelay $0x3  }
0xc: {  	_ =	strace s3  }
0xd: {  	s3 =	sld [smem:$0x3FFD];
	_ =	sdelay $0x3  }
0xe: {  	_ =	strace s3  }
0xf: {  	_ =	strace $0x8FFFFFFF  }
0x10: {  	s20 =	sld [smem:$0x3FDB];
	_ =	sdelay $0x1  }
0x11: {  	s4 =	simm.s32 $_scs_section_size  }
0x12: {  	s5 =	simm.s32 $_size__tile_overlayer_lowered;
	s6 =	simm.s32 $_tile_overlayer_lowered  }
0x13: {  	s23 =	simm.s32 $0x1BFF;
	s22 =	sshll.u32 s6, $0x1;
	s3 =	sadd.s32 s4, s20  }
0x14: {  	s7 =	simm.s32 $0x0;
	s21 =	sshll.u32 s5, $0x1;
	s5 =	sadd.s32 s22, s3  }
0x15: {  	[timem:s7], [sflag:s23] =	dma.local [hbm:s5], s21  }
0x16: {  	_ =	swait.ge [sflag:s23], s21  }
0x17: {  	s4 =	ssub.s32 $0x0, s21;
	[sflag:s23] =	ssyncset.done $0x0  }
0x18: {  	[sflag:s23] =	ssyncadd.s32 s4;
	_ =	sdelay $0x1  }
0x19: {  	s24 =	simm.s32 $0x1B8B  }
0x1a: {  	_ =	swait.ge [sflag:s24], $0x1  }
0x1b: {  	[sflag:s24] =	ssyncset.done $0x0  }
0x1c: {  	s26 =	simm.s32 $0x1B8E;
	s25 =	sld [smem:$0x3FFE];
	[sflag:s24] =	ssyncadd.s32 $0xFFFFFFFF  }
0x1d: {  	s27 =	simm.s32 $execute0_lowered;
	[smem:$0x3FD2] =	sst s26  }
0x1e: {  	s5 =	sshll.u32 s27, $0x1;
	_ =	strace $0x80000046;
	[dreg:$0x1] =	wrdreg $0xFFFFFFFF  }
0x1f: {  	s28 =	simm.s32 $_size_execute0_lowered;
	s3 =	sadd.s32 s3, s5;
	[dreg:$0x0] =	wrdreg $0x0  }
0x20: {  	s5 =	sshll.u32 s28, $0x1;
	[dreg:$0x2] =	wrdreg s3  }
0x21: {  	[dreg:$0x3] =	wrdreg s5  }
0x22: {  	[dreg:$0x4] =	wrdreg $0xC0  }
0x23: {  	_ =	task [dreg:s7], $0x5FFFF  }
0x24: {  	[dreg:$0x1] =	wrdreg $0xFFFFFFFF  }
0x25: {  	[dreg:$0x0] =	wrdreg $0x60  }
0x26: {  	[dreg:$0x2] =	wrdreg s2  }
0x27: {  	[dreg:$0x3] =	wrdreg s25  }
0x28: {  	[dreg:$0x4] =	wrdreg $0x9  }
0x29: {  	_ =	task.clear_ibuf [dreg:s7], $0x5FFFF;
	_ =	strace $0x90000046  }
0x2a: {  	s29 =	simm.s32 $0x9;
	_ =	strace $0x80000048  }
0x2b: {  	_ =	swait.ge [sflag:s29], $0x1  }
0x2c: {  	[sflag:s29] =	ssyncadd.s32 $0xFFFFFFFF  }
0x2d: {  	_ =	strace $0x90000048  }
0x2e: {  	_ =	sfence  }
0x2f: {  	s30 =	sld [smem:$0x0];
	_ =	sdelay $0x2  }
0x30: {  	s31 =	sshll.u32 s1, $0xD;
	s1 =	sshrl.u32 s1, $0x2  }
0x31: {  	s3 =	sand.u32 $0x4000, s31;
	s1 =	sadd.s32 s1, s30  }
0x32: {  	s0 =	sor.u32 s3, s0;
	s1 =	sshll.u32 s1, $0x11  }
0x33: {  	s0 =	sor.u32 s1, s0  }
0x34: {  	s0 =	sadd.s32 $0x8F2B, s0  }
0x35: {  	[sflag:s0] =	ssyncadd.remote.s32 $0x1  }
0x36: {  	_ =	sfence.sel $0xFFFF  }
0x37: {  	[dreg:$0x0] =	wrdreg $0xFFFFFFFF;
	(pc) =	sbr.abs _section_cstart, $3  }
0x38: {  	[dreg:$0x1] =	wrdreg $0xFFFFFFFF  }
0x39: {  	_ =	task.clear_ibuf [dreg:s7], $0x2FFFF;
	_ =	strace $0x9FFFFFFF  }
0x3a: {  	(tm) =	ssettm $0x7FFFFFFF  }
0x3b: {  	_ =	shalt  }
tec
execute0_lowered:
.L_overlay_start_1:
0x0: {  	(tag) =	ssettag $0x1  }
0x1: {  	s0 =	srdreg.scid  }
0x2: {  	s1 =	sshll.u32 s0, $0x4  }
0x3: {  	s2 =	rddreg [dreg:$0x0];
	s0 =	stileid.u32;
	s1 =	sand.u32 $0x10, s1  }
0x4: {  	s4 =	rddreg [dreg:$0x1];
	s7 =	simm.s32 $0x1;
	s1 =	sor.u32 s0, s1  }
0x5: {  	s8 =	simm.s32 $0x2;
	s9 =	simm.s32 $0x0;
	s3 =	sshll.u32 s1, $0x1  }
0x6: {  	s12 =	simm.s32 $0x0;
	s11 =	simm.s32 $0x0;
	s6 =	ssub.s32 $0x400, s3  }
.Ltmp0:
0x7: {  	s4 =	sadd.s32 $0x1000, s4;
	s5 =	sand.u32 $0x3E, s6;
	(pc) =	sbr.rel .LBB1_1-.Ltmp0, $4  }
0x8: {  	s1 =	rddreg [dreg:$0x2];
	_ =	strace $0x80000047;
	p0 =	sne.s32 s5, $0x0  }
0x9: {  	s6 =	sshrl.u32 s6, $0x6;
	s5 =	simm.s32 $0x1;
	s7 =	simm.s32 @!p0 $0x0  }
0xa: {  	s10 =	smov.u32 s3;
	[sflag:s5] =	ssyncpa.u1 $0x0;
	s6 =	sadd.s32 s7, s6  }
0xb: {  	[sflag:s8] =	ssyncpa.u1 $0x0;
	s8 =	simm.s32 $0x0;
	s7 =	sadd.s32 $0x1, s6  }
.LBB1_9:
0xc: {  	s14 =	sadd.s32 $0x40, s10  }
0xd: {  	p1 =	sgt.s32 s14, $0x3FF  }
0xe: {  	s14 =	smov.u32 @p1 s3;
	p1 =	sne.s32 s11, s7  }
.Ltmp1:
0xf: {  	p0 =	slt.u32 s11, $0x2;
	(pc) =	sbr.rel @!p1 .LBB1_10-.Ltmp1, $4  }
0x10: {  	s13 =	simm.s32 @!p0 $0x2  }
0x11: {  	s15 =	sadd.s32 $0x1, s11;
	_ =	swait.ge @!p0 [sflag:s13], $0x4000  }
0x12: {  	s12 =	smov.u32 s10;
	s9 =	sadd.s32 $0x4000, s9;
	[sflag:s13] =	ssyncset.done @!p0 $0x0  }
0x13: {  	s11 =	smov.u32 s15;
	s10 =	smov.u32 s14;
	[sflag:s13] =	ssyncadd.s32 @!p0 $0xFFFFC000  }
.LBB1_1:
0x14: {  	p0 =	sge.u32 s11, s6  }
0x15: {  	s13 =	sxor.u32 @!p0 $0xFFFFFFFF, s11  }
0x16: {  	s31 =	sadd.s32 $0xFFFFFFFF, s11;
	s14 =	sshll.u32 @!p0 s10, $0xA;
	s13 =	sshll.u32 @!p0 s13, $0xE  }
0x17: {  	s15 =	simm.s32 @!p0 $0x0;
	s14 =	sadd.s32 @!p0 s2, s14;
	s13 =	sand.u32 @!p0 $0x4000, s13  }
0x18: {  	[tilespmem:s13], [sflag:$0x1] =	stream.linear.gather @!p0 [hbm4b:s14+s15], $0x4000, $0x38;
	[tilespmem:$0x10000] =	vst v63  }
0x19: {  	p0 =	sge.u32 s31, s6  }
.Ltmp2:
0x1a: {  	_ = 	snop;
	(pc) =	sbr.rel @p0 .LBB1_9-.Ltmp2, $1  }
0x1b: {  	_ =	sdelay $0x3  }
0x1c: {  	s13 =	sshll.u32 s9, $0x2  }
0x1d: {  	_ =	swait.ge [sflag:s5], $0x4000;
	s14 =	sshll.u32 s11, $0xE;
	s16 =	simm.s32 $0x0  }
0x1e: {  	p1 =	por $0x1, $0x1;
	s13 =	sand.u32 $0x10000, s13;
	[sflag:s5] =	ssyncset.done $0x0  }
0x1f: {  	s14 =	sand.u32 $0x4000, s14;
	s15 =	sshrl.u32 s13, $0x2;
	[sflag:s5] =	ssyncadd.s32 $0xFFFFC000  }
0x20: {  	s13 =	sor.u32 $0x8000, s14;
	s14 =	sadd.s32 $0x8040, s15;
	s15 =	sadd.s32 $0x40, s15  }
.LBB1_3:
0x21: {  	s16 =	sshll.u32 s16, $0x2  }
0x22: {  	p0 =	por p1, p1;
	s17 =	sshra.s32 s16, $0x2  }
0x23: {  	s18 =	simm.s32 $0x0;
	s16 =	sadd.s32 s17, s14;
	s17 =	sadd.s32 s17, s15  }
.LBB1_4:
0x24: {  	v0 =	vmov s17;
	_ =	sdelay $0x3  }
0x25: {  	s20 =	simm.s32 $0x0  }
0x26: {  	v6 =	vld.idx.msk [tilespmem:v0+s20+$0x30 ss:$0x1], $0xffff  }
0x27: {  	v7 =	vld.idx.msk [tilespmem:v0+s20+$0xFFFFFFC0 ss:$0x1], $0xffff  }
0x28: {  	v5 =	vld.idx.msk [tilespmem:v0+s20+$0xFFFFFFD0 ss:$0x1], $0xffff  }
0x29: {  	v4 =	vld.idx.msk [tilespmem:v0+s20+$0xFFFFFFE0 ss:$0x1], $0xffff  }
0x2a: {  	v3 =	vld.idx.msk [tilespmem:v0+s20+$0xFFFFFFF0 ss:$0x1], $0xffff  }
0x2b: {  	v1 =	vld.idx.msk [tilespmem:v0+s20+$0x0 ss:$0x1], $0xffff  }
0x2c: {  	v2 =	vld.idx.msk [tilespmem:v0+s20+$0x10 ss:$0x1], $0xffff;
	[tilespmem:s16+$0x30] =	vst v6  }
0x2d: {  	s19 =	simm.s32 $0x80;
	s21 =	simm.s32 $0x400;
	[tilespmem:s16+$0xFFFFFFC0] =	vst v7;
	v6 =	vld.idx.msk [tilespmem:v0+s20+$0x20 ss:$0x1], $0xffff;
	s20 =	smov.u32 s16  }
.LBB1_5:
0x2e: {  	p1 =	sne.s32 s21, $0xE00;
	v7 =	vld.idx.msk [tilespmem:v0+s19+$0x30 ss:$0x1], $0xffff;
	[tilespmem:s20+$0xFFFFFFD0] =	vst v5  }
0x2f: {  	v8 =	vld.idx.msk [tilespmem:v0+s19+$0xFFFFFFC0 ss:$0x1], $0xffff;
	[tilespmem:s20+$0xFFFFFFE0] =	vst v4  }
0x30: {  	v5 =	vld.idx.msk [tilespmem:v0+s19+$0xFFFFFFD0 ss:$0x1], $0xffff;
	[tilespmem:s20+$0xFFFFFFF0] =	vst v3  }
.Ltmp3:
0x31: {  	v4 =	vld.idx.msk [tilespmem:v0+s19+$0xFFFFFFE0 ss:$0x1], $0xffff;
	[tilespmem:s20+$0x0] =	vst v1;
	(pc) =	sbr.rel @p1 .LBB1_5-.Ltmp3, $4  }
0x32: {  	v3 =	vld.idx.msk [tilespmem:v0+s19+$0xFFFFFFF0 ss:$0x1], $0xffff;
	[tilespmem:s20+$0x10] =	vst v2  }
0x33: {  	v1 =	vld.idx.msk [tilespmem:v0+s19+$0x0 ss:$0x1], $0xffff;
	[tilespmem:s20+$0x20] =	vst v6;
	s20 =	sadd.s32 $0x400, s20  }
0x34: {  	v2 =	vld.idx.msk [tilespmem:v0+s19+$0x10 ss:$0x1], $0xffff;
	[tilespmem:s20+$0x30] =	vst v7  }
0x35: {  	[tilespmem:s20+$0xFFFFFFC0] =	vst v8;
	v6 =	vld.idx.msk [tilespmem:v0+s19+$0x20 ss:$0x1], $0xffff;
	s19 =	sshra.s32 s21, $0x2;
	s21 =	sadd.s32 $0x200, s21  }
0x36: {  	_ =	sdelay $0x2  }
0x37: {  	[tilespmem:s20+$0xFFFFFFD0] =	vst v5  }
0x38: {  	v56 =	vld.idx.msk [tilespmem:v0+s19+$0x30 ss:$0x1], $0xffff;
	[tilespmem:s20+$0xFFFFFFE0] =	vst v4  }
0x39: {  	v57 =	vld.idx.msk [tilespmem:v0+s19+$0xFFFFFFC0 ss:$0x1], $0xffff;
	[tilespmem:s20+$0xFFFFFFF0] =	vst v3  }
0x3a: {  	v58 =	vld.idx.msk [tilespmem:v0+s19+$0xFFFFFFD0 ss:$0x1], $0xffff;
	[tilespmem:s20+$0x0] =	vst v1  }
0x3b: {  	v59 =	vld.idx.msk [tilespmem:v0+s19+$0xFFFFFFE0 ss:$0x1], $0xffff;
	[tilespmem:s20+$0x10] =	vst v2  }
0x3c: {  	v60 =	vld.idx.msk [tilespmem:v0+s19+$0xFFFFFFF0 ss:$0x1], $0xffff;
	s31 =	sadd.s32 $0x400, s20;
	[tilespmem:s20+$0x20] =	vst v6  }
0x3d: {  	v61 =	vld.idx.msk [tilespmem:v0+s19+$0x0 ss:$0x1], $0xffff;
	[tilespmem:s31+$0x30] =	vst v56  }
0x3e: {  	v62 =	vld.idx.msk [tilespmem:v0+s19+$0x10 ss:$0x1], $0xffff;
	s18 =	sadd.s32 $0x1, s18;
	[tilespmem:s31+$0xFFFFFFC0] =	vst v57  }
0x3f: {  	v63 =	vld.idx.msk [tilespmem:v0+s19+$0x20 ss:$0x1], $0xffff;
	p1 =	sne.s32 s18, $0x8;
	[tilespmem:s31+$0xFFFFFFD0] =	vst v58  }
.Ltmp4:
0x40: {  	[tilespmem:s31+$0xFFFFFFE0] =	vst v59;
	(pc) =	sbr.rel @p1 .LBB1_4-.Ltmp4, $4  }
0x41: {  	[tilespmem:s31+$0xFFFFFFF0] =	vst v60  }
0x42: {  	[tilespmem:s31+$0x0] =	vst v61  }
0x43: {  	[tilespmem:s31+$0x10] =	vst v62  }
0x44: {  	s16 =	sadd.s32 $0x80, s16;
	s17 =	sadd.s32 $0x400, s17;
	[tilespmem:s31+$0x20] =	vst v63  }
.Ltmp5:
0x45: {  	(pc) =	sbr.rel @p0 .LBB1_3-.Ltmp5, $2  }
0x46: {  	_ =	sdelay $0x2  }
0x47: {  	s16 =	simm.s32 $0x2000;
	p1 =	por $0x0, $0x0  }
.Ltmp6:
0x48: {  	(pc) =	sbr.rel .LBB1_9-.Ltmp6, $4  }
0x49: {  	_ = 	snop  }
0x4a: {  	s12 =	sshll.u32 s12, $0xA  }
0x4b: {  	s12 =	sadd.s32 s4, s12  }
0x4c: {  	[hbm4b:s12+s8] =	stream.linear.scatter [tilespmem:s13], [sflag:$0x2], $0x4000, $0x38;
	[tilespmem:$0x10000] =	vst v63  }
.LBB1_10:
0x4d: {  	_ =	sfence.sel $0x180000  }
0x4e: {  	s2 =	simm.s32 $0x1;
	[bflag:$0x0] =	sbarrier.arrive $0xFFFF  }
0x4f: {  	s31 =	simm.s32 $0x2;
	[sflag:s2] =	ssyncpa.u1 $0x1  }
0x50: {  	[sflag:s31] =	ssyncpa.u1 $0x1  }
0x51: {  	p0 =	sne.s32 s0, $0x0;
	_ =	strace $0x90000047  }
0x52: {  	s0 =	sadd.s32 @!p0 $0x100000, s1;
	[bflag:$0x2] =	sbarrier.arrive $0xFFFF  }
0x53: {  	[sflag:s0] =	ssyncadd.tile.s32 @!p0 $0x1;
	_ =	shalt  }
.Lfunc_end1:
_tile_overlayer_lowered:
.L_overlay_start_2:
0x54: {  	(tag) =	ssettag $0x2  }
0x55: {  	s0 =	rddreg [dreg:$0x0];
	s2 =	stileid.u32  }
0x56: {  	s1 =	rddreg [dreg:$0x1];
	p0 =	sne.s32 s2, $0x0  }
0x57: {  	s3 =	rddreg [dreg:$0x2];
	[bflag:$0x3] =	sbarrier.arrive $0xFFFF;
	s2 =	simm.s32 @!p0 $0x1C01  }
0x58: {  	[timem:s3], [sflag:s2] =	dma.local @!p0 [hbm:s0], s1  }
0x59: {  	s0 =	simm.s32 @!p0 $0x1  }
0x5a: {  	_ =	swait.ge @!p0 [sflag:s0], s1  }
0x5b: {  	s1 =	ssub.s32 @!p0 $0x0, s1;
	[sflag:s0] =	ssyncset.done @!p0 $0x0  }
0x5c: {  	[sflag:s0] =	ssyncadd.s32 @!p0 s1  }
0x5d: {  	[bflag:$0x3] =	sbarrier.arrive $0xFFFF  }
0x5e: {  	_ =	shalt  }

// kernel: sparse-core-data-format-call.2.cloned.1.call-start
scs
called_computation.2_lowered:
.L_overlay_start_0:
0x0: {  	s2 =	sld [smem:$0x3FD9]  }
0x1: {  	s3 =	sld [smem:$0x3FFE];
	_ =	sdelay $0x1  }
0x2: {  	s1 =	srdreg.scid  }
0x3: {  	s0 =	sand.u32 $0x1, s1  }
0x4: {  	s19 =	sshll.u32 s0, $0xA;
	s2 =	sadd.s32 s3, s2  }
0x5: {  	s2 =	sadd.s32 s2, s19  }
0x6: {  	[smem:$0x3FC6] =	sst s2  }
0x7: {  	_ = 	snop  }
0x8: {  	s20 =	sld [smem:$0x3FC9]  }
0x9: {  	s4 =	sld [smem:$0x3FD0];
	(tm) =	ssettm $0x1  }
0xa: {  	s21 =	sld [smem:$0x3FFB];
	_ =	sdelay $0x3  }
0xb: {  	_ =	strace s21  }
0xc: {  	s2 =	sld [smem:$0x3FFC];
	_ =	sdelay $0x3  }
0xd: {  	_ =	strace s2  }
0xe: {  	s2 =	sld [smem:$0x3FFD];
	_ =	sdelay $0x3  }
0xf: {  	_ =	strace s2  }
0x10: {  	_ =	strace $0x8FFFFFFF  }
0x11: {  	s22 =	sld [smem:$0x3FDB];
	_ =	sdelay $0x1  }
0x12: {  	s5 =	simm.s32 $_scs_section_size  }
0x13: {  	s6 =	simm.s32 $_size__tile_overlayer_lowered;
	s7 =	simm.s32 $_tile_overlayer_lowered  }
0x14: {  	s8 =	simm.s32 $0x1BFF;
	s23 =	sshll.u32 s7, $0x1;
	s5 =	sadd.s32 s5, s22  }
0x15: {  	s24 =	simm.s32 $0x0;
	s6 =	sshll.u32 s6, $0x1;
	s7 =	sadd.s32 s23, s5  }
0x16: {  	[timem:s24], [sflag:s8] =	dma.local [hbm:s7], s6  }
0x17: {  	_ =	swait.ge [sflag:s8], s6  }
0x18: {  	s6 =	ssub.s32 $0x0, s6;
	[sflag:s8] =	ssyncset.done $0x0  }
0x19: {  	[sflag:s8] =	ssyncadd.s32 s6;
	_ =	sdelay $0x1  }
0x1a: {  	s25 =	simm.s32 $0x1B8B  }
0x1b: {  	_ =	swait.ge [sflag:s25], $0x1  }
0x1c: {  	[sflag:s25] =	ssyncset.done $0x0  }
0x1d: {  	[sflag:s25] =	ssyncadd.s32 $0xFFFFFFFF  }
0x1e: {  	s6 =	sld [smem:$0x0]  }
0x1f: {  	s7 =	sand.u32 $0xFFFFFFFE, s1  }
0x20: {  	p0 =	sne.s32 s1, s7  }
0x21: {  	s7 =	sshll.u32 @p0 s7, $0xE  }
0x22: {  	s7 =	sadd.s32 @p0 $0x11B8D, s7;
	s8 =	sshll.u32 @p0 s6, $0x11  }
0x23: {  	s7 =	sor.u32 @p0 s8, s7  }
0x24: {  	[sflag:s7] =	ssyncadd.remote.s32 @p0 $0x1;
	_ =	sdelay $0x1  }
0x25: {  	s7 =	simm.s32 @p0 $0x1B8D  }
0x26: {  	_ =	swait.eq @p0 [sflag:s7], $0x1  }
0x27: {  	[sflag:s7] =	ssyncadd.s32 @p0 $0xFFFFFFFF  }
0x28: {  	s8 =	sshll.u32 @!p0 s1, $0xE  }
0x29: {  	s8 =	sor.u32 @!p0 $0x4000, s8;
	s7 =	simm.s32 @!p0 $0x1B8D  }
0x2a: {  	s6 =	sshll.u32 @!p0 s6, $0x11;
	s8 =	sadd.s32 @!p0 $0x11B8D, s8;
	_ =	swait.eq @!p0 [sflag:s7], $0x1  }
0x2b: {  	s6 =	sor.u32 @!p0 s6, s8;
	[sflag:s7] =	ssyncadd.s32 @!p0 $0xFFFFFFFF  }
0x2c: {  	s26 =	simm.s32 $0x1B8E;
	[sflag:s6] =	ssyncadd.remote.s32 @!p0 $0x1  }
0x2d: {  	s27 =	simm.s32 $execute0_lowered;
	[smem:$0x3FD2] =	sst s26  }
0x2e: {  	s6 =	sshll.u32 s27, $0x1;
	_ =	strace $0x80000049;
	[dreg:$0x1] =	wrdreg $0xFFFFFFFF  }
0x2f: {  	s28 =	simm.s32 $_size_execute0_lowered;
	s5 =	sadd.s32 s5, s6;
	[dreg:$0x0] =	wrdreg $0x0  }
0x30: {  	s6 =	sshll.u32 s28, $0x1;
	[dreg:$0x2] =	wrdreg s5  }
0x31: {  	[dreg:$0x3] =	wrdreg s6  }
0x32: {  	[dreg:$0x4] =	wrdreg $0xC0  }
0x33: {  	_ =	task [dreg:s24], $0x5FFFF  }
0x34: {  	[dreg:$0x1] =	wrdreg $0xFFFFFFFF  }
0x35: {  	[dreg:$0x0] =	wrdreg $0x60  }
0x36: {  	[dreg:$0x2] =	wrdreg s20  }
0x37: {  	[dreg:$0x3] =	wrdreg s4  }
0x38: {  	[dreg:$0x4] =	wrdreg $0xA  }
0x39: {  	_ =	task.clear_ibuf [dreg:s24], $0x5FFFF;
	_ =	strace $0x90000049  }
0x3a: {  	s29 =	simm.s32 $0xA;
	_ =	strace $0x8000004B  }
0x3b: {  	_ =	swait.ge [sflag:s29], $0x1  }
0x3c: {  	[sflag:s29] =	ssyncadd.s32 $0xFFFFFFFF  }
0x3d: {  	_ =	strace $0x9000004B  }
0x3e: {  	_ =	sfence  }
0x3f: {  	s30 =	sld [smem:$0x0];
	_ =	sdelay $0x2  }
0x40: {  	s31 =	sshll.u32 s1, $0xD;
	s1 =	sshrl.u32 s1, $0x2  }
0x41: {  	s4 =	sand.u32 $0x4000, s31;
	s1 =	sadd.s32 s1, s30  }
0x42: {  	s0 =	sor.u32 s4, s0;
	s1 =	sshll.u32 s1, $0x11  }
0x43: {  	s0 =	sor.u32 s1, s0  }
0x44: {  	s0 =	sadd.s32 $0x8F2B, s0  }
0x45: {  	[sflag:s0] =	ssyncadd.remote.s32 $0x1  }
0x46: {  	_ =	sfence.sel $0xFFFF  }
0x47: {  	[dreg:$0x0] =	wrdreg $0xFFFFFFFF;
	(pc) =	sbr.abs _section_cstart, $3  }
0x48: {  	[dreg:$0x1] =	wrdreg $0xFFFFFFFF  }
0x49: {  	_ =	task.clear_ibuf [dreg:s24], $0x2FFFF;
	_ =	strace $0x9FFFFFFF  }
0x4a: {  	(tm) =	ssettm $0x7FFFFFFF  }
0x4b: {  	_ =	shalt  }
tec
execute0_lowered:
.L_overlay_start_1:
0x0: {  	(tag) =	ssettag $0x1  }
0x1: {  	s0 =	stileid.u32;
	s3 =	rddreg [dreg:$0x0]  }
0x2: {  	s1 =	srdreg.scid;
	s4 =	rddreg [dreg:$0x1]  }
0x3: {  	s7 =	simm.s32 $0x1;
	s2 =	sshll.u32 s0, $0x5;
	s1 =	sshll.u32 s1, $0x9  }
0x4: {  	s31 =	simm.s32 $0x2;
	s15 =	simm.s32 $0x0;
	s1 =	sor.u32 s2, s1  }
0x5: {  	s9 =	simm.s32 $0x1000;
	s10 =	simm.s32 $0x0;
	s2 =	sand.u32 $0x380, s1  }
0x6: {  	s16 =	simm.s32 $0x0;
	s17 =	simm.s32 $0x0;
	s5 =	ssub.s32 $0x2000, s2  }
0x7: {  	s11 =	simm.s32 $0x0;
	s14 =	simm.s32 $0x0;
	s6 =	sand.u32 $0x380, s5  }
.Ltmp0:
0x8: {  	s1 =	rddreg [dreg:$0x2];
	p0 =	sne.s32 s6, $0x0;
	(pc) =	sbr.rel .LBB1_1-.Ltmp0, $4  }
0x9: {  	_ =	strace $0x8000004A;
	s8 =	sshrl.u32 s5, $0xA;
	s7 =	simm.s32 @!p0 $0x0  }
0xa: {  	s12 =	smov.u32 s2;
	s6 =	simm.s32 $0x1;
	s7 =	sadd.s32 s7, s8  }
0xb: {  	s5 =	sand.u32 $0x3, s0;
	[sflag:s6] =	ssyncpa.u1 $0x0;
	s7 =	sshll.u32 s7, $0x3  }
0xc: {  	s13 =	smov.u32 s5;
	[sflag:s31] =	ssyncpa.u1 $0x0;
	s8 =	sor.u32 $0x1, s7  }
.LBB1_4:
0xd: {  	_ =	sdelay $0x3  }
0xe: {  	[tilespmem:v0+s20+$0xFFFFFFA0 ss:$0x1] =	vst.idx.msk $0xffff, v6  }
0xf: {  	v56 =	vld.idx.msk [tilespmem:v1+s19+$0x30 ss:$0x1], $0xffff;
	[tilespmem:v0+s20+$0xFFFFFFB0 ss:$0x1] =	vst.idx.msk $0xffff, v4  }
0x10: {  	v57 =	vld.idx.msk [tilespmem:v1+s19+$0xFFFFFFC0 ss:$0x1], $0xffff;
	[tilespmem:v0+s20+$0xFFFFFFC0 ss:$0x1] =	vst.idx.msk $0xffff, v2  }
0x11: {  	v58 =	vld.idx.msk [tilespmem:v1+s19+$0xFFFFFFD0 ss:$0x1], $0xffff;
	[tilespmem:v0+s20+$0xFFFFFFD0 ss:$0x1] =	vst.idx.msk $0xffff, v3  }
0x12: {  	v59 =	vld.idx.msk [tilespmem:v1+s19+$0xFFFFFFE0 ss:$0x1], $0xffff;
	[tilespmem:v0+s20+$0xFFFFFFE0 ss:$0x1] =	vst.idx.msk $0xffff, v5  }
0x13: {  	v60 =	vld.idx.msk [tilespmem:v1+s19+$0xFFFFFFF0 ss:$0x1], $0xffff;
	[tilespmem:v0+s20+$0xFFFFFFF0 ss:$0x1] =	vst.idx.msk $0xffff, v7  }
0x14: {  	v61 =	vld.idx.msk [tilespmem:v1+s19+$0x0 ss:$0x1], $0xffff;
	[tilespmem:v0+s19+$0x0 ss:$0x1] =	vst.idx.msk $0xffff, v56  }
0x15: {  	v62 =	vld.idx.msk [tilespmem:v1+s19+$0x10 ss:$0x1], $0xffff;
	[tilespmem:v0+s19+$0xFFFFFF90 ss:$0x1] =	vst.idx.msk $0xffff, v57  }
0x16: {  	s17 =	sshll.u32 s17, $0x7;
	v63 =	vld.idx.msk [tilespmem:v1+s19+$0x20 ss:$0x1], $0xffff;
	s28 =	sand.u32 $0x78, s15;
	s21 =	sshll.u32 s15, $0x2;
	[tilespmem:v0+s19+$0xFFFFFFA0 ss:$0x1] =	vst.idx.msk $0xffff, v58  }
0x17: {  	s16 =	sshll.u32 s16, $0x9;
	s30 =	sshrl.u32 s15, $0x1;
	s17 =	sand.u32 $0x180, s17;
	[tilespmem:v0+s19+$0xFFFFFFB0 ss:$0x1] =	vst.idx.msk $0xffff, v59  }
0x18: {  	s31 =	sand.u32 $0x7, s15;
	s29 =	sand.u32 $0x200, s21;
	s17 =	sor.u32 s17, s28;
	[tilespmem:v0+s19+$0xFFFFFFC0 ss:$0x1] =	vst.idx.msk $0xffff, v60  }
0x19: {  	s20 =	sand.u32 $0x180, s30;
	s16 =	sadd.s32 s4, s16;
	s17 =	sor.u32 s29, s17;
	[tilespmem:v0+s19+$0xFFFFFFD0 ss:$0x1] =	vst.idx.msk $0xffff, v61  }
0x1a: {  	s15 =	sshll.u32 s31, $0x12;
	s16 =	sadd.s32 s20, s16;
	s17 =	sshrl.u32 s17, $0x3;
	[tilespmem:v0+s19+$0xFFFFFFE0 ss:$0x1] =	vst.idx.msk $0xffff, v62  }
0x1b: {  	s15 =	sor.u32 $0x80, s15;
	[tilespmem:v0+s19+$0xFFFFFFF0 ss:$0x1] =	vst.idx.msk $0xffff, v63;
	s16 =	sadd.s32 s17, s16  }
0x1c: {  	[hbm4b:s16+s15] =	stream.strided.scatter [tilespmem:s18], [sflag:$0x2], $0x4000, s9, s15, $0x38;
	[tilespmem:$0x10000] =	vst v63  }
.LBB1_5:
0x1d: {  	s18 =	sadd.s32 $0x80, s11  }
0x1e: {  	s15 =	sadd.s32 $0x400, s12;
	s19 =	smov.u32 s12;
	p1 =	sgt.s32 s18, $0x3FF  }
0x1f: {  	s19 =	smov.u32 @p1 s15  }
0x20: {  	s21 =	smov.u32 s13;
	s15 =	sadd.s32 $0x4, s13;
	p2 =	sgt.s32 s19, $0x1FFF  }
0x21: {  	s21 =	smov.u32 @p2 s15  }
0x22: {  	s18 =	simm.s32 @p1 $0x0;
	p1 =	sgt.s32 s21, $0x3  }
0x23: {  	p0 =	slt.u32 s14, $0x2;
	s21 =	smov.u32 @p1 s5;
	p1 =	sne.s32 s14, s8  }
.Ltmp1:
0x24: {  	s20 =	simm.s32 @!p0 $0x2;
	(pc) =	sbr.rel @!p1 .LBB1_6-.Ltmp1, $4  }
0x25: {  	s16 =	smov.u32 s12;
	s17 =	smov.u32 s13;
	_ =	swait.ge @!p0 [sflag:s20], $0x4000  }
0x26: {  	s10 =	sadd.s32 $0x4000, s10;
	[sflag:s20] =	ssyncset.done @!p0 $0x0;
	s19 =	smov.u32 @p2 s2  }
0x27: {  	s15 =	smov.u32 s11;
	[sflag:s20] =	ssyncadd.s32 @!p0 $0xFFFFC000;
	s11 =	smov.u32 s18  }
0x28: {  	s12 =	smov.u32 s19;
	s14 =	sadd.s32 $0x1, s14;
	s13 =	smov.u32 s21  }
.LBB1_1:
0x29: {  	p0 =	sge.u32 s14, s7  }
0x2a: {  	s31 =	sadd.s32 $0xFFFFFFFF, s14;
	s18 =	sshll.u32 @!p0 s12, $0x7  }
0x2b: {  	s19 =	sxor.u32 @!p0 $0xFFFFFFFF, s14;
	s20 =	sand.u32 @!p0 $0x78, s11;
	s21 =	sand.u32 @!p0 $0x380, s18  }
0x2c: {  	s19 =	sshll.u32 @!p0 s19, $0xE;
	s20 =	sor.u32 @!p0 s20, s21;
	s21 =	sshll.u32 @!p0 s13, $0x14  }
0x2d: {  	s18 =	sand.u32 @!p0 $0xFFC00, s18;
	s20 =	sshrl.u32 @!p0 s20, $0x3;
	s21 =	sadd.s32 @!p0 s3, s21  }
0x2e: {  	s18 =	sadd.s32 @!p0 s11, s18;
	s20 =	sadd.s32 @!p0 s20, s21;
	s21 =	sand.u32 @!p0 $0x7, s11  }
0x2f: {  	s19 =	sand.u32 @!p0 $0x4000, s19;
	s18 =	sand.u32 @!p0 $0xFFF80, s18;
	s21 =	sshll.u32 @!p0 s21, $0x12  }
0x30: {  	s18 =	sadd.s32 @!p0 s18, s20;
	s20 =	sor.u32 @!p0 $0x400, s21;
	s21 =	simm.s32 @!p0 $0x2000  }
0x31: {  	[tilespmem:s19], [sflag:$0x1] =	stream.strided.gather @!p0 [hbm4b:s18+s20], $0x4000, s21, s20, $0x38;
	[tilespmem:$0x10000] =	vst v63  }
0x32: {  	p0 =	sge.u32 s31, s7  }
.Ltmp2:
0x33: {  	_ = 	snop;
	(pc) =	sbr.rel @p0 .LBB1_5-.Ltmp2, $1  }
0x34: {  	_ =	sdelay $0x3  }
0x35: {  	s18 =	sand.u32 $0x4000, s10  }
0x36: {  	s19 =	sor.u32 $0x40, s18  }
0x37: {  	v1 =	vmov s19;
	_ =	sdelay $0x1  }
0x38: {  	_ =	swait.ge [sflag:s6], $0x4000  }
0x39: {  	[sflag:s6] =	ssyncset.done $0x0  }
0x3a: {  	s20 =	simm.s32 $0x0;
	[sflag:s6] =	ssyncadd.s32 $0xFFFFC000  }
0x3b: {  	s18 =	sor.u32 $0x8070, s18;
	v7 =	vld.idx.msk [tilespmem:v1+s20+$0x30 ss:$0x1], $0xffff  }
0x3c: {  	v0 =	vmov s18;
	v8 =	vld.idx.msk [tilespmem:v1+s20+$0xFFFFFFC0 ss:$0x1], $0xffff  }
0x3d: {  	v6 =	vld.idx.msk [tilespmem:v1+s20+$0xFFFFFFD0 ss:$0x1], $0xffff  }
0x3e: {  	v4 =	vld.idx.msk [tilespmem:v1+s20+$0xFFFFFFE0 ss:$0x1], $0xffff  }
0x3f: {  	v2 =	vld.idx.msk [tilespmem:v1+s20+$0xFFFFFFF0 ss:$0x1], $0xffff  }
0x40: {  	s31 =	sshll.u32 s14, $0xE;
	v3 =	vld.idx.msk [tilespmem:v1+s20+$0x0 ss:$0x1], $0xffff  }
0x41: {  	s18 =	sand.u32 $0x4000, s31;
	v5 =	vld.idx.msk [tilespmem:v1+s20+$0x10 ss:$0x1], $0xffff;
	[tilespmem:v0+s20+$0x0 ss:$0x1] =	vst.idx.msk $0xffff, v7  }
0x42: {  	s21 =	simm.s32 $0x400;
	s19 =	simm.s32 $0x80;
	s18 =	sor.u32 $0x8000, s18;
	[tilespmem:v0+s20+$0xFFFFFF90 ss:$0x1] =	vst.idx.msk $0xffff, v8;
	v7 =	vld.idx.msk [tilespmem:v1+s20+$0x20 ss:$0x1], $0xffff  }
.LBB1_3:
0x43: {  	p0 =	sne.s32 s21, $0xFE00;
	v8 =	vld.idx.msk [tilespmem:v1+s19+$0x30 ss:$0x1], $0xffff;
	[tilespmem:v0+s20+$0xFFFFFFA0 ss:$0x1] =	vst.idx.msk $0xffff, v6  }
0x44: {  	v9 =	vld.idx.msk [tilespmem:v1+s19+$0xFFFFFFC0 ss:$0x1], $0xffff;
	[tilespmem:v0+s20+$0xFFFFFFB0 ss:$0x1] =	vst.idx.msk $0xffff, v4  }
0x45: {  	v6 =	vld.idx.msk [tilespmem:v1+s19+$0xFFFFFFD0 ss:$0x1], $0xffff;
	[tilespmem:v0+s20+$0xFFFFFFC0 ss:$0x1] =	vst.idx.msk $0xffff, v2  }
.Ltmp3:
0x46: {  	v4 =	vld.idx.msk [tilespmem:v1+s19+$0xFFFFFFE0 ss:$0x1], $0xffff;
	[tilespmem:v0+s20+$0xFFFFFFD0 ss:$0x1] =	vst.idx.msk $0xffff, v3;
	(pc) =	sbr.rel @p0 .LBB1_3-.Ltmp3, $4  }
0x47: {  	v2 =	vld.idx.msk [tilespmem:v1+s19+$0xFFFFFFF0 ss:$0x1], $0xffff;
	[tilespmem:v0+s20+$0xFFFFFFE0 ss:$0x1] =	vst.idx.msk $0xffff, v5  }
0x48: {  	v3 =	vld.idx.msk [tilespmem:v1+s19+$0x0 ss:$0x1], $0xffff;
	[tilespmem:v0+s20+$0xFFFFFFF0 ss:$0x1] =	vst.idx.msk $0xffff, v7;
	s20 =	smov.u32 s19  }
0x49: {  	v5 =	vld.idx.msk [tilespmem:v1+s20+$0x10 ss:$0x1], $0xffff;
	[tilespmem:v0+s20+$0x0 ss:$0x1] =	vst.idx.msk $0xffff, v8  }
0x4a: {  	s19 =	sshra.s32 s21, $0x2;
	s21 =	sadd.s32 $0x200, s21;
	[tilespmem:v0+s20+$0xFFFFFF90 ss:$0x1] =	vst.idx.msk $0xffff, v9;
	v7 =	vld.idx.msk [tilespmem:v1+s20+$0x20 ss:$0x1], $0xffff  }
.Ltmp4:
0x4b: {  	_ = 	snop;
	(pc) =	sbr.rel .LBB1_4-.Ltmp4, $1  }
0x4c: {  	_ =	sdelay $0x3  }
.LBB1_6:
0x4d: {  	_ =	sfence.sel $0x180000  }
0x4e: {  	s2 =	simm.s32 $0x1;
	[bflag:$0x0] =	sbarrier.arrive $0xFFFF  }
0x4f: {  	s31 =	simm.s32 $0x2;
	[sflag:s2] =	ssyncpa.u1 $0x1  }
0x50: {  	[sflag:s31] =	ssyncpa.u1 $0x1  }
0x51: {  	p0 =	sne.s32 s0, $0x0;
	_ =	strace $0x9000004A  }
0x52: {  	s0 =	sadd.s32 @!p0 $0x100000, s1;
	[bflag:$0x2] =	sbarrier.arrive $0xFFFF  }
0x53: {  	[sflag:s0] =	ssyncadd.tile.s32 @!p0 $0x1;
	_ =	shalt  }
.Lfunc_end1:
_tile_overlayer_lowered:
.L_overlay_start_2:
0x54: {  	(tag) =	ssettag $0x2  }
0x55: {  	s0 =	rddreg [dreg:$0x0];
	s2 =	stileid.u32  }
0x56: {  	s1 =	rddreg [dreg:$0x1];
	p0 =	sne.s32 s2, $0x0  }
0x57: {  	s3 =	rddreg [dreg:$0x2];
	[bflag:$0x3] =	sbarrier.arrive $0xFFFF;
	s2 =	simm.s32 @!p0 $0x1C01  }
0x58: {  	[timem:s3], [sflag:s2] =	dma.local @!p0 [hbm:s0], s1  }
0x59: {  	s0 =	simm.s32 @!p0 $0x1  }
0x5a: {  	_ =	swait.ge @!p0 [sflag:s0], s1  }
0x5b: {  	s1 =	ssub.s32 @!p0 $0x0, s1;
	[sflag:s0] =	ssyncset.done @!p0 $0x0  }
0x5c: {  	[sflag:s0] =	ssyncadd.s32 @!p0 s1  }
0x5d: {  	[bflag:$0x3] =	sbarrier.arrive $0xFFFF  }
0x5e: {  	_ =	shalt  }

// kernel: sparse-core-data-format-call.cloned.1.call-start
scs
called_computation_lowered:
.L_overlay_start_0:
0x0: {  	s2 =	sld [smem:$0x3FD9]  }
0x1: {  	s3 =	sld [smem:$0x3FFE];
	_ =	sdelay $0x1  }
0x2: {  	s1 =	srdreg.scid  }
0x3: {  	s0 =	sand.u32 $0x1, s1  }
0x4: {  	s18 =	sshll.u32 s0, $0xA;
	s2 =	sadd.s32 s3, s2  }
0x5: {  	s2 =	sadd.s32 s2, s18  }
0x6: {  	[smem:$0x3FC6] =	sst s2  }
0x7: {  	_ = 	snop  }
0x8: {  	s2 =	sld [smem:$0x3FD0];
	(tm) =	ssettm $0x1  }
0x9: {  	s19 =	sld [smem:$0x3FFB];
	_ =	sdelay $0x3  }
0xa: {  	_ =	strace s19  }
0xb: {  	s3 =	sld [smem:$0x3FFC];
	_ =	sdelay $0x3  }
0xc: {  	_ =	strace s3  }
0xd: {  	s3 =	sld [smem:$0x3FFD];
	_ =	sdelay $0x3  }
0xe: {  	_ =	strace s3  }
0xf: {  	_ =	strace $0x8FFFFFFF  }
0x10: {  	s20 =	sld [smem:$0x3FDB];
	_ =	sdelay $0x1  }
0x11: {  	s4 =	simm.s32 $_scs_section_size  }
0x12: {  	s5 =	simm.s32 $_size__tile_overlayer_lowered;
	s6 =	simm.s32 $_tile_overlayer_lowered  }
0x13: {  	s23 =	simm.s32 $0x1BFF;
	s22 =	sshll.u32 s6, $0x1;
	s3 =	sadd.s32 s4, s20  }
0x14: {  	s7 =	simm.s32 $0x0;
	s21 =	sshll.u32 s5, $0x1;
	s5 =	sadd.s32 s22, s3  }
0x15: {  	[timem:s7], [sflag:s23] =	dma.local [hbm:s5], s21  }
0x16: {  	_ =	swait.ge [sflag:s23], s21  }
0x17: {  	s4 =	ssub.s32 $0x0, s21;
	[sflag:s23] =	ssyncset.done $0x0  }
0x18: {  	[sflag:s23] =	ssyncadd.s32 s4;
	_ =	sdelay $0x1  }
0x19: {  	s24 =	simm.s32 $0x1B8B  }
0x1a: {  	_ =	swait.ge [sflag:s24], $0x1  }
0x1b: {  	[sflag:s24] =	ssyncset.done $0x0  }
0x1c: {  	s26 =	simm.s32 $0x1B8E;
	s25 =	sld [smem:$0x3FFE];
	[sflag:s24] =	ssyncadd.s32 $0xFFFFFFFF  }
0x1d: {  	s27 =	simm.s32 $execute0_lowered;
	[smem:$0x3FD2] =	sst s26  }
0x1e: {  	s5 =	sshll.u32 s27, $0x1;
	_ =	strace $0x8000004F;
	[dreg:$0x1] =	wrdreg $0xFFFFFFFF  }
0x1f: {  	s28 =	simm.s32 $_size_execute0_lowered;
	s3 =	sadd.s32 s3, s5;
	[dreg:$0x0] =	wrdreg $0x0  }
0x20: {  	s5 =	sshll.u32 s28, $0x1;
	[dreg:$0x2] =	wrdreg s3  }
0x21: {  	[dreg:$0x3] =	wrdreg s5  }
0x22: {  	[dreg:$0x4] =	wrdreg $0xC0  }
0x23: {  	_ =	task [dreg:s7], $0x5FFFF  }
0x24: {  	[dreg:$0x1] =	wrdreg $0xFFFFFFFF  }
0x25: {  	[dreg:$0x0] =	wrdreg $0x60  }
0x26: {  	[dreg:$0x2] =	wrdreg s25  }
0x27: {  	[dreg:$0x3] =	wrdreg s2  }
0x28: {  	[dreg:$0x4] =	wrdreg $0x9  }
0x29: {  	_ =	task.clear_ibuf [dreg:s7], $0x5FFFF;
	_ =	strace $0x9000004F  }
0x2a: {  	s29 =	simm.s32 $0x9;
	_ =	strace $0x80000051  }
0x2b: {  	_ =	swait.ge [sflag:s29], $0x1  }
0x2c: {  	[sflag:s29] =	ssyncadd.s32 $0xFFFFFFFF  }
0x2d: {  	_ =	strace $0x90000051  }
0x2e: {  	_ =	sfence  }
0x2f: {  	s30 =	sld [smem:$0x0];
	_ =	sdelay $0x2  }
0x30: {  	s31 =	sshll.u32 s1, $0xD;
	s1 =	sshrl.u32 s1, $0x2  }
0x31: {  	s3 =	sand.u32 $0x4000, s31;
	s1 =	sadd.s32 s1, s30  }
0x32: {  	s0 =	sor.u32 s3, s0;
	s1 =	sshll.u32 s1, $0x11  }
0x33: {  	s0 =	sor.u32 s1, s0  }
0x34: {  	s0 =	sadd.s32 $0x8F2B, s0  }
0x35: {  	[sflag:s0] =	ssyncadd.remote.s32 $0x1  }
0x36: {  	_ =	sfence.sel $0xFFFF  }
0x37: {  	[dreg:$0x0] =	wrdreg $0xFFFFFFFF;
	(pc) =	sbr.abs _section_cstart, $3  }
0x38: {  	[dreg:$0x1] =	wrdreg $0xFFFFFFFF  }
0x39: {  	_ =	task.clear_ibuf [dreg:s7], $0x2FFFF;
	_ =	strace $0x9FFFFFFF  }
0x3a: {  	(tm) =	ssettm $0x7FFFFFFF  }
0x3b: {  	_ =	shalt  }
tec
execute0_lowered:
.L_overlay_start_1:
0x0: {  	(tag) =	ssettag $0x1  }
0x1: {  	s5 =	rddreg [dreg:$0x0]  }
0x2: {  	s0 =	srdreg.scid;
	s3 =	rddreg [dreg:$0x1];
	s7 =	simm.s32 $0x1  }
0x3: {  	s8 =	simm.s32 $0x2;
	s14 =	simm.s32 $0x0;
	s1 =	sshll.u32 s0, $0x4  }
0x4: {  	s9 =	simm.s32 $0x0;
	s0 =	stileid.u32;
	s1 =	sand.u32 $0x10, s1  }
0x5: {  	s15 =	simm.s32 $0x0;
	s16 =	simm.s32 $0x0;
	s1 =	sor.u32 s0, s1  }
0x6: {  	s10 =	simm.s32 $0x0;
	s11 =	simm.s32 $0x0;
	s2 =	sshll.u32 s1, $0x3  }
0x7: {  	s13 =	simm.s32 $0x0;
	s5 =	sadd.s32 $0x101000, s5;
	s6 =	ssub.s32 $0x2000, s2  }
.Ltmp0:
0x8: {  	s1 =	rddreg [dreg:$0x2];
	s4 =	sand.u32 $0xF8, s6;
	(pc) =	sbr.rel .LBB1_1-.Ltmp0, $4  }
0x9: {  	_ =	strace $0x80000050;
	p0 =	sne.s32 s4, $0x0;
	s4 =	simm.s32 $0x1  }
0xa: {  	s6 =	sshrl.u32 s6, $0x8;
	s7 =	simm.s32 @!p0 $0x0;
	[sflag:s4] =	ssyncpa.u1 $0x0  }
0xb: {  	s12 =	smov.u32 s2;
	s7 =	sadd.s32 s7, s6;
	[sflag:s8] =	ssyncpa.u1 $0x0  }
0xc: {  	s8 =	simm.s32 $0x800000;
	s6 =	sshll.u32 s7, $0x1;
	s7 =	sshllo.u32 s7, $0x1  }
.LBB1_7:
0xd: {  	s17 =	sadd.s32 $0x200, s10  }
0xe: {  	s14 =	sadd.s32 $0x4, s11;
	s18 =	smov.u32 s11;
	p1 =	sgt.s32 s17, $0x3FF  }
0xf: {  	s18 =	smov.u32 @p1 s14  }
0x10: {  	s20 =	smov.u32 s12;
	s14 =	sadd.s32 $0x100, s12;
	p2 =	sgt.s32 s18, $0x3  }
0x11: {  	s20 =	smov.u32 @p2 s14  }
0x12: {  	s17 =	simm.s32 @p1 $0x0;
	p1 =	sgt.s32 s20, $0x1FFF  }
0x13: {  	p0 =	slt.u32 s13, $0x2;
	s20 =	smov.u32 @p1 s2;
	p1 =	sne.s32 s13, s7  }
.Ltmp1:
0x14: {  	s19 =	simm.s32 @!p0 $0x2;
	(pc) =	sbr.rel @!p1 .LBB1_8-.Ltmp1, $4  }
0x15: {  	s15 =	smov.u32 s11;
	s16 =	smov.u32 s12;
	_ =	swait.ge @!p0 [sflag:s19], $0x4000  }
0x16: {  	s9 =	sadd.s32 $0x4000, s9;
	[sflag:s19] =	ssyncset.done @!p0 $0x0;
	s18 =	simm.s32 @p2 $0x0  }
0x17: {  	s14 =	smov.u32 s10;
	[sflag:s19] =	ssyncadd.s32 @!p0 $0xFFFFC000;
	s10 =	smov.u32 s17  }
0x18: {  	s11 =	smov.u32 s18;
	s13 =	sadd.s32 $0x1, s13;
	s12 =	smov.u32 s20  }
.LBB1_1:
0x19: {  	p0 =	sge.u32 s13, s6  }
0x1a: {  	s17 =	sshll.u32 @!p0 s11, $0x7  }
0x1b: {  	s18 =	sand.u32 @!p0 $0x78, s10;
	s19 =	sshll.u32 @!p0 s10, $0x2;
	s17 =	sand.u32 @!p0 $0x180, s17  }
0x1c: {  	s31 =	sadd.s32 $0xFFFFFFFF, s13;
	s19 =	sand.u32 @!p0 $0x200, s19;
	s17 =	sor.u32 @!p0 s17, s18  }
0x1d: {  	s18 =	sshll.u32 @!p0 s12, $0x9;
	s17 =	sor.u32 @!p0 s19, s17;
	s19 =	sshrl.u32 @!p0 s10, $0x1  }
0x1e: {  	s20 =	sxor.u32 @!p0 $0xFFFFFFFF, s13;
	s18 =	sadd.s32 @!p0 s5, s18;
	s19 =	sand.u32 @!p0 $0x180, s19  }
0x1f: {  	s20 =	sshll.u32 @!p0 s20, $0xE;
	s18 =	sadd.s32 @!p0 s19, s18;
	s19 =	sand.u32 @!p0 $0x7, s10  }
0x20: {  	s20 =	sand.u32 @!p0 $0x4000, s20;
	s17 =	sshrl.u32 @!p0 s17, $0x3;
	s19 =	sshll.u32 @!p0 s19, $0x12  }
0x21: {  	s17 =	sadd.s32 @!p0 s17, s18;
	s18 =	sor.u32 @!p0 $0x800, s19;
	s19 =	simm.s32 @!p0 $0x1000  }
0x22: {  	[tilespmem:s20], [sflag:$0x1] =	stream.strided.gather @!p0 [hbm4b:s17+s18], $0x4000, s19, s18, $0x38;
	[tilespmem:$0x10000] =	vst v63  }
0x23: {  	p0 =	sge.u32 s31, s6  }
.Ltmp2:
0x24: {  	_ = 	snop;
	(pc) =	sbr.rel @p0 .LBB1_7-.Ltmp2, $1  }
0x25: {  	_ =	sdelay $0x3  }
0x26: {  	s17 =	sshll.u32 s9, $0x2;
	_ =	swait.ge [sflag:s4], $0x4000;
	s31 =	sshll.u32 s13, $0xE  }
0x27: {  	s21 =	simm.s32 $0x0;
	s22 =	simm.s32 $0x0;
	s17 =	sand.u32 $0x10000, s17  }
0x28: {  	s23 =	simm.s32 $0x0;
	[sflag:s4] =	ssyncset.done $0x0;
	s20 =	sshrl.u32 s17, $0x2  }
0x29: {  	s17 =	sand.u32 $0x4000, s31;
	[sflag:s4] =	ssyncadd.s32 $0xFFFFC000;
	s18 =	sor.u32 $0x400, s20  }
0x2a: {  	s19 =	sor.u32 $0x8000, s20;
	s17 =	sor.u32 $0x8000, s17;
	s20 =	sadd.s32 $0x8C00, s20  }
.LBB1_3:
0x2b: {  	v0 =	vmov s19;
	v1 =	vld [tilespmem:s18+$0x270]  }
0x2c: {  	v2 =	vld [tilespmem:s18+$0xFFFFFC10]  }
0x2d: {  	v3 =	vld [tilespmem:s18+$0xFFFFFC20]  }
0x2e: {  	s24 =	sshll.u32 s22, $0x2;
	s25 =	sand.u32 $0x3, s21;
	v4 =	vld [tilespmem:s18+$0xFFFFFC30]  }
0x2f: {  	v5 =	vld [tilespmem:s18+$0xFFFFFC40];
	s26 =	sand.u32 $0xFFFFF800, s24;
	s25 =	sshll.u32 s25, $0x9;
	s24 =	simm.s32 $0x0  }
0x30: {  	v6 =	vld [tilespmem:s18+$0xFFFFFC50];
	s25 =	sor.u32 s25, s26;
	[tilespmem:v0+s24+$0xC70 ss:$0x1] =	vst.idx.msk $0xffff, v1  }
0x31: {  	v7 =	vld [tilespmem:s18+$0x220];
	s25 =	sshrl.u32 s25, $0x2;
	[tilespmem:v0+s24+$0x10 ss:$0x1] =	vst.idx.msk $0xffff, v2  }
0x32: {  	v8 =	vld [tilespmem:s18+$0x230];
	s25 =	sadd.s32 s25, s20;
	[tilespmem:v0+s24+$0x20 ss:$0x1] =	vst.idx.msk $0xffff, v3  }
0x33: {  	v1 =	vmov s25;
	[tilespmem:v0+s24+$0x30 ss:$0x1] =	vst.idx.msk $0xffff, v4;
	v4 =	vld [tilespmem:s18+$0xFFFFFE00]  }
0x34: {  	[tilespmem:v0+s24+$0x40 ss:$0x1] =	vst.idx.msk $0xffff, v5;
	v5 =	vld [tilespmem:s18+$0xFFFFFE10]  }
0x35: {  	[tilespmem:v0+s24+$0x50 ss:$0x1] =	vst.idx.msk $0xffff, v6;
	v6 =	vld [tilespmem:s18+$0xFFFFFE20]  }
0x36: {  	v2 =	vld [tilespmem:s18+$0xFFFFFC60];
	[tilespmem:v0+s24+$0xC20 ss:$0x1] =	vst.idx.msk $0xffff, v7  }
0x37: {  	v3 =	vld [tilespmem:s18+$0xFFFFFC70];
	[tilespmem:v0+s24+$0xC30 ss:$0x1] =	vst.idx.msk $0xffff, v8  }
0x38: {  	[tilespmem:v1+s24+$0xFFFFF800 ss:$0x1] =	vst.idx.msk $0xffff, v4;
	v4 =	vld [tilespmem:s18+$0xFFFFFE50]  }
0x39: {  	[tilespmem:v0+s24+$0x410 ss:$0x1] =	vst.idx.msk $0xffff, v5;
	v5 =	vld [tilespmem:s18+$0xFFFFFE60]  }
0x3a: {  	[tilespmem:v0+s24+$0x420 ss:$0x1] =	vst.idx.msk $0xffff, v6;
	v6 =	vld [tilespmem:s18+$0xFFFFFE70]  }
0x3b: {  	[tilespmem:v0+s24+$0x60 ss:$0x1] =	vst.idx.msk $0xffff, v2;
	v2 =	vld [tilespmem:s18+$0xFFFFFE30]  }
0x3c: {  	[tilespmem:v0+s24+$0x70 ss:$0x1] =	vst.idx.msk $0xffff, v3;
	v3 =	vld [tilespmem:s18+$0xFFFFFE40]  }
0x3d: {  	[tilespmem:v0+s24+$0x450 ss:$0x1] =	vst.idx.msk $0xffff, v4;
	v4 =	vld [tilespmem:s18+$0x20]  }
0x3e: {  	[tilespmem:v0+s24+$0x460 ss:$0x1] =	vst.idx.msk $0xffff, v5;
	v5 =	vld [tilespmem:s18+$0x30]  }
0x3f: {  	[tilespmem:v0+s24+$0x470 ss:$0x1] =	vst.idx.msk $0xffff, v6;
	v6 =	vld [tilespmem:s18+$0x40]  }
0x40: {  	[tilespmem:v0+s24+$0x430 ss:$0x1] =	vst.idx.msk $0xffff, v2;
	v2 =	vld [tilespmem:s18+$0x0]  }
0x41: {  	[tilespmem:v0+s24+$0x440 ss:$0x1] =	vst.idx.msk $0xffff, v3;
	v3 =	vld [tilespmem:s18+$0x10]  }
0x42: {  	[tilespmem:v0+s24+$0x820 ss:$0x1] =	vst.idx.msk $0xffff, v4;
	v4 =	vld [tilespmem:s18+$0x70]  }
0x43: {  	[tilespmem:v0+s24+$0x830 ss:$0x1] =	vst.idx.msk $0xffff, v5;
	v5 =	vld [tilespmem:s18+$0x200]  }
0x44: {  	[tilespmem:v0+s24+$0x840 ss:$0x1] =	vst.idx.msk $0xffff, v6;
	v6 =	vld [tilespmem:s18+$0x210]  }
0x45: {  	[tilespmem:v1+s24+$0xFFFFFC00 ss:$0x1] =	vst.idx.msk $0xffff, v2;
	v2 =	vld [tilespmem:s18+$0x50]  }
0x46: {  	[tilespmem:v0+s24+$0x810 ss:$0x1] =	vst.idx.msk $0xffff, v3;
	v3 =	vld [tilespmem:s18+$0x60]  }
0x47: {  	[tilespmem:v0+s24+$0x870 ss:$0x1] =	vst.idx.msk $0xffff, v4;
	v4 =	vld [tilespmem:s18+$0x240]  }
0x48: {  	[tilespmem:v1+s24+$0x0 ss:$0x1] =	vst.idx.msk $0xffff, v5;
	v5 =	vld [tilespmem:s18+$0x250]  }
0x49: {  	[tilespmem:v0+s24+$0xC10 ss:$0x1] =	vst.idx.msk $0xffff, v6;
	v6 =	vld [tilespmem:s18+$0x260]  }
0x4a: {  	s25 =	sadd.s32 $0x80, s18;
	[tilespmem:v0+s24+$0x850 ss:$0x1] =	vst.idx.msk $0xffff, v2;
	v2 =	vld [tilespmem:s18+$0xFFFFFC00]  }
0x4b: {  	s27 =	simm.s32 $0x8000;
	s26 =	simm.s32 $0x4000;
	[tilespmem:v0+s24+$0x860 ss:$0x1] =	vst.idx.msk $0xffff, v3;
	v3 =	vld [tilespmem:s25+$0x270]  }
.LBB1_4:
0x4c: {  	p0 =	sne.s32 s27, $0xC000;
	v7 =	vld [tilespmem:s25+$0xFFFFFC10];
	[tilespmem:v0+s24+$0xC40 ss:$0x1] =	vst.idx.msk $0xffff, v4  }
0x4d: {  	v4 =	vld [tilespmem:s25+$0xFFFFFC20];
	[tilespmem:v0+s24+$0xC50 ss:$0x1] =	vst.idx.msk $0xffff, v5  }
0x4e: {  	v5 =	vld [tilespmem:s25+$0xFFFFFC30];
	[tilespmem:v0+s24+$0xC60 ss:$0x1] =	vst.idx.msk $0xffff, v6  }
0x4f: {  	v6 =	vld [tilespmem:s25+$0xFFFFFC40];
	[tilespmem:v0+s24+$0x0 ss:$0x1] =	vst.idx.msk $0xffff, v2;
	s24 =	sshra.s32 s26, $0x2;
	s26 =	smov.u32 s27  }
0x50: {  	v2 =	vld [tilespmem:s25+$0xFFFFFC50];
	[tilespmem:v0+s24+$0xC70 ss:$0x1] =	vst.idx.msk $0xffff, v3  }
0x51: {  	[tilespmem:v0+s24+$0x10 ss:$0x1] =	vst.idx.msk $0xffff, v7;
	v3 =	vld [tilespmem:s25+$0xFFFFFC60]  }
0x52: {  	[tilespmem:v0+s24+$0x20 ss:$0x1] =	vst.idx.msk $0xffff, v4;
	v4 =	vld [tilespmem:s25+$0xFFFFFC70]  }
0x53: {  	[tilespmem:v0+s24+$0x30 ss:$0x1] =	vst.idx.msk $0xffff, v5;
	v5 =	vld [tilespmem:s25+$0xFFFFFE00]  }
0x54: {  	[tilespmem:v0+s24+$0x40 ss:$0x1] =	vst.idx.msk $0xffff, v6;
	v6 =	vld [tilespmem:s25+$0xFFFFFE10]  }
0x55: {  	[tilespmem:v0+s24+$0x50 ss:$0x1] =	vst.idx.msk $0xffff, v2;
	v2 =	vld [tilespmem:s25+$0xFFFFFE20]  }
0x56: {  	[tilespmem:v0+s24+$0x60 ss:$0x1] =	vst.idx.msk $0xffff, v3;
	v3 =	vld [tilespmem:s25+$0xFFFFFE30]  }
0x57: {  	[tilespmem:v0+s24+$0x70 ss:$0x1] =	vst.idx.msk $0xffff, v4;
	v4 =	vld [tilespmem:s25+$0xFFFFFE40]  }
0x58: {  	[tilespmem:v1+s24+$0xFFFFF800 ss:$0x1] =	vst.idx.msk $0xffff, v5;
	v5 =	vld [tilespmem:s25+$0xFFFFFE50]  }
0x59: {  	[tilespmem:v0+s24+$0x410 ss:$0x1] =	vst.idx.msk $0xffff, v6;
	v6 =	vld [tilespmem:s25+$0xFFFFFE60]  }
0x5a: {  	[tilespmem:v0+s24+$0x420 ss:$0x1] =	vst.idx.msk $0xffff, v2;
	v2 =	vld [tilespmem:s25+$0xFFFFFE70]  }
0x5b: {  	[tilespmem:v0+s24+$0x430 ss:$0x1] =	vst.idx.msk $0xffff, v3;
	v3 =	vld [tilespmem:s25+$0x0]  }
0x5c: {  	[tilespmem:v0+s24+$0x440 ss:$0x1] =	vst.idx.msk $0xffff, v4;
	v4 =	vld [tilespmem:s25+$0x10]  }
0x5d: {  	[tilespmem:v0+s24+$0x450 ss:$0x1] =	vst.idx.msk $0xffff, v5;
	v5 =	vld [tilespmem:s25+$0x20]  }
0x5e: {  	[tilespmem:v0+s24+$0x460 ss:$0x1] =	vst.idx.msk $0xffff, v6;
	v6 =	vld [tilespmem:s25+$0x30]  }
0x5f: {  	[tilespmem:v0+s24+$0x470 ss:$0x1] =	vst.idx.msk $0xffff, v2;
	v2 =	vld [tilespmem:s25+$0x40]  }
0x60: {  	[tilespmem:v1+s24+$0xFFFFFC00 ss:$0x1] =	vst.idx.msk $0xffff, v3;
	v3 =	vld [tilespmem:s25+$0x50]  }
0x61: {  	[tilespmem:v0+s24+$0x810 ss:$0x1] =	vst.idx.msk $0xffff, v4;
	v4 =	vld [tilespmem:s25+$0x60]  }
0x62: {  	[tilespmem:v0+s24+$0x820 ss:$0x1] =	vst.idx.msk $0xffff, v5;
	v5 =	vld [tilespmem:s25+$0x70]  }
0x63: {  	[tilespmem:v0+s24+$0x830 ss:$0x1] =	vst.idx.msk $0xffff, v6;
	v6 =	vld [tilespmem:s25+$0x200]  }
0x64: {  	[tilespmem:v0+s24+$0x840 ss:$0x1] =	vst.idx.msk $0xffff, v2;
	v2 =	vld [tilespmem:s25+$0x210]  }
0x65: {  	[tilespmem:v0+s24+$0x850 ss:$0x1] =	vst.idx.msk $0xffff, v3;
	v3 =	vld [tilespmem:s25+$0x220]  }
0x66: {  	[tilespmem:v0+s24+$0x860 ss:$0x1] =	vst.idx.msk $0xffff, v4;
	v7 =	vld [tilespmem:s25+$0x230]  }
.Ltmp3:
0x67: {  	[tilespmem:v0+s24+$0x870 ss:$0x1] =	vst.idx.msk $0xffff, v5;
	v4 =	vld [tilespmem:s25+$0x240];
	(pc) =	sbr.rel @p0 .LBB1_4-.Ltmp3, $4  }
0x68: {  	[tilespmem:v1+s24+$0x0 ss:$0x1] =	vst.idx.msk $0xffff, v6;
	v5 =	vld [tilespmem:s25+$0x250]  }
0x69: {  	[tilespmem:v0+s24+$0xC10 ss:$0x1] =	vst.idx.msk $0xffff, v2;
	v6 =	vld [tilespmem:s25+$0x260]  }
0x6a: {  	v2 =	vld [tilespmem:s25+$0xFFFFFC00];
	[tilespmem:v0+s24+$0xC20 ss:$0x1] =	vst.idx.msk $0xffff, v3;
	s25 =	sadd.s32 $0x80, s25  }
0x6b: {  	s27 =	sadd.s32 $0x4000, s27;
	v3 =	vld [tilespmem:s25+$0x270];
	[tilespmem:v0+s24+$0xC30 ss:$0x1] =	vst.idx.msk $0xffff, v7  }
0x6c: {  	_ =	sdelay $0x3  }
0x6d: {  	v7 =	vld [tilespmem:s25+$0xFFFFFC10];
	[tilespmem:v0+s24+$0xC40 ss:$0x1] =	vst.idx.msk $0xffff, v4  }
0x6e: {  	v34 =	vld [tilespmem:s25+$0xFFFFFC20];
	[tilespmem:v0+s24+$0xC50 ss:$0x1] =	vst.idx.msk $0xffff, v5  }
0x6f: {  	v35 =	vld [tilespmem:s25+$0xFFFFFC30];
	[tilespmem:v0+s24+$0xC60 ss:$0x1] =	vst.idx.msk $0xffff, v6  }
0x70: {  	s26 =	sshra.s32 s26, $0x2;
	v36 =	vld [tilespmem:s25+$0xFFFFFC40];
	[tilespmem:v0+s24+$0x0 ss:$0x1] =	vst.idx.msk $0xffff, v2  }
0x71: {  	v37 =	vld [tilespmem:s25+$0xFFFFFC50];
	[tilespmem:v0+s26+$0xC70 ss:$0x1] =	vst.idx.msk $0xffff, v3  }
0x72: {  	v38 =	vld [tilespmem:s25+$0xFFFFFC60];
	[tilespmem:v0+s26+$0x10 ss:$0x1] =	vst.idx.msk $0xffff, v7  }
0x73: {  	v39 =	vld [tilespmem:s25+$0xFFFFFC70];
	[tilespmem:v0+s26+$0x20 ss:$0x1] =	vst.idx.msk $0xffff, v34  }
0x74: {  	v40 =	vld [tilespmem:s25+$0xFFFFFE00];
	[tilespmem:v0+s26+$0x30 ss:$0x1] =	vst.idx.msk $0xffff, v35  }
0x75: {  	v41 =	vld [tilespmem:s25+$0xFFFFFE10];
	[tilespmem:v0+s26+$0x40 ss:$0x1] =	vst.idx.msk $0xffff, v36  }
0x76: {  	v42 =	vld [tilespmem:s25+$0xFFFFFE20];
	[tilespmem:v0+s26+$0x50 ss:$0x1] =	vst.idx.msk $0xffff, v37  }
0x77: {  	v43 =	vld [tilespmem:s25+$0xFFFFFE30];
	[tilespmem:v0+s26+$0x60 ss:$0x1] =	vst.idx.msk $0xffff, v38  }
0x78: {  	v44 =	vld [tilespmem:s25+$0xFFFFFE40];
	[tilespmem:v0+s26+$0x70 ss:$0x1] =	vst.idx.msk $0xffff, v39  }
0x79: {  	v45 =	vld [tilespmem:s25+$0xFFFFFE50];
	[tilespmem:v1+s26+$0xFFFFF800 ss:$0x1] =	vst.idx.msk $0xffff, v40  }
0x7a: {  	v46 =	vld [tilespmem:s25+$0xFFFFFE60];
	[tilespmem:v0+s26+$0x410 ss:$0x1] =	vst.idx.msk $0xffff, v41  }
0x7b: {  	v47 =	vld [tilespmem:s25+$0xFFFFFE70];
	[tilespmem:v0+s26+$0x420 ss:$0x1] =	vst.idx.msk $0xffff, v42  }
0x7c: {  	v48 =	vld [tilespmem:s25+$0x0];
	[tilespmem:v0+s26+$0x430 ss:$0x1] =	vst.idx.msk $0xffff, v43  }
0x7d: {  	v49 =	vld [tilespmem:s25+$0x10];
	[tilespmem:v0+s26+$0x440 ss:$0x1] =	vst.idx.msk $0xffff, v44  }
0x7e: {  	v50 =	vld [tilespmem:s25+$0x20];
	[tilespmem:v0+s26+$0x450 ss:$0x1] =	vst.idx.msk $0xffff, v45  }
0x7f: {  	v51 =	vld [tilespmem:s25+$0x30];
	[tilespmem:v0+s26+$0x460 ss:$0x1] =	vst.idx.msk $0xffff, v46  }
0x80: {  	v52 =	vld [tilespmem:s25+$0x40];
	[tilespmem:v0+s26+$0x470 ss:$0x1] =	vst.idx.msk $0xffff, v47  }
0x81: {  	v53 =	vld [tilespmem:s25+$0x50];
	[tilespmem:v1+s26+$0xFFFFFC00 ss:$0x1] =	vst.idx.msk $0xffff, v48  }
0x82: {  	v54 =	vld [tilespmem:s25+$0x60];
	[tilespmem:v0+s26+$0x810 ss:$0x1] =	vst.idx.msk $0xffff, v49  }
0x83: {  	v55 =	vld [tilespmem:s25+$0x70];
	[tilespmem:v0+s26+$0x820 ss:$0x1] =	vst.idx.msk $0xffff, v50  }
0x84: {  	v56 =	vld [tilespmem:s25+$0x200];
	[tilespmem:v0+s26+$0x830 ss:$0x1] =	vst.idx.msk $0xffff, v51  }
0x85: {  	v57 =	vld [tilespmem:s25+$0x210];
	[tilespmem:v0+s26+$0x840 ss:$0x1] =	vst.idx.msk $0xffff, v52  }
0x86: {  	v58 =	vld [tilespmem:s25+$0x220];
	[tilespmem:v0+s26+$0x850 ss:$0x1] =	vst.idx.msk $0xffff, v53  }
0x87: {  	v59 =	vld [tilespmem:s25+$0x230];
	[tilespmem:v0+s26+$0x860 ss:$0x1] =	vst.idx.msk $0xffff, v54  }
0x88: {  	v60 =	vld [tilespmem:s25+$0x240];
	[tilespmem:v0+s26+$0x870 ss:$0x1] =	vst.idx.msk $0xffff, v55  }
0x89: {  	v61 =	vld [tilespmem:s25+$0x250];
	[tilespmem:v1+s26+$0x0 ss:$0x1] =	vst.idx.msk $0xffff, v56  }
0x8a: {  	v62 =	vld [tilespmem:s25+$0x260];
	s23 =	sadd.s32 $0x1, s23;
	[tilespmem:v0+s26+$0xC10 ss:$0x1] =	vst.idx.msk $0xffff, v57  }
0x8b: {  	v63 =	vld [tilespmem:s25+$0xFFFFFC00];
	p0 =	sne.s32 s23, $0x8;
	[tilespmem:v0+s26+$0xC20 ss:$0x1] =	vst.idx.msk $0xffff, v58  }
.Ltmp4:
0x8c: {  	[tilespmem:v0+s26+$0xC30 ss:$0x1] =	vst.idx.msk $0xffff, v59;
	(pc) =	sbr.rel @p0 .LBB1_3-.Ltmp4, $4  }
0x8d: {  	[tilespmem:v0+s26+$0xC40 ss:$0x1] =	vst.idx.msk $0xffff, v60  }
0x8e: {  	[tilespmem:v0+s26+$0xC50 ss:$0x1] =	vst.idx.msk $0xffff, v61  }
0x8f: {  	s18 =	sadd.s32 $0x800, s18;
	[tilespmem:v0+s26+$0xC60 ss:$0x1] =	vst.idx.msk $0xffff, v62  }
0x90: {  	s22 =	sadd.s32 $0x80, s22;
	s21 =	sadd.s32 $0x1, s21;
	s19 =	sadd.s32 $0x80, s19;
	[tilespmem:v0+s26+$0x0 ss:$0x1] =	vst.idx.msk $0xffff, v63  }
0x91: {  	s16 =	sshll.u32 s16, $0x7;
	s18 =	sand.u32 $0x78, s14  }
0x92: {  	s15 =	sshll.u32 s15, $0x14;
	s31 =	sand.u32 $0x7, s14;
	s19 =	sand.u32 $0x380, s16  }
.Ltmp5:
0x93: {  	s16 =	sand.u32 $0xFFC00, s16;
	s18 =	sor.u32 s19, s18;
	(pc) =	sbr.rel .LBB1_7-.Ltmp5, $4  }
0x94: {  	s15 =	sadd.s32 s3, s15;
	s16 =	sadd.s32 s14, s16;
	s18 =	sshrl.u32 s18, $0x3  }
0x95: {  	s14 =	sshll.u32 s31, $0x12;
	s16 =	sand.u32 $0xFFF80, s16;
	s15 =	sadd.s32 s18, s15  }
0x96: {  	s14 =	sor.u32 $0x1000, s14;
	s15 =	sadd.s32 s16, s15  }
0x97: {  	[hbm4b:s15+s14] =	stream.strided.scatter [tilespmem:s17], [sflag:$0x2], $0x4000, s8, s14, $0x38;
	[tilespmem:$0x10000] =	vst v63  }
.LBB1_8:
0x98: {  	_ =	sfence.sel $0x180000  }
0x99: {  	s2 =	simm.s32 $0x1;
	[bflag:$0x0] =	sbarrier.arrive $0xFFFF  }
0x9a: {  	s31 =	simm.s32 $0x2;
	[sflag:s2] =	ssyncpa.u1 $0x1  }
0x9b: {  	[sflag:s31] =	ssyncpa.u1 $0x1  }
0x9c: {  	p0 =	sne.s32 s0, $0x0;
	_ =	strace $0x90000050  }
0x9d: {  	s0 =	sadd.s32 @!p0 $0x100000, s1;
	[bflag:$0x2] =	sbarrier.arrive $0xFFFF  }
0x9e: {  	[sflag:s0] =	ssyncadd.tile.s32 @!p0 $0x1;
	_ =	shalt  }
.Lfunc_end1:
_tile_overlayer_lowered:
.L_overlay_start_2:
0x9f: {  	(tag) =	ssettag $0x2  }
0xa0: {  	s0 =	rddreg [dreg:$0x0];
	s2 =	stileid.u32  }
0xa1: {  	s1 =	rddreg [dreg:$0x1];
	p0 =	sne.s32 s2, $0x0  }
0xa2: {  	s3 =	rddreg [dreg:$0x2];
	[bflag:$0x3] =	sbarrier.arrive $0xFFFF;
	s2 =	simm.s32 @!p0 $0x1C01  }
0xa3: {  	[timem:s3], [sflag:s2] =	dma.local @!p0 [hbm:s0], s1  }
0xa4: {  	s0 =	simm.s32 @!p0 $0x1  }
0xa5: {  	_ =	swait.ge @!p0 [sflag:s0], s1  }
0xa6: {  	s1 =	ssub.s32 @!p0 $0x0, s1;
	[sflag:s0] =	ssyncset.done @!p0 $0x0  }
0xa7: {  	[sflag:s0] =	ssyncadd.s32 @!p0 s1  }
0xa8: {  	[bflag:$0x3] =	sbarrier.arrive $0xFFFF  }
0xa9: {  	_ =	shalt  }

</sc_bundles>
